<compile_context>
chip_gen: v7x
topology: tpu7x:2x2x1
jax: 0.10.2.dev20260603
libtpu: 0.0.44.dev20260713+nightly
codegen_flags: <defaults>
</compile_context>

<pallas_src>
import functools

import jax
import jax.numpy as jnp
from jax import lax
from jax.experimental import pallas as pl
from jax.experimental.pallas import tpu as pltpu
from jax.experimental.pallas import tpu_sc as plsc

N = 10000
D = 128
H = 128
C = 121

NC = 2
NS = 16
NW = NC * NS
LANES = 16

NP = 10112
RPT = NP // NS
CH = 128
E_TOT = 320000 + N
NCHUNK = -(-E_TOT // (NW * CH))
E_PAD = NCHUNK * CH * NW
K0 = 110
K1 = 2 * NCHUNK - K0
KMAX = max(K0, K1)

@functools.cache
def _sc_kernels():
    mesh = plsc.VectorSubcoreMesh(core_axis_name="c", subcore_axis_name="s",
                                  num_cores=NC, num_subcores=NS)

    @functools.partial(
        pl.kernel,
        out_type=jax.ShapeDtypeStruct((NC, NP, LANES), jnp.float32),
        mesh=mesh,
        scratch_types=[
            pltpu.VMEM((KMAX, 2, CH), jnp.int32),
            pltpu.VMEM((CH, LANES), jnp.float32),
            pltpu.VMEM_SHARED((NP, LANES), jnp.float32),
            pltpu.SemaphoreType.DMA,
        ],
    )
    def _deg(edges_hbm, zeros_hbm, ones_hbm, out_hbm, idx_all, ones_v, acc, sem):
        c = lax.axis_index("c")
        s = lax.axis_index("s")
        wid = s * NC + c
        kb = jnp.where(c == 0, K0, K1)
        rbase = s * RPT
        pltpu.sync_copy(ones_hbm, ones_v)
        pltpu.sync_copy(edges_hbm.at[wid], idx_all)
        pltpu.sync_copy(zeros_hbm.at[pl.ds(rbase, RPT)], acc.at[pl.ds(rbase, RPT)])
        plsc.subcore_barrier()

        def body(j, carry):
            pltpu.sync_copy(ones_v, acc.at[idx_all.at[j, 1]], add=True)
            return carry

        lax.fori_loop(0, kb, body, 0)
        plsc.subcore_barrier()
        pltpu.sync_copy(acc.at[pl.ds(rbase, RPT)], out_hbm.at[c, pl.ds(rbase, RPT)])

    NB = 2
    NIB = 4

    @functools.partial(
        pl.kernel,
        out_type=jax.ShapeDtypeStruct((NC, NP, H), jnp.float32),
        mesh=mesh,
        scratch_types=[
            pltpu.VMEM((NIB, 2, CH), jnp.int32),
            pltpu.VMEM((NB, CH, H), jnp.float32),
            pltpu.VMEM_SHARED((NP, H), jnp.float32),
            pltpu.SemaphoreType.DMA,
            pltpu.SemaphoreType.DMA,
            pltpu.SemaphoreType.DMA,
        ],
    )
    def _agg(g_hbm, edges_hbm, zeros_hbm, out_hbm,
             idx_v, rows_v, acc, semi, semg, sems):
        c = lax.axis_index("c")
        s = lax.axis_index("s")
        wid = s * NC + c
        kb = jnp.where(c == 0, K0, K1)
        rbase = s * RPT
        pltpu.sync_copy(zeros_hbm.at[pl.ds(rbase, RPT)], acc.at[pl.ds(rbase, RPT)])
        for j0 in range(NIB):
            pltpu.async_copy(edges_hbm.at[wid, j0], idx_v.at[j0], semi)
        plsc.subcore_barrier()
        for j0 in range(NB):
            pltpu.make_async_copy(edges_hbm.at[wid, j0], idx_v.at[j0], semi).wait()
            pltpu.async_copy(g_hbm.at[idx_v.at[j0, 0]], rows_v.at[j0], semg)

        def body(j, carry):
            b = j % NB
            i = j % NIB
            pltpu.make_async_copy(g_hbm.at[pl.ds(0, CH)], rows_v.at[b], semg).wait()

            pltpu.sync_copy(rows_v.at[b], acc.at[idx_v.at[i, 1]], add=True)

            @pl.when(j + NIB < kb)
            def _():
                pltpu.async_copy(edges_hbm.at[wid, j + NIB], idx_v.at[i], semi)

            @pl.when(j + NB < kb)
            def _():
                pltpu.make_async_copy(edges_hbm.at[wid, 0], idx_v.at[i], semi).wait()
                pltpu.async_copy(g_hbm.at[idx_v.at[(j + NB) % NIB, 0]], rows_v.at[b], semg)

            return carry

        lax.fori_loop(0, kb, body, 0)
        plsc.subcore_barrier()
        pltpu.sync_copy(acc.at[pl.ds(rbase, RPT)], out_hbm.at[c, pl.ds(rbase, RPT)])

    return _deg, _agg



R = 1000
_GRID = N // R


def _tc0_body(deg_ref, x_ref, w_ref, dinv_ref, g_ref):
    deg = deg_ref[0, :, 0:1] + deg_ref[1, :, 0:1]
    dinv = lax.rsqrt(deg)
    dinv_ref[...] = dinv
    h = jnp.dot(x_ref[...], w_ref[...], preferred_element_type=jnp.float32)
    g_ref[...] = h * dinv


def _tc0(degp, x, w0):
    return pl.pallas_call(
        _tc0_body,
        grid=(_GRID,),
        in_specs=[
            pl.BlockSpec((NC, R, LANES), lambda i: (0, i, 0)),
            pl.BlockSpec((R, D), lambda i: (i, 0)),
            pl.BlockSpec((D, H), lambda i: (0, 0)),
        ],
        out_specs=[
            pl.BlockSpec((R, 1), lambda i: (i, 0)),
            pl.BlockSpec((R, H), lambda i: (i, 0)),
        ],
        out_shape=[
            jax.ShapeDtypeStruct((N, 1), jnp.float32),
            jax.ShapeDtypeStruct((N, H), jnp.float32),
        ],
    )(degp, x, w0)


def _tcmid_body(sp_ref, dinv_ref, b_ref, w_ref, g_ref):
    dinv = dinv_ref[...]
    ssum = sp_ref[0] + sp_ref[1]
    y = jnp.maximum(ssum * dinv + b_ref[...], 0.0)
    g_ref[...] = jnp.dot(y, w_ref[...], preferred_element_type=jnp.float32) * dinv


def _tcmid(sp, dinv, b, w):
    return pl.pallas_call(
        _tcmid_body,
        grid=(_GRID,),
        in_specs=[
            pl.BlockSpec((NC, R, H), lambda i: (0, i, 0)),
            pl.BlockSpec((R, 1), lambda i: (i, 0)),
            pl.BlockSpec((1, H), lambda i: (0, 0)),
            pl.BlockSpec((H, H), lambda i: (0, 0)),
        ],
        out_specs=pl.BlockSpec((R, H), lambda i: (i, 0)),
        out_shape=jax.ShapeDtypeStruct((N, H), jnp.float32),
    )(sp, dinv, b, w)


def _tcfinal_body(sp_ref, dinv_ref, b2_ref, w1_ref, b1_ref, w2_ref, b2f_ref, w3_ref, b3_ref, out_ref):
    dinv = dinv_ref[...]
    y = jnp.maximum((sp_ref[0] + sp_ref[1]) * dinv + b2_ref[...], 0.0)
    z = jnp.maximum(jnp.dot(y, w1_ref[...], preferred_element_type=jnp.float32) + b1_ref[...], 0.0)
    z = jnp.maximum(jnp.dot(z, w2_ref[...], preferred_element_type=jnp.float32) + b2f_ref[...], 0.0)
    out_ref[...] = jnp.dot(z, w3_ref[...], preferred_element_type=jnp.float32) + b3_ref[...]


def _tcfinal(sp, dinv, b2, fc1W, fc1b, fc2W, fc2b, fc3Wp, fc3bp):
    return pl.pallas_call(
        _tcfinal_body,
        grid=(_GRID,),
        in_specs=[
            pl.BlockSpec((NC, R, H), lambda i: (0, i, 0)),
            pl.BlockSpec((R, 1), lambda i: (i, 0)),
            pl.BlockSpec((1, H), lambda i: (0, 0)),
            pl.BlockSpec((H, H), lambda i: (0, 0)),
            pl.BlockSpec((1, H), lambda i: (0, 0)),
            pl.BlockSpec((H, H), lambda i: (0, 0)),
            pl.BlockSpec((1, H), lambda i: (0, 0)),
            pl.BlockSpec((H, 128), lambda i: (0, 0)),
            pl.BlockSpec((1, 128), lambda i: (0, 0)),
        ],
        out_specs=pl.BlockSpec((R, 128), lambda i: (i, 0)),
        out_shape=jax.ShapeDtypeStruct((N, 128), jnp.float32),
    )(sp, dinv, b2, fc1W, fc1b, fc2W, fc2b, fc3Wp, fc3bp)



def kernel(x, edge_index, convW0, convb0, convW1, convb1, convW2, convb2,
           fc1W, fc1b, fc2W, fc2b, fc3W, fc3b, TRAIN=False):
    del TRAIN
    loop = jnp.arange(N, dtype=jnp.int32)
    pad = E_PAD - E_TOT

    def _layout(flat):
        e0 = flat[:NS * K0 * CH].reshape(NS, K0, CH)
        e1 = flat[NS * K0 * CH:].reshape(NS, K1, CH)
        e0 = jnp.pad(e0, ((0, 0), (0, KMAX - K0), (0, 0)))
        e1 = jnp.pad(e1, ((0, 0), (0, KMAX - K1), (0, 0)))
        return jnp.stack([e0, e1], axis=1).reshape(NW, KMAX, CH)

    trash = N + (jnp.arange(pad, dtype=jnp.int32) % (NP - N))
    srcp = _layout(jnp.concatenate([edge_index[0], loop, jnp.zeros((pad,), jnp.int32)]))
    dstp = _layout(jnp.concatenate([edge_index[1], loop, trash]))
    edges = jnp.stack([srcp, dstp], axis=2)

    zeros_w = jnp.zeros((NP, H), jnp.float32)
    zeros_l = jnp.zeros((NP, LANES), jnp.float32)
    ones_l = jnp.ones((CH, LANES), jnp.float32)

    _deg, _agg = _sc_kernels()
    degp = _deg(edges, zeros_l, ones_l)
    dinv, g = _tc0(degp, x, convW0)
    for (b_prev, w_next) in ((convb0, convW1), (convb1, convW2)):
        sp = _agg(g, edges, zeros_w)
        g = _tcmid(sp, dinv, b_prev.reshape(1, H), w_next)
    sp = _agg(g, edges, zeros_w)

    fc3Wp = jnp.pad(fc3W, ((0, 0), (0, 128 - C)))
    fc3bp = jnp.pad(fc3b, (0, 128 - C)).reshape(1, 128)
    out = _tcfinal(sp, dinv, convb2.reshape(1, H), fc1W, fc1b.reshape(1, H),
                   fc2W, fc2b.reshape(1, H), fc3Wp, fc3bp)
    return out[:, :C]

# --- scband reference (transcript-rebuilt; emitter-appended) ---
"""Pipeline reference for scband-net-60129542660 (READ-ONLY COPY).

The authoritative reference and input builder live on the scoring server;
editing this copy changes nothing except your own understanding.
"""

import jax, jax.numpy as jnp
import numpy as np

N = 10000
E = 320000
D = 128
H = 128
C = 121


def setup_inputs(seed: int = 0) -> dict:
    key = jax.random.key(seed)
    ks = jax.random.split(key, 16)
    x = jax.random.normal(ks[0], (N, D), dtype=jnp.float32)
    edge_index = jax.random.randint(ks[1], (2, E), 0, N, dtype=jnp.int32)
    def lin(k, fan_in, fan_out):
        return jax.random.normal(k, (fan_in, fan_out), dtype=jnp.float32) * (1.0 / np.sqrt(fan_in))
    return {
        'x': x,
        'edge_index': edge_index,
        'convW0': lin(ks[2], D, H), 'convb0': jnp.zeros((H,), jnp.float32),
        'convW1': lin(ks[3], H, H), 'convb1': jnp.zeros((H,), jnp.float32),
        'convW2': lin(ks[4], H, H), 'convb2': jnp.zeros((H,), jnp.float32),
        'fc1W': lin(ks[5], H, H), 'fc1b': jnp.zeros((H,), jnp.float32),
        'fc2W': lin(ks[6], H, H), 'fc2b': jnp.zeros((H,), jnp.float32),
        'fc3W': lin(ks[7], H, C), 'fc3b': jnp.zeros((C,), jnp.float32),
        'TRAIN': False,
    }


def _gcn_conv(y, edge_index, W, b, num_nodes):
    # GCNConv: add self-loops, symmetric normalization, linear transform, scatter-add aggregation
    src = edge_index[0]
    dst = edge_index[1]
    loop = jnp.arange(num_nodes, dtype=src.dtype)
    src = jnp.concatenate([src, loop])
    dst = jnp.concatenate([dst, loop])
    deg = jnp.zeros((num_nodes,), jnp.float32).at[dst].add(1.0)
    dinv = jnp.where(deg > 0, 1.0 / jnp.sqrt(deg), 0.0)
    norm = dinv[src] * dinv[dst]
    h = y @ W
    msg = h[src] * norm[:, None]
    out = jnp.zeros((num_nodes, W.shape[1]), jnp.float32).at[dst].add(msg)
    return out + b


def reference(x, edge_index, convW0, convb0, convW1, convb1, convW2, convb2, fc1W, fc1b, fc2W, fc2b, fc3W, fc3b, TRAIN=False):
    # eval path (TRAIN == False): every layer uses full edge_index
    num_nodes = x.shape[0]
    y = x
    for (W, b) in ((convW0, convb0), (convW1, convb1), (convW2, convb2)):
        y = jax.nn.relu(_gcn_conv(y, edge_index, W, b, num_nodes))
    y = jax.nn.relu(y @ fc1W + fc1b)
    y = jax.nn.relu(y @ fc2W + fc2b)
    y = y @ fc3W + fc3b
    return y

if __name__ == "__main__":
    import jax
    _d = setup_inputs()
    print(jax.jit(kernel)(*tuple(_d.values())))

</pallas_src>

<mosaic_0001>
#map = affine_map<(d0, d1) -> (0, 0, 0, 0)>
#map1 = affine_map<(d0, d1) -> (0, 0)>
#map2 = affine_map<(d0, d1) -> (0, 0, 0)>
module attributes {stable_mosaic.version = 14 : i64} {
  func.func @_deg(%arg0: i32, %arg1: i32, %arg2: memref<32x110x2x128xi32, #tpu.memory_space<hbm>>, %arg3: memref<10112x16xf32, #tpu.memory_space<hbm>>, %arg4: memref<128x16xf32, #tpu.memory_space<hbm>>, %arg5: memref<2x10112x16xf32, #tpu.memory_space<hbm>>, %arg6: memref<110x2x128xi32, #tpu.memory_space<vmem>>, %arg7: memref<128x16xf32, #tpu.memory_space<vmem>>, %arg8: memref<10112x16xf32, #tpu.memory_space<vmem_shared>>, %arg9: memref<!tpu.dma_semaphore, #tpu.memory_space<semaphore_mem>>) attributes {dimension_semantics = [#tpu.dimension_semantics<core_parallel>, #tpu.dimension_semantics<subcore_parallel>], iteration_bounds = array<i64: 2, 16>, scalar_prefetch = 0 : i64, scratch_operands = 4 : i64, tpu.core_type = #tpu.core_type<sc_vector_subcore>, window_params = [{transform_indices = #map}, {transform_indices = #map1}, {transform_indices = #map1}, {transform_indices = #map2}]} {
    %mul3A = arith.constant 2 : i32
    %mul3A_0 = arith.muli %arg1, %mul3A : i32
    %add3A = arith.addi %mul3A_0, %arg0 : i32
    %eq3A = arith.constant 0 : i32
    %eq3A_1 = arith.cmpi eq, %arg0, %eq3A : i32
    %jit3A = arith.constant 110 : i32
    %jit3A_2 = arith.constant 52 : i32
    %select_n3A = arith.select %eq3A_1, %jit3A, %jit3A_2 : i32
    %mul3A_3 = arith.constant 632 : i32
    %mul3A_4 = arith.muli %arg1, %mul3A_3 : i32
    "tpu.region"() ({
      %run_scoped3A = tpu.sem_alloc : memref<!tpu.dma_semaphore, #tpu.memory_space<semaphore_mem>>
      tpu.enqueue_dma source(%arg4 : memref<128x16xf32, #tpu.memory_space<hbm>>) target(%arg7 : memref<128x16xf32, #tpu.memory_space<vmem>>) target_semaphore(%run_scoped3A : memref<!tpu.dma_semaphore, #tpu.memory_space<semaphore_mem>>)
      tpu.wait_dma2 semaphore(%run_scoped3A : memref<!tpu.dma_semaphore, #tpu.memory_space<semaphore_mem>>) src(%arg4 : memref<128x16xf32, #tpu.memory_space<hbm>>) dst(%arg7 : memref<128x16xf32, #tpu.memory_space<vmem>>)
      tpu.yield
    }) : () -> ()
    "tpu.region"() ({
      %run_scoped3A = tpu.sem_alloc : memref<!tpu.dma_semaphore, #tpu.memory_space<semaphore_mem>>
      %dma_start3A = arith.constant 0 : i32
      %dma_start3A_15 = arith.constant 0 : i32
      %dma_start3A_16 = arith.constant 0 : i32
      %dma_start3A_17 = tpu.memref_slice %arg2[%add3A, %dma_start3A, %dma_start3A_15, %dma_start3A_16] : memref<32x110x2x128xi32, #tpu.memory_space<hbm>> -> memref<1x110x2x128xi32, #tpu.memory_space<hbm>>
      %dma_start3A_18 = tpu.memref_squeeze %dma_start3A_17 : memref<1x110x2x128xi32, #tpu.memory_space<hbm>> -> memref<110x2x128xi32, #tpu.memory_space<hbm>>
      %dma_start3A_19 = arith.constant 0 : i32
      %dma_start3A_20 = arith.constant 0 : i32
      %dma_start3A_21 = arith.constant 0 : i32
      %dma_start3A_22 = tpu.memref_slice %arg2[%add3A, %dma_start3A_19, %dma_start3A_20, %dma_start3A_21] : memref<32x110x2x128xi32, #tpu.memory_space<hbm>> -> memref<1x110x2x128xi32, #tpu.memory_space<hbm>>
      %dma_start3A_23 = tpu.memref_squeeze %dma_start3A_22 : memref<1x110x2x128xi32, #tpu.memory_space<hbm>> -> memref<110x2x128xi32, #tpu.memory_space<hbm>>
      tpu.enqueue_dma source(%dma_start3A_23 : memref<110x2x128xi32, #tpu.memory_space<hbm>>) target(%arg6 : memref<110x2x128xi32, #tpu.memory_space<vmem>>) target_semaphore(%run_scoped3A : memref<!tpu.dma_semaphore, #tpu.memory_space<semaphore_mem>>)
      %dma_wait3A = arith.constant 0 : i32
      %dma_wait3A_24 = arith.constant 0 : i32
      %dma_wait3A_25 = arith.constant 0 : i32
      %dma_wait3A_26 = tpu.memref_slice %arg2[%add3A, %dma_wait3A, %dma_wait3A_24, %dma_wait3A_25] : memref<32x110x2x128xi32, #tpu.memory_space<hbm>> -> memref<1x110x2x128xi32, #tpu.memory_space<hbm>>
      %dma_wait3A_27 = tpu.memref_squeeze %dma_wait3A_26 : memref<1x110x2x128xi32, #tpu.memory_space<hbm>> -> memref<110x2x128xi32, #tpu.memory_space<hbm>>
      %dma_wait3A_28 = arith.constant 0 : i32
      %dma_wait3A_29 = arith.constant 0 : i32
      %dma_wait3A_30 = arith.constant 0 : i32
      %dma_wait3A_31 = tpu.memref_slice %arg2[%add3A, %dma_wait3A_28, %dma_wait3A_29, %dma_wait3A_30] : memref<32x110x2x128xi32, #tpu.memory_space<hbm>> -> memref<1x110x2x128xi32, #tpu.memory_space<hbm>>
      %dma_wait3A_32 = tpu.memref_squeeze %dma_wait3A_31 : memref<1x110x2x128xi32, #tpu.memory_space<hbm>> -> memref<110x2x128xi32, #tpu.memory_space<hbm>>
      tpu.wait_dma2 semaphore(%run_scoped3A : memref<!tpu.dma_semaphore, #tpu.memory_space<semaphore_mem>>) src(%dma_wait3A_32 : memref<110x2x128xi32, #tpu.memory_space<hbm>>) dst(%arg6 : memref<110x2x128xi32, #tpu.memory_space<vmem>>)
      tpu.yield
    }) : () -> ()
    "tpu.region"() ({
      %run_scoped3A = tpu.sem_alloc : memref<!tpu.dma_semaphore, #tpu.memory_space<semaphore_mem>>
      %dma_start3A = arith.constant 0 : i32
      %dma_start3A_15 = tpu.memref_slice %arg8[%mul3A_4, %dma_start3A] : memref<10112x16xf32, #tpu.memory_space<vmem_shared>> -> memref<632x16xf32, #tpu.memory_space<vmem_shared>>
      %dma_start3A_16 = arith.constant 0 : i32
      %dma_start3A_17 = tpu.memref_slice %arg3[%mul3A_4, %dma_start3A_16] : memref<10112x16xf32, #tpu.memory_space<hbm>> -> memref<632x16xf32, #tpu.memory_space<hbm>>
      tpu.enqueue_dma source(%dma_start3A_17 : memref<632x16xf32, #tpu.memory_space<hbm>>) target(%dma_start3A_15 : memref<632x16xf32, #tpu.memory_space<vmem_shared>>) target_semaphore(%run_scoped3A : memref<!tpu.dma_semaphore, #tpu.memory_space<semaphore_mem>>)
      %dma_wait3A = arith.constant 0 : i32
      %dma_wait3A_18 = tpu.memref_slice %arg8[%mul3A_4, %dma_wait3A] : memref<10112x16xf32, #tpu.memory_space<vmem_shared>> -> memref<632x16xf32, #tpu.memory_space<vmem_shared>>
      %dma_wait3A_19 = arith.constant 0 : i32
      %dma_wait3A_20 = tpu.memref_slice %arg3[%mul3A_4, %dma_wait3A_19] : memref<10112x16xf32, #tpu.memory_space<hbm>> -> memref<632x16xf32, #tpu.memory_space<hbm>>
      tpu.wait_dma2 semaphore(%run_scoped3A : memref<!tpu.dma_semaphore, #tpu.memory_space<semaphore_mem>>) src(%dma_wait3A_20 : memref<632x16xf32, #tpu.memory_space<hbm>>) dst(%dma_wait3A_18 : memref<632x16xf32, #tpu.memory_space<vmem_shared>>)
      tpu.yield
    }) : () -> ()
    %barrier3A = arith.constant 0 : index
    tpu.barrier barrier_id(%barrier3A)
    %while3A = arith.constant 0 : i32
    %while3A_5 = arith.constant 0 : i32
    %while3A_6 = arith.subi %select_n3A, %while3A_5 : i32
    %while3A_7 = arith.addi %while3A_5, %while3A_6 : i32
    %while3A_8 = arith.constant 1 : i32
    %while3A_9 = arith.divsi %while3A_6, %while3A_8 : i32
    %while3A_10 = arith.muli %while3A_9, %while3A_8 : i32
    %while3A_11 = arith.addi %while3A_5, %while3A_10 : i32
    %while3A_12 = arith.constant 1 : i32
    scf.for %while3A_15 = %while3A_5 to %while3A_11 step %while3A_12  : i32 {
      %run_scoped3A = arith.constant 1 : i32
      "tpu.region"() ({
        %run_scoped3A_16 = tpu.sem_alloc : memref<!tpu.dma_semaphore, #tpu.memory_space<semaphore_mem>>
        %dma_start3A = arith.constant 0 : i32
        %dma_start3A_17 = tpu.memref_slice %arg6[%while3A_15, %run_scoped3A, %dma_start3A] : memref<110x2x128xi32, #tpu.memory_space<vmem>> -> memref<1x1x128xi32, #tpu.memory_space<vmem>>
        %dma_start3A_18 = tpu.memref_squeeze %dma_start3A_17 : memref<1x1x128xi32, #tpu.memory_space<vmem>> -> memref<128xi32, #tpu.memory_space<vmem>>
        %dma_start3A_19 = arith.constant 0 : i32
        %dma_start3A_20 = arith.constant 0 : i32
        %dma_start3A_21 = tpu.memref_slice %arg8[%dma_start3A_19, %dma_start3A_20] : memref<10112x16xf32, #tpu.memory_space<vmem_shared>> -> memref<10112x16xf32, #tpu.memory_space<vmem_shared>>
        tpu.enqueue_indirect_dma source(%arg7 : memref<128x16xf32, #tpu.memory_space<vmem>>) target(%dma_start3A_21 : memref<10112x16xf32, #tpu.memory_space<vmem_shared>>) offsets(%dma_start3A_18 : memref<128xi32, #tpu.memory_space<vmem>>) semaphore(%run_scoped3A_16 : memref<!tpu.dma_semaphore, #tpu.memory_space<semaphore_mem>>) {add = true}
        %dma_wait3A = arith.constant 0 : i32
        %dma_wait3A_22 = tpu.memref_slice %arg6[%while3A_15, %run_scoped3A, %dma_wait3A] : memref<110x2x128xi32, #tpu.memory_space<vmem>> -> memref<1x1x128xi32, #tpu.memory_space<vmem>>
        %dma_wait3A_23 = tpu.memref_squeeze %dma_wait3A_22 : memref<1x1x128xi32, #tpu.memory_space<vmem>> -> memref<128xi32, #tpu.memory_space<vmem>>
        %dma_wait3A_24 = arith.constant 0 : i32
        %dma_wait3A_25 = arith.constant 0 : i32
        %dma_wait3A_26 = tpu.memref_slice %arg8[%dma_wait3A_24, %dma_wait3A_25] : memref<10112x16xf32, #tpu.memory_space<vmem_shared>> -> memref<10112x16xf32, #tpu.memory_space<vmem_shared>>
        tpu.wait_indirect_dma semaphore(%run_scoped3A_16 : memref<!tpu.dma_semaphore, #tpu.memory_space<semaphore_mem>>) src(%arg7 : memref<128x16xf32, #tpu.memory_space<vmem>>) dst(%dma_wait3A_26 : memref<10112x16xf32, #tpu.memory_space<vmem_shared>>)
        tpu.yield
      }) : () -> ()
    }
    %while3A_13 = arith.constant 1 : i32
    scf.for %while3A_15 = %while3A_11 to %while3A_7 step %while3A_13  : i32 {
      %run_scoped3A = arith.constant 1 : i32
      "tpu.region"() ({
        %run_scoped3A_16 = tpu.sem_alloc : memref<!tpu.dma_semaphore, #tpu.memory_space<semaphore_mem>>
        %dma_start3A = arith.constant 0 : i32
        %dma_start3A_17 = tpu.memref_slice %arg6[%while3A_15, %run_scoped3A, %dma_start3A] : memref<110x2x128xi32, #tpu.memory_space<vmem>> -> memref<1x1x128xi32, #tpu.memory_space<vmem>>
        %dma_start3A_18 = tpu.memref_squeeze %dma_start3A_17 : memref<1x1x128xi32, #tpu.memory_space<vmem>> -> memref<128xi32, #tpu.memory_space<vmem>>
        %dma_start3A_19 = arith.constant 0 : i32
        %dma_start3A_20 = arith.constant 0 : i32
        %dma_start3A_21 = tpu.memref_slice %arg8[%dma_start3A_19, %dma_start3A_20] : memref<10112x16xf32, #tpu.memory_space<vmem_shared>> -> memref<10112x16xf32, #tpu.memory_space<vmem_shared>>
        tpu.enqueue_indirect_dma source(%arg7 : memref<128x16xf32, #tpu.memory_space<vmem>>) target(%dma_start3A_21 : memref<10112x16xf32, #tpu.memory_space<vmem_shared>>) offsets(%dma_start3A_18 : memref<128xi32, #tpu.memory_space<vmem>>) semaphore(%run_scoped3A_16 : memref<!tpu.dma_semaphore, #tpu.memory_space<semaphore_mem>>) {add = true}
        %dma_wait3A = arith.constant 0 : i32
        %dma_wait3A_22 = tpu.memref_slice %arg6[%while3A_15, %run_scoped3A, %dma_wait3A] : memref<110x2x128xi32, #tpu.memory_space<vmem>> -> memref<1x1x128xi32, #tpu.memory_space<vmem>>
        %dma_wait3A_23 = tpu.memref_squeeze %dma_wait3A_22 : memref<1x1x128xi32, #tpu.memory_space<vmem>> -> memref<128xi32, #tpu.memory_space<vmem>>
        %dma_wait3A_24 = arith.constant 0 : i32
        %dma_wait3A_25 = arith.constant 0 : i32
        %dma_wait3A_26 = tpu.memref_slice %arg8[%dma_wait3A_24, %dma_wait3A_25] : memref<10112x16xf32, #tpu.memory_space<vmem_shared>> -> memref<10112x16xf32, #tpu.memory_space<vmem_shared>>
        tpu.wait_indirect_dma semaphore(%run_scoped3A_16 : memref<!tpu.dma_semaphore, #tpu.memory_space<semaphore_mem>>) src(%arg7 : memref<128x16xf32, #tpu.memory_space<vmem>>) dst(%dma_wait3A_26 : memref<10112x16xf32, #tpu.memory_space<vmem_shared>>)
        tpu.yield
      }) : () -> ()
    }
    %barrier3A_14 = arith.constant 0 : index
    tpu.barrier barrier_id(%barrier3A_14)
    "tpu.region"() ({
      %run_scoped3A = tpu.sem_alloc : memref<!tpu.dma_semaphore, #tpu.memory_space<semaphore_mem>>
      %dma_start3A = arith.constant 0 : i32
      %dma_start3A_15 = tpu.memref_slice %arg5[%arg0, %mul3A_4, %dma_start3A] : memref<2x10112x16xf32, #tpu.memory_space<hbm>> -> memref<1x632x16xf32, #tpu.memory_space<hbm>>
      %dma_start3A_16 = tpu.memref_squeeze %dma_start3A_15 : memref<1x632x16xf32, #tpu.memory_space<hbm>> -> memref<632x16xf32, #tpu.memory_space<hbm>>
      %dma_start3A_17 = arith.constant 0 : i32
      %dma_start3A_18 = tpu.memref_slice %arg8[%mul3A_4, %dma_start3A_17] : memref<10112x16xf32, #tpu.memory_space<vmem_shared>> -> memref<632x16xf32, #tpu.memory_space<vmem_shared>>
      tpu.enqueue_dma source(%dma_start3A_18 : memref<632x16xf32, #tpu.memory_space<vmem_shared>>) target(%dma_start3A_16 : memref<632x16xf32, #tpu.memory_space<hbm>>) target_semaphore(%run_scoped3A : memref<!tpu.dma_semaphore, #tpu.memory_space<semaphore_mem>>)
      %dma_wait3A = arith.constant 0 : i32
      %dma_wait3A_19 = tpu.memref_slice %arg5[%arg0, %mul3A_4, %dma_wait3A] : memref<2x10112x16xf32, #tpu.memory_space<hbm>> -> memref<1x632x16xf32, #tpu.memory_space<hbm>>
      %dma_wait3A_20 = tpu.memref_squeeze %dma_wait3A_19 : memref<1x632x16xf32, #tpu.memory_space<hbm>> -> memref<632x16xf32, #tpu.memory_space<hbm>>
      %dma_wait3A_21 = arith.constant 0 : i32
      %dma_wait3A_22 = tpu.memref_slice %arg8[%mul3A_4, %dma_wait3A_21] : memref<10112x16xf32, #tpu.memory_space<vmem_shared>> -> memref<632x16xf32, #tpu.memory_space<vmem_shared>>
      tpu.wait_dma2 semaphore(%run_scoped3A : memref<!tpu.dma_semaphore, #tpu.memory_space<semaphore_mem>>) src(%dma_wait3A_22 : memref<632x16xf32, #tpu.memory_space<vmem_shared>>) dst(%dma_wait3A_20 : memref<632x16xf32, #tpu.memory_space<hbm>>)
      tpu.yield
    }) : () -> ()
    return
  }
}

#map = affine_map<(d0, d1) -> (0, 0)>
#map1 = affine_map<(d0, d1) -> (0, 0, 0, 0)>
#map2 = affine_map<(d0, d1) -> (0, 0, 0)>
module attributes {stable_mosaic.version = 14 : i64} {
  func.func @_agg(%arg0: i32, %arg1: i32, %arg2: memref<10000x128xf32, #tpu.memory_space<hbm>>, %arg3: memref<32x110x2x128xi32, #tpu.memory_space<hbm>>, %arg4: memref<10112x128xf32, #tpu.memory_space<hbm>>, %arg5: memref<2x10112x128xf32, #tpu.memory_space<hbm>>, %arg6: memref<4x2x128xi32, #tpu.memory_space<vmem>>, %arg7: memref<2x128x128xf32, #tpu.memory_space<vmem>>, %arg8: memref<10112x128xf32, #tpu.memory_space<vmem_shared>>, %arg9: memref<!tpu.dma_semaphore, #tpu.memory_space<semaphore_mem>>, %arg10: memref<!tpu.dma_semaphore, #tpu.memory_space<semaphore_mem>>, %arg11: memref<!tpu.dma_semaphore, #tpu.memory_space<semaphore_mem>>) attributes {dimension_semantics = [#tpu.dimension_semantics<core_parallel>, #tpu.dimension_semantics<subcore_parallel>], iteration_bounds = array<i64: 2, 16>, scalar_prefetch = 0 : i64, scratch_operands = 6 : i64, tpu.core_type = #tpu.core_type<sc_vector_subcore>, window_params = [{transform_indices = #map}, {transform_indices = #map1}, {transform_indices = #map}, {transform_indices = #map2}]} {
    %mul3A = arith.constant 2 : i32
    %mul3A_0 = arith.muli %arg1, %mul3A : i32
    %add3A = arith.addi %mul3A_0, %arg0 : i32
    %eq3A = arith.constant 0 : i32
    %eq3A_1 = arith.cmpi eq, %arg0, %eq3A : i32
    %jit3A = arith.constant 110 : i32
    %jit3A_2 = arith.constant 52 : i32
    %select_n3A = arith.select %eq3A_1, %jit3A, %jit3A_2 : i32
    %mul3A_3 = arith.constant 632 : i32
    %mul3A_4 = arith.muli %arg1, %mul3A_3 : i32
    "tpu.region"() ({
      %run_scoped3A = tpu.sem_alloc : memref<!tpu.dma_semaphore, #tpu.memory_space<semaphore_mem>>
      %dma_start3A_147 = arith.constant 0 : i32
      %dma_start3A_148 = tpu.memref_slice %arg8[%mul3A_4, %dma_start3A_147] : memref<10112x128xf32, #tpu.memory_space<vmem_shared>> -> memref<632x128xf32, #tpu.memory_space<vmem_shared>>
      %dma_start3A_149 = arith.constant 0 : i32
      %dma_start3A_150 = tpu.memref_slice %arg4[%mul3A_4, %dma_start3A_149] : memref<10112x128xf32, #tpu.memory_space<hbm>> -> memref<632x128xf32, #tpu.memory_space<hbm>>
      tpu.enqueue_dma source(%dma_start3A_150 : memref<632x128xf32, #tpu.memory_space<hbm>>) target(%dma_start3A_148 : memref<632x128xf32, #tpu.memory_space<vmem_shared>>) target_semaphore(%run_scoped3A : memref<!tpu.dma_semaphore, #tpu.memory_space<semaphore_mem>>)
      %dma_wait3A_151 = arith.constant 0 : i32
      %dma_wait3A_152 = tpu.memref_slice %arg8[%mul3A_4, %dma_wait3A_151] : memref<10112x128xf32, #tpu.memory_space<vmem_shared>> -> memref<632x128xf32, #tpu.memory_space<vmem_shared>>
      %dma_wait3A_153 = arith.constant 0 : i32
      %dma_wait3A_154 = tpu.memref_slice %arg4[%mul3A_4, %dma_wait3A_153] : memref<10112x128xf32, #tpu.memory_space<hbm>> -> memref<632x128xf32, #tpu.memory_space<hbm>>
      tpu.wait_dma2 semaphore(%run_scoped3A : memref<!tpu.dma_semaphore, #tpu.memory_space<semaphore_mem>>) src(%dma_wait3A_154 : memref<632x128xf32, #tpu.memory_space<hbm>>) dst(%dma_wait3A_152 : memref<632x128xf32, #tpu.memory_space<vmem_shared>>)
      tpu.yield
    }) : () -> ()
    %dma_start3A = arith.constant 0 : i32
    %dma_start3A_5 = arith.constant 0 : i32
    %dma_start3A_6 = arith.constant 0 : i32
    %dma_start3A_7 = arith.constant 0 : i32
    %dma_start3A_8 = tpu.memref_slice %arg6[%dma_start3A_5, %dma_start3A_6, %dma_start3A_7] : memref<4x2x128xi32, #tpu.memory_space<vmem>> -> memref<1x2x128xi32, #tpu.memory_space<vmem>>
    %dma_start3A_9 = tpu.memref_squeeze %dma_start3A_8 : memref<1x2x128xi32, #tpu.memory_space<vmem>> -> memref<2x128xi32, #tpu.memory_space<vmem>>
    %dma_start3A_10 = arith.constant 0 : i32
    %dma_start3A_11 = arith.constant 0 : i32
    %dma_start3A_12 = tpu.memref_slice %arg3[%add3A, %dma_start3A, %dma_start3A_10, %dma_start3A_11] : memref<32x110x2x128xi32, #tpu.memory_space<hbm>> -> memref<1x1x2x128xi32, #tpu.memory_space<hbm>>
    %dma_start3A_13 = tpu.memref_squeeze %dma_start3A_12 : memref<1x1x2x128xi32, #tpu.memory_space<hbm>> -> memref<2x128xi32, #tpu.memory_space<hbm>>
    %dma_start3A_14 = arith.constant 0 : i32
    %dma_start3A_15 = arith.constant 0 : i32
    %dma_start3A_16 = tpu.memref_slice %arg6[%dma_start3A_5, %dma_start3A_14, %dma_start3A_15] : memref<4x2x128xi32, #tpu.memory_space<vmem>> -> memref<1x2x128xi32, #tpu.memory_space<vmem>>
    %dma_start3A_17 = tpu.memref_squeeze %dma_start3A_16 : memref<1x2x128xi32, #tpu.memory_space<vmem>> -> memref<2x128xi32, #tpu.memory_space<vmem>>
    %dma_start3A_18 = arith.constant 0 : i32
    %dma_start3A_19 = arith.constant 0 : i32
    %dma_start3A_20 = tpu.memref_slice %arg3[%add3A, %dma_start3A, %dma_start3A_18, %dma_start3A_19] : memref<32x110x2x128xi32, #tpu.memory_space<hbm>> -> memref<1x1x2x128xi32, #tpu.memory_space<hbm>>
    %dma_start3A_21 = tpu.memref_squeeze %dma_start3A_20 : memref<1x1x2x128xi32, #tpu.memory_space<hbm>> -> memref<2x128xi32, #tpu.memory_space<hbm>>
    tpu.enqueue_dma source(%dma_start3A_21 : memref<2x128xi32, #tpu.memory_space<hbm>>) target(%dma_start3A_17 : memref<2x128xi32, #tpu.memory_space<vmem>>) target_semaphore(%arg9 : memref<!tpu.dma_semaphore, #tpu.memory_space<semaphore_mem>>)
    %dma_start3A_22 = arith.constant 1 : i32
    %dma_start3A_23 = arith.constant 1 : i32
    %dma_start3A_24 = arith.constant 0 : i32
    %dma_start3A_25 = arith.constant 0 : i32
    %dma_start3A_26 = tpu.memref_slice %arg6[%dma_start3A_23, %dma_start3A_24, %dma_start3A_25] : memref<4x2x128xi32, #tpu.memory_space<vmem>> -> memref<1x2x128xi32, #tpu.memory_space<vmem>>
    %dma_start3A_27 = tpu.memref_squeeze %dma_start3A_26 : memref<1x2x128xi32, #tpu.memory_space<vmem>> -> memref<2x128xi32, #tpu.memory_space<vmem>>
    %dma_start3A_28 = arith.constant 0 : i32
    %dma_start3A_29 = arith.constant 0 : i32
    %dma_start3A_30 = tpu.memref_slice %arg3[%add3A, %dma_start3A_22, %dma_start3A_28, %dma_start3A_29] : memref<32x110x2x128xi32, #tpu.memory_space<hbm>> -> memref<1x1x2x128xi32, #tpu.memory_space<hbm>>
    %dma_start3A_31 = tpu.memref_squeeze %dma_start3A_30 : memref<1x1x2x128xi32, #tpu.memory_space<hbm>> -> memref<2x128xi32, #tpu.memory_space<hbm>>
    %dma_start3A_32 = arith.constant 0 : i32
    %dma_start3A_33 = arith.constant 0 : i32
    %dma_start3A_34 = tpu.memref_slice %arg6[%dma_start3A_23, %dma_start3A_32, %dma_start3A_33] : memref<4x2x128xi32, #tpu.memory_space<vmem>> -> memref<1x2x128xi32, #tpu.memory_space<vmem>>
    %dma_start3A_35 = tpu.memref_squeeze %dma_start3A_34 : memref<1x2x128xi32, #tpu.memory_space<vmem>> -> memref<2x128xi32, #tpu.memory_space<vmem>>
    %dma_start3A_36 = arith.constant 0 : i32
    %dma_start3A_37 = arith.constant 0 : i32
    %dma_start3A_38 = tpu.memref_slice %arg3[%add3A, %dma_start3A_22, %dma_start3A_36, %dma_start3A_37] : memref<32x110x2x128xi32, #tpu.memory_space<hbm>> -> memref<1x1x2x128xi32, #tpu.memory_space<hbm>>
    %dma_start3A_39 = tpu.memref_squeeze %dma_start3A_38 : memref<1x1x2x128xi32, #tpu.memory_space<hbm>> -> memref<2x128xi32, #tpu.memory_space<hbm>>
    tpu.enqueue_dma source(%dma_start3A_39 : memref<2x128xi32, #tpu.memory_space<hbm>>) target(%dma_start3A_35 : memref<2x128xi32, #tpu.memory_space<vmem>>) target_semaphore(%arg9 : memref<!tpu.dma_semaphore, #tpu.memory_space<semaphore_mem>>)
    %dma_start3A_40 = arith.constant 2 : i32
    %dma_start3A_41 = arith.constant 2 : i32
    %dma_start3A_42 = arith.constant 0 : i32
    %dma_start3A_43 = arith.constant 0 : i32
    %dma_start3A_44 = tpu.memref_slice %arg6[%dma_start3A_41, %dma_start3A_42, %dma_start3A_43] : memref<4x2x128xi32, #tpu.memory_space<vmem>> -> memref<1x2x128xi32, #tpu.memory_space<vmem>>
    %dma_start3A_45 = tpu.memref_squeeze %dma_start3A_44 : memref<1x2x128xi32, #tpu.memory_space<vmem>> -> memref<2x128xi32, #tpu.memory_space<vmem>>
    %dma_start3A_46 = arith.constant 0 : i32
    %dma_start3A_47 = arith.constant 0 : i32
    %dma_start3A_48 = tpu.memref_slice %arg3[%add3A, %dma_start3A_40, %dma_start3A_46, %dma_start3A_47] : memref<32x110x2x128xi32, #tpu.memory_space<hbm>> -> memref<1x1x2x128xi32, #tpu.memory_space<hbm>>
    %dma_start3A_49 = tpu.memref_squeeze %dma_start3A_48 : memref<1x1x2x128xi32, #tpu.memory_space<hbm>> -> memref<2x128xi32, #tpu.memory_space<hbm>>
    %dma_start3A_50 = arith.constant 0 : i32
    %dma_start3A_51 = arith.constant 0 : i32
    %dma_start3A_52 = tpu.memref_slice %arg6[%dma_start3A_41, %dma_start3A_50, %dma_start3A_51] : memref<4x2x128xi32, #tpu.memory_space<vmem>> -> memref<1x2x128xi32, #tpu.memory_space<vmem>>
    %dma_start3A_53 = tpu.memref_squeeze %dma_start3A_52 : memref<1x2x128xi32, #tpu.memory_space<vmem>> -> memref<2x128xi32, #tpu.memory_space<vmem>>
    %dma_start3A_54 = arith.constant 0 : i32
    %dma_start3A_55 = arith.constant 0 : i32
    %dma_start3A_56 = tpu.memref_slice %arg3[%add3A, %dma_start3A_40, %dma_start3A_54, %dma_start3A_55] : memref<32x110x2x128xi32, #tpu.memory_space<hbm>> -> memref<1x1x2x128xi32, #tpu.memory_space<hbm>>
    %dma_start3A_57 = tpu.memref_squeeze %dma_start3A_56 : memref<1x1x2x128xi32, #tpu.memory_space<hbm>> -> memref<2x128xi32, #tpu.memory_space<hbm>>
    tpu.enqueue_dma source(%dma_start3A_57 : memref<2x128xi32, #tpu.memory_space<hbm>>) target(%dma_start3A_53 : memref<2x128xi32, #tpu.memory_space<vmem>>) target_semaphore(%arg9 : memref<!tpu.dma_semaphore, #tpu.memory_space<semaphore_mem>>)
    %dma_start3A_58 = arith.constant 3 : i32
    %dma_start3A_59 = arith.constant 3 : i32
    %dma_start3A_60 = arith.constant 0 : i32
    %dma_start3A_61 = arith.constant 0 : i32
    %dma_start3A_62 = tpu.memref_slice %arg6[%dma_start3A_59, %dma_start3A_60, %dma_start3A_61] : memref<4x2x128xi32, #tpu.memory_space<vmem>> -> memref<1x2x128xi32, #tpu.memory_space<vmem>>
    %dma_start3A_63 = tpu.memref_squeeze %dma_start3A_62 : memref<1x2x128xi32, #tpu.memory_space<vmem>> -> memref<2x128xi32, #tpu.memory_space<vmem>>
    %dma_start3A_64 = arith.constant 0 : i32
    %dma_start3A_65 = arith.constant 0 : i32
    %dma_start3A_66 = tpu.memref_slice %arg3[%add3A, %dma_start3A_58, %dma_start3A_64, %dma_start3A_65] : memref<32x110x2x128xi32, #tpu.memory_space<hbm>> -> memref<1x1x2x128xi32, #tpu.memory_space<hbm>>
    %dma_start3A_67 = tpu.memref_squeeze %dma_start3A_66 : memref<1x1x2x128xi32, #tpu.memory_space<hbm>> -> memref<2x128xi32, #tpu.memory_space<hbm>>
    %dma_start3A_68 = arith.constant 0 : i32
    %dma_start3A_69 = arith.constant 0 : i32
    %dma_start3A_70 = tpu.memref_slice %arg6[%dma_start3A_59, %dma_start3A_68, %dma_start3A_69] : memref<4x2x128xi32, #tpu.memory_space<vmem>> -> memref<1x2x128xi32, #tpu.memory_space<vmem>>
    %dma_start3A_71 = tpu.memref_squeeze %dma_start3A_70 : memref<1x2x128xi32, #tpu.memory_space<vmem>> -> memref<2x128xi32, #tpu.memory_space<vmem>>
    %dma_start3A_72 = arith.constant 0 : i32
    %dma_start3A_73 = arith.constant 0 : i32
    %dma_start3A_74 = tpu.memref_slice %arg3[%add3A, %dma_start3A_58, %dma_start3A_72, %dma_start3A_73] : memref<32x110x2x128xi32, #tpu.memory_space<hbm>> -> memref<1x1x2x128xi32, #tpu.memory_space<hbm>>
    %dma_start3A_75 = tpu.memref_squeeze %dma_start3A_74 : memref<1x1x2x128xi32, #tpu.memory_space<hbm>> -> memref<2x128xi32, #tpu.memory_space<hbm>>
    tpu.enqueue_dma source(%dma_start3A_75 : memref<2x128xi32, #tpu.memory_space<hbm>>) target(%dma_start3A_71 : memref<2x128xi32, #tpu.memory_space<vmem>>) target_semaphore(%arg9 : memref<!tpu.dma_semaphore, #tpu.memory_space<semaphore_mem>>)
    %barrier3A = arith.constant 0 : index
    tpu.barrier barrier_id(%barrier3A)
    %dma_wait3A = arith.constant 0 : i32
    %dma_wait3A_76 = arith.constant 0 : i32
    %dma_wait3A_77 = arith.constant 0 : i32
    %dma_wait3A_78 = arith.constant 0 : i32
    %dma_wait3A_79 = tpu.memref_slice %arg6[%dma_wait3A_76, %dma_wait3A_77, %dma_wait3A_78] : memref<4x2x128xi32, #tpu.memory_space<vmem>> -> memref<1x2x128xi32, #tpu.memory_space<vmem>>
    %dma_wait3A_80 = tpu.memref_squeeze %dma_wait3A_79 : memref<1x2x128xi32, #tpu.memory_space<vmem>> -> memref<2x128xi32, #tpu.memory_space<vmem>>
    %dma_wait3A_81 = arith.constant 0 : i32
    %dma_wait3A_82 = arith.constant 0 : i32
    %dma_wait3A_83 = tpu.memref_slice %arg3[%add3A, %dma_wait3A, %dma_wait3A_81, %dma_wait3A_82] : memref<32x110x2x128xi32, #tpu.memory_space<hbm>> -> memref<1x1x2x128xi32, #tpu.memory_space<hbm>>
    %dma_wait3A_84 = tpu.memref_squeeze %dma_wait3A_83 : memref<1x1x2x128xi32, #tpu.memory_space<hbm>> -> memref<2x128xi32, #tpu.memory_space<hbm>>
    %dma_wait3A_85 = arith.constant 0 : i32
    %dma_wait3A_86 = arith.constant 0 : i32
    %dma_wait3A_87 = tpu.memref_slice %arg6[%dma_wait3A_76, %dma_wait3A_85, %dma_wait3A_86] : memref<4x2x128xi32, #tpu.memory_space<vmem>> -> memref<1x2x128xi32, #tpu.memory_space<vmem>>
    %dma_wait3A_88 = tpu.memref_squeeze %dma_wait3A_87 : memref<1x2x128xi32, #tpu.memory_space<vmem>> -> memref<2x128xi32, #tpu.memory_space<vmem>>
    %dma_wait3A_89 = arith.constant 0 : i32
    %dma_wait3A_90 = arith.constant 0 : i32
    %dma_wait3A_91 = tpu.memref_slice %arg3[%add3A, %dma_wait3A, %dma_wait3A_89, %dma_wait3A_90] : memref<32x110x2x128xi32, #tpu.memory_space<hbm>> -> memref<1x1x2x128xi32, #tpu.memory_space<hbm>>
    %dma_wait3A_92 = tpu.memref_squeeze %dma_wait3A_91 : memref<1x1x2x128xi32, #tpu.memory_space<hbm>> -> memref<2x128xi32, #tpu.memory_space<hbm>>
    tpu.wait_dma2 semaphore(%arg9 : memref<!tpu.dma_semaphore, #tpu.memory_space<semaphore_mem>>) src(%dma_wait3A_92 : memref<2x128xi32, #tpu.memory_space<hbm>>) dst(%dma_wait3A_88 : memref<2x128xi32, #tpu.memory_space<vmem>>)
    %dma_start3A_93 = arith.constant 0 : i32
    %dma_start3A_94 = arith.constant 0 : i32
    %dma_start3A_95 = arith.constant 0 : i32
    %dma_start3A_96 = arith.constant 0 : i32
    %dma_start3A_97 = arith.constant 0 : i32
    %dma_start3A_98 = tpu.memref_slice %arg7[%dma_start3A_95, %dma_start3A_96, %dma_start3A_97] : memref<2x128x128xf32, #tpu.memory_space<vmem>> -> memref<1x128x128xf32, #tpu.memory_space<vmem>>
    %dma_start3A_99 = tpu.memref_squeeze %dma_start3A_98 : memref<1x128x128xf32, #tpu.memory_space<vmem>> -> memref<128x128xf32, #tpu.memory_space<vmem>>
    %dma_start3A_100 = arith.constant 0 : i32
    %dma_start3A_101 = tpu.memref_slice %arg6[%dma_start3A_93, %dma_start3A_94, %dma_start3A_100] : memref<4x2x128xi32, #tpu.memory_space<vmem>> -> memref<1x1x128xi32, #tpu.memory_space<vmem>>
    %dma_start3A_102 = tpu.memref_squeeze %dma_start3A_101 : memref<1x1x128xi32, #tpu.memory_space<vmem>> -> memref<128xi32, #tpu.memory_space<vmem>>
    %dma_start3A_103 = arith.constant 0 : i32
    %dma_start3A_104 = arith.constant 0 : i32
    %dma_start3A_105 = tpu.memref_slice %arg2[%dma_start3A_103, %dma_start3A_104] : memref<10000x128xf32, #tpu.memory_space<hbm>> -> memref<10000x128xf32, #tpu.memory_space<hbm>>
    tpu.enqueue_indirect_dma source(%dma_start3A_105 : memref<10000x128xf32, #tpu.memory_space<hbm>>) target(%dma_start3A_99 : memref<128x128xf32, #tpu.memory_space<vmem>>) offsets(%dma_start3A_102 : memref<128xi32, #tpu.memory_space<vmem>>) semaphore(%arg10 : memref<!tpu.dma_semaphore, #tpu.memory_space<semaphore_mem>>)
    %dma_wait3A_106 = arith.constant 1 : i32
    %dma_wait3A_107 = arith.constant 1 : i32
    %dma_wait3A_108 = arith.constant 0 : i32
    %dma_wait3A_109 = arith.constant 0 : i32
    %dma_wait3A_110 = tpu.memref_slice %arg6[%dma_wait3A_107, %dma_wait3A_108, %dma_wait3A_109] : memref<4x2x128xi32, #tpu.memory_space<vmem>> -> memref<1x2x128xi32, #tpu.memory_space<vmem>>
    %dma_wait3A_111 = tpu.memref_squeeze %dma_wait3A_110 : memref<1x2x128xi32, #tpu.memory_space<vmem>> -> memref<2x128xi32, #tpu.memory_space<vmem>>
    %dma_wait3A_112 = arith.constant 0 : i32
    %dma_wait3A_113 = arith.constant 0 : i32
    %dma_wait3A_114 = tpu.memref_slice %arg3[%add3A, %dma_wait3A_106, %dma_wait3A_112, %dma_wait3A_113] : memref<32x110x2x128xi32, #tpu.memory_space<hbm>> -> memref<1x1x2x128xi32, #tpu.memory_space<hbm>>
    %dma_wait3A_115 = tpu.memref_squeeze %dma_wait3A_114 : memref<1x1x2x128xi32, #tpu.memory_space<hbm>> -> memref<2x128xi32, #tpu.memory_space<hbm>>
    %dma_wait3A_116 = arith.constant 0 : i32
    %dma_wait3A_117 = arith.constant 0 : i32
    %dma_wait3A_118 = tpu.memref_slice %arg6[%dma_wait3A_107, %dma_wait3A_116, %dma_wait3A_117] : memref<4x2x128xi32, #tpu.memory_space<vmem>> -> memref<1x2x128xi32, #tpu.memory_space<vmem>>
    %dma_wait3A_119 = tpu.memref_squeeze %dma_wait3A_118 : memref<1x2x128xi32, #tpu.memory_space<vmem>> -> memref<2x128xi32, #tpu.memory_space<vmem>>
    %dma_wait3A_120 = arith.constant 0 : i32
    %dma_wait3A_121 = arith.constant 0 : i32
    %dma_wait3A_122 = tpu.memref_slice %arg3[%add3A, %dma_wait3A_106, %dma_wait3A_120, %dma_wait3A_121] : memref<32x110x2x128xi32, #tpu.memory_space<hbm>> -> memref<1x1x2x128xi32, #tpu.memory_space<hbm>>
    %dma_wait3A_123 = tpu.memref_squeeze %dma_wait3A_122 : memref<1x1x2x128xi32, #tpu.memory_space<hbm>> -> memref<2x128xi32, #tpu.memory_space<hbm>>
    tpu.wait_dma2 semaphore(%arg9 : memref<!tpu.dma_semaphore, #tpu.memory_space<semaphore_mem>>) src(%dma_wait3A_123 : memref<2x128xi32, #tpu.memory_space<hbm>>) dst(%dma_wait3A_119 : memref<2x128xi32, #tpu.memory_space<vmem>>)
    %dma_start3A_124 = arith.constant 1 : i32
    %dma_start3A_125 = arith.constant 0 : i32
    %dma_start3A_126 = arith.constant 1 : i32
    %dma_start3A_127 = arith.constant 0 : i32
    %dma_start3A_128 = arith.constant 0 : i32
    %dma_start3A_129 = tpu.memref_slice %arg7[%dma_start3A_126, %dma_start3A_127, %dma_start3A_128] : memref<2x128x128xf32, #tpu.memory_space<vmem>> -> memref<1x128x128xf32, #tpu.memory_space<vmem>>
    %dma_start3A_130 = tpu.memref_squeeze %dma_start3A_129 : memref<1x128x128xf32, #tpu.memory_space<vmem>> -> memref<128x128xf32, #tpu.memory_space<vmem>>
    %dma_start3A_131 = arith.constant 0 : i32
    %dma_start3A_132 = tpu.memref_slice %arg6[%dma_start3A_124, %dma_start3A_125, %dma_start3A_131] : memref<4x2x128xi32, #tpu.memory_space<vmem>> -> memref<1x1x128xi32, #tpu.memory_space<vmem>>
    %dma_start3A_133 = tpu.memref_squeeze %dma_start3A_132 : memref<1x1x128xi32, #tpu.memory_space<vmem>> -> memref<128xi32, #tpu.memory_space<vmem>>
    %dma_start3A_134 = arith.constant 0 : i32
    %dma_start3A_135 = arith.constant 0 : i32
    %dma_start3A_136 = tpu.memref_slice %arg2[%dma_start3A_134, %dma_start3A_135] : memref<10000x128xf32, #tpu.memory_space<hbm>> -> memref<10000x128xf32, #tpu.memory_space<hbm>>
    tpu.enqueue_indirect_dma source(%dma_start3A_136 : memref<10000x128xf32, #tpu.memory_space<hbm>>) target(%dma_start3A_130 : memref<128x128xf32, #tpu.memory_space<vmem>>) offsets(%dma_start3A_133 : memref<128xi32, #tpu.memory_space<vmem>>) semaphore(%arg10 : memref<!tpu.dma_semaphore, #tpu.memory_space<semaphore_mem>>)
    %while3A = arith.constant 0 : i32
    %while3A_137 = arith.constant 0 : i32
    %while3A_138 = arith.subi %select_n3A, %while3A_137 : i32
    %while3A_139 = arith.addi %while3A_137, %while3A_138 : i32
    %while3A_140 = arith.constant 1 : i32
    %while3A_141 = arith.divsi %while3A_138, %while3A_140 : i32
    %while3A_142 = arith.muli %while3A_141, %while3A_140 : i32
    %while3A_143 = arith.addi %while3A_137, %while3A_142 : i32
    %while3A_144 = arith.constant 1 : i32
    scf.for %while3A_147 = %while3A_137 to %while3A_143 step %while3A_144  : i32 {
      %jit3A_148 = arith.constant 2 : i32
      %eq3A_149 = arith.constant 0 : i32
      %eq3A_150 = arith.cmpi eq, %jit3A_148, %eq3A_149 : i32
      %jit3A_151 = arith.constant 1 : i32
      %select_n3A_152 = arith.select %eq3A_150, %jit3A_151, %jit3A_148 : i32
      %rem3A = arith.remsi %while3A_147, %select_n3A_152 : i32
      %ne3A = arith.constant 0 : i32
      %ne3A_153 = arith.cmpi ne, %rem3A, %ne3A : i32
      %lt3A = arith.constant 0 : i32
      %lt3A_154 = arith.cmpi slt, %rem3A, %lt3A : i32
      %lt3A_155 = arith.constant 0 : i32
      %lt3A_156 = arith.cmpi slt, %select_n3A_152, %lt3A_155 : i32
      %ne3A_157 = arith.xori %lt3A_154, %lt3A_156 : i1
      %and3A = arith.andi %ne3A_157, %ne3A_153 : i1
      %add3A_158 = arith.addi %rem3A, %select_n3A_152 : i32
      %select_n3A_159 = arith.select %and3A, %add3A_158, %rem3A : i32
      %jit3A_160 = arith.constant 4 : i32
      %eq3A_161 = arith.constant 0 : i32
      %eq3A_162 = arith.cmpi eq, %jit3A_160, %eq3A_161 : i32
      %jit3A_163 = arith.constant 1 : i32
      %select_n3A_164 = arith.select %eq3A_162, %jit3A_163, %jit3A_160 : i32
      %rem3A_165 = arith.remsi %while3A_147, %select_n3A_164 : i32
      %ne3A_166 = arith.constant 0 : i32
      %ne3A_167 = arith.cmpi ne, %rem3A_165, %ne3A_166 : i32
      %lt3A_168 = arith.constant 0 : i32
      %lt3A_169 = arith.cmpi slt, %rem3A_165, %lt3A_168 : i32
      %lt3A_170 = arith.constant 0 : i32
      %lt3A_171 = arith.cmpi slt, %select_n3A_164, %lt3A_170 : i32
      %ne3A_172 = arith.xori %lt3A_169, %lt3A_171 : i1
      %and3A_173 = arith.andi %ne3A_172, %ne3A_167 : i1
      %add3A_174 = arith.addi %rem3A_165, %select_n3A_164 : i32
      %select_n3A_175 = arith.select %and3A_173, %add3A_174, %rem3A_165 : i32
      %dma_wait3A_176 = arith.constant 0 : i32
      %dma_wait3A_177 = arith.constant 0 : i32
      %dma_wait3A_178 = tpu.memref_slice %arg7[%select_n3A_159, %dma_wait3A_176, %dma_wait3A_177] : memref<2x128x128xf32, #tpu.memory_space<vmem>> -> memref<1x128x128xf32, #tpu.memory_space<vmem>>
      %dma_wait3A_179 = tpu.memref_squeeze %dma_wait3A_178 : memref<1x128x128xf32, #tpu.memory_space<vmem>> -> memref<128x128xf32, #tpu.memory_space<vmem>>
      %dma_wait3A_180 = arith.constant 0 : i32
      %dma_wait3A_181 = arith.constant 0 : i32
      %dma_wait3A_182 = tpu.memref_slice %arg2[%dma_wait3A_180, %dma_wait3A_181] : memref<10000x128xf32, #tpu.memory_space<hbm>> -> memref<128x128xf32, #tpu.memory_space<hbm>>
      %dma_wait3A_183 = arith.constant 0 : i32
      %dma_wait3A_184 = arith.constant 0 : i32
      %dma_wait3A_185 = tpu.memref_slice %arg7[%select_n3A_159, %dma_wait3A_183, %dma_wait3A_184] : memref<2x128x128xf32, #tpu.memory_space<vmem>> -> memref<1x128x128xf32, #tpu.memory_space<vmem>>
      %dma_wait3A_186 = tpu.memref_squeeze %dma_wait3A_185 : memref<1x128x128xf32, #tpu.memory_space<vmem>> -> memref<128x128xf32, #tpu.memory_space<vmem>>
      %dma_wait3A_187 = arith.constant 0 : i32
      %dma_wait3A_188 = arith.constant 0 : i32
      %dma_wait3A_189 = tpu.memref_slice %arg2[%dma_wait3A_187, %dma_wait3A_188] : memref<10000x128xf32, #tpu.memory_space<hbm>> -> memref<128x128xf32, #tpu.memory_space<hbm>>
      tpu.wait_dma2 semaphore(%arg10 : memref<!tpu.dma_semaphore, #tpu.memory_space<semaphore_mem>>) src(%dma_wait3A_189 : memref<128x128xf32, #tpu.memory_space<hbm>>) dst(%dma_wait3A_186 : memref<128x128xf32, #tpu.memory_space<vmem>>)
      %run_scoped3A = arith.constant 1 : i32
      "tpu.region"() ({
        %run_scoped3A_200 = tpu.sem_alloc : memref<!tpu.dma_semaphore, #tpu.memory_space<semaphore_mem>>
        %dma_start3A_201 = arith.constant 0 : i32
        %dma_start3A_202 = arith.constant 0 : i32
        %dma_start3A_203 = tpu.memref_slice %arg7[%select_n3A_159, %dma_start3A_201, %dma_start3A_202] : memref<2x128x128xf32, #tpu.memory_space<vmem>> -> memref<1x128x128xf32, #tpu.memory_space<vmem>>
        %dma_start3A_204 = tpu.memref_squeeze %dma_start3A_203 : memref<1x128x128xf32, #tpu.memory_space<vmem>> -> memref<128x128xf32, #tpu.memory_space<vmem>>
        %dma_start3A_205 = arith.constant 0 : i32
        %dma_start3A_206 = tpu.memref_slice %arg6[%select_n3A_175, %run_scoped3A, %dma_start3A_205] : memref<4x2x128xi32, #tpu.memory_space<vmem>> -> memref<1x1x128xi32, #tpu.memory_space<vmem>>
        %dma_start3A_207 = tpu.memref_squeeze %dma_start3A_206 : memref<1x1x128xi32, #tpu.memory_space<vmem>> -> memref<128xi32, #tpu.memory_space<vmem>>
        %dma_start3A_208 = arith.constant 0 : i32
        %dma_start3A_209 = arith.constant 0 : i32
        %dma_start3A_210 = tpu.memref_slice %arg8[%dma_start3A_208, %dma_start3A_209] : memref<10112x128xf32, #tpu.memory_space<vmem_shared>> -> memref<10112x128xf32, #tpu.memory_space<vmem_shared>>
        tpu.enqueue_indirect_dma source(%dma_start3A_204 : memref<128x128xf32, #tpu.memory_space<vmem>>) target(%dma_start3A_210 : memref<10112x128xf32, #tpu.memory_space<vmem_shared>>) offsets(%dma_start3A_207 : memref<128xi32, #tpu.memory_space<vmem>>) semaphore(%run_scoped3A_200 : memref<!tpu.dma_semaphore, #tpu.memory_space<semaphore_mem>>) {add = true}
        %dma_wait3A_211 = arith.constant 0 : i32
        %dma_wait3A_212 = arith.constant 0 : i32
        %dma_wait3A_213 = tpu.memref_slice %arg7[%select_n3A_159, %dma_wait3A_211, %dma_wait3A_212] : memref<2x128x128xf32, #tpu.memory_space<vmem>> -> memref<1x128x128xf32, #tpu.memory_space<vmem>>
        %dma_wait3A_214 = tpu.memref_squeeze %dma_wait3A_213 : memref<1x128x128xf32, #tpu.memory_space<vmem>> -> memref<128x128xf32, #tpu.memory_space<vmem>>
        %dma_wait3A_215 = arith.constant 0 : i32
        %dma_wait3A_216 = tpu.memref_slice %arg6[%select_n3A_175, %run_scoped3A, %dma_wait3A_215] : memref<4x2x128xi32, #tpu.memory_space<vmem>> -> memref<1x1x128xi32, #tpu.memory_space<vmem>>
        %dma_wait3A_217 = tpu.memref_squeeze %dma_wait3A_216 : memref<1x1x128xi32, #tpu.memory_space<vmem>> -> memref<128xi32, #tpu.memory_space<vmem>>
        %dma_wait3A_218 = arith.constant 0 : i32
        %dma_wait3A_219 = arith.constant 0 : i32
        %dma_wait3A_220 = tpu.memref_slice %arg8[%dma_wait3A_218, %dma_wait3A_219] : memref<10112x128xf32, #tpu.memory_space<vmem_shared>> -> memref<10112x128xf32, #tpu.memory_space<vmem_shared>>
        tpu.wait_indirect_dma semaphore(%run_scoped3A_200 : memref<!tpu.dma_semaphore, #tpu.memory_space<semaphore_mem>>) src(%dma_wait3A_214 : memref<128x128xf32, #tpu.memory_space<vmem>>) dst(%dma_wait3A_220 : memref<10112x128xf32, #tpu.memory_space<vmem_shared>>)
        tpu.yield
      }) : () -> ()
      %add3A_190 = arith.constant 4 : i32
      %add3A_191 = arith.addi %while3A_147, %add3A_190 : i32
      %lt3A_192 = arith.cmpi slt, %add3A_191, %select_n3A : i32
      %convert_element_type3A = arith.extui %lt3A_192 : i1 to i32
      %cond3A = arith.constant 0 : i32
      %cond3A_193 = arith.cmpi ne, %convert_element_type3A, %cond3A : i32
      scf.if %cond3A_193 {
        %add3A_200 = arith.constant 4 : i32
        %add3A_201 = arith.addi %while3A_147, %add3A_200 : i32
        %dma_start3A_202 = arith.constant 0 : i32
        %dma_start3A_203 = arith.constant 0 : i32
        %dma_start3A_204 = tpu.memref_slice %arg6[%select_n3A_175, %dma_start3A_202, %dma_start3A_203] : memref<4x2x128xi32, #tpu.memory_space<vmem>> -> memref<1x2x128xi32, #tpu.memory_space<vmem>>
        %dma_start3A_205 = tpu.memref_squeeze %dma_start3A_204 : memref<1x2x128xi32, #tpu.memory_space<vmem>> -> memref<2x128xi32, #tpu.memory_space<vmem>>
        %dma_start3A_206 = arith.constant 0 : i32
        %dma_start3A_207 = arith.constant 0 : i32
        %dma_start3A_208 = tpu.memref_slice %arg3[%add3A, %add3A_201, %dma_start3A_206, %dma_start3A_207] : memref<32x110x2x128xi32, #tpu.memory_space<hbm>> -> memref<1x1x2x128xi32, #tpu.memory_space<hbm>>
        %dma_start3A_209 = tpu.memref_squeeze %dma_start3A_208 : memref<1x1x2x128xi32, #tpu.memory_space<hbm>> -> memref<2x128xi32, #tpu.memory_space<hbm>>
        %dma_start3A_210 = arith.constant 0 : i32
        %dma_start3A_211 = arith.constant 0 : i32
        %dma_start3A_212 = tpu.memref_slice %arg6[%select_n3A_175, %dma_start3A_210, %dma_start3A_211] : memref<4x2x128xi32, #tpu.memory_space<vmem>> -> memref<1x2x128xi32, #tpu.memory_space<vmem>>
        %dma_start3A_213 = tpu.memref_squeeze %dma_start3A_212 : memref<1x2x128xi32, #tpu.memory_space<vmem>> -> memref<2x128xi32, #tpu.memory_space<vmem>>
        %dma_start3A_214 = arith.constant 0 : i32
        %dma_start3A_215 = arith.constant 0 : i32
        %dma_start3A_216 = tpu.memref_slice %arg3[%add3A, %add3A_201, %dma_start3A_214, %dma_start3A_215] : memref<32x110x2x128xi32, #tpu.memory_space<hbm>> -> memref<1x1x2x128xi32, #tpu.memory_space<hbm>>
        %dma_start3A_217 = tpu.memref_squeeze %dma_start3A_216 : memref<1x1x2x128xi32, #tpu.memory_space<hbm>> -> memref<2x128xi32, #tpu.memory_space<hbm>>
        tpu.enqueue_dma source(%dma_start3A_217 : memref<2x128xi32, #tpu.memory_space<hbm>>) target(%dma_start3A_213 : memref<2x128xi32, #tpu.memory_space<vmem>>) target_semaphore(%arg9 : memref<!tpu.dma_semaphore, #tpu.memory_space<semaphore_mem>>)
      } else {
      }
      %add3A_194 = arith.constant 2 : i32
      %add3A_195 = arith.addi %while3A_147, %add3A_194 : i32
      %lt3A_196 = arith.cmpi slt, %add3A_195, %select_n3A : i32
      %convert_element_type3A_197 = arith.extui %lt3A_196 : i1 to i32
      %cond3A_198 = arith.constant 0 : i32
      %cond3A_199 = arith.cmpi ne, %convert_element_type3A_197, %cond3A_198 : i32
      scf.if %cond3A_199 {
        %dma_wait3A_200 = arith.constant 0 : i32
        %dma_wait3A_201 = arith.constant 0 : i32
        %dma_wait3A_202 = arith.constant 0 : i32
        %dma_wait3A_203 = tpu.memref_slice %arg6[%select_n3A_175, %dma_wait3A_201, %dma_wait3A_202] : memref<4x2x128xi32, #tpu.memory_space<vmem>> -> memref<1x2x128xi32, #tpu.memory_space<vmem>>
        %dma_wait3A_204 = tpu.memref_squeeze %dma_wait3A_203 : memref<1x2x128xi32, #tpu.memory_space<vmem>> -> memref<2x128xi32, #tpu.memory_space<vmem>>
        %dma_wait3A_205 = arith.constant 0 : i32
        %dma_wait3A_206 = arith.constant 0 : i32
        %dma_wait3A_207 = tpu.memref_slice %arg3[%add3A, %dma_wait3A_200, %dma_wait3A_205, %dma_wait3A_206] : memref<32x110x2x128xi32, #tpu.memory_space<hbm>> -> memref<1x1x2x128xi32, #tpu.memory_space<hbm>>
        %dma_wait3A_208 = tpu.memref_squeeze %dma_wait3A_207 : memref<1x1x2x128xi32, #tpu.memory_space<hbm>> -> memref<2x128xi32, #tpu.memory_space<hbm>>
        %dma_wait3A_209 = arith.constant 0 : i32
        %dma_wait3A_210 = arith.constant 0 : i32
        %dma_wait3A_211 = tpu.memref_slice %arg6[%select_n3A_175, %dma_wait3A_209, %dma_wait3A_210] : memref<4x2x128xi32, #tpu.memory_space<vmem>> -> memref<1x2x128xi32, #tpu.memory_space<vmem>>
        %dma_wait3A_212 = tpu.memref_squeeze %dma_wait3A_211 : memref<1x2x128xi32, #tpu.memory_space<vmem>> -> memref<2x128xi32, #tpu.memory_space<vmem>>
        %dma_wait3A_213 = arith.constant 0 : i32
        %dma_wait3A_214 = arith.constant 0 : i32
        %dma_wait3A_215 = tpu.memref_slice %arg3[%add3A, %dma_wait3A_200, %dma_wait3A_213, %dma_wait3A_214] : memref<32x110x2x128xi32, #tpu.memory_space<hbm>> -> memref<1x1x2x128xi32, #tpu.memory_space<hbm>>
        %dma_wait3A_216 = tpu.memref_squeeze %dma_wait3A_215 : memref<1x1x2x128xi32, #tpu.memory_space<hbm>> -> memref<2x128xi32, #tpu.memory_space<hbm>>
        tpu.wait_dma2 semaphore(%arg9 : memref<!tpu.dma_semaphore, #tpu.memory_space<semaphore_mem>>) src(%dma_wait3A_216 : memref<2x128xi32, #tpu.memory_space<hbm>>) dst(%dma_wait3A_212 : memref<2x128xi32, #tpu.memory_space<vmem>>)
        %add3A_217 = arith.constant 2 : i32
        %add3A_218 = arith.addi %while3A_147, %add3A_217 : i32
        %jit3A_219 = arith.constant 4 : i32
        %eq3A_220 = arith.constant 0 : i32
        %eq3A_221 = arith.cmpi eq, %jit3A_219, %eq3A_220 : i32
        %jit3A_222 = arith.constant 1 : i32
        %select_n3A_223 = arith.select %eq3A_221, %jit3A_222, %jit3A_219 : i32
        %rem3A_224 = arith.remsi %add3A_218, %select_n3A_223 : i32
        %ne3A_225 = arith.constant 0 : i32
        %ne3A_226 = arith.cmpi ne, %rem3A_224, %ne3A_225 : i32
        %lt3A_227 = arith.constant 0 : i32
        %lt3A_228 = arith.cmpi slt, %rem3A_224, %lt3A_227 : i32
        %lt3A_229 = arith.constant 0 : i32
        %lt3A_230 = arith.cmpi slt, %select_n3A_223, %lt3A_229 : i32
        %ne3A_231 = arith.xori %lt3A_228, %lt3A_230 : i1
        %and3A_232 = arith.andi %ne3A_231, %ne3A_226 : i1
        %add3A_233 = arith.addi %rem3A_224, %select_n3A_223 : i32
        %select_n3A_234 = arith.select %and3A_232, %add3A_233, %rem3A_224 : i32
        %dma_start3A_235 = arith.constant 0 : i32
        %dma_start3A_236 = arith.constant 0 : i32
        %dma_start3A_237 = arith.constant 0 : i32
        %dma_start3A_238 = tpu.memref_slice %arg7[%select_n3A_159, %dma_start3A_236, %dma_start3A_237] : memref<2x128x128xf32, #tpu.memory_space<vmem>> -> memref<1x128x128xf32, #tpu.memory_space<vmem>>
        %dma_start3A_239 = tpu.memref_squeeze %dma_start3A_238 : memref<1x128x128xf32, #tpu.memory_space<vmem>> -> memref<128x128xf32, #tpu.memory_space<vmem>>
        %dma_start3A_240 = arith.constant 0 : i32
        %dma_start3A_241 = tpu.memref_slice %arg6[%select_n3A_234, %dma_start3A_235, %dma_start3A_240] : memref<4x2x128xi32, #tpu.memory_space<vmem>> -> memref<1x1x128xi32, #tpu.memory_space<vmem>>
        %dma_start3A_242 = tpu.memref_squeeze %dma_start3A_241 : memref<1x1x128xi32, #tpu.memory_space<vmem>> -> memref<128xi32, #tpu.memory_space<vmem>>
        %dma_start3A_243 = arith.constant 0 : i32
        %dma_start3A_244 = arith.constant 0 : i32
        %dma_start3A_245 = tpu.memref_slice %arg2[%dma_start3A_243, %dma_start3A_244] : memref<10000x128xf32, #tpu.memory_space<hbm>> -> memref<10000x128xf32, #tpu.memory_space<hbm>>
        tpu.enqueue_indirect_dma source(%dma_start3A_245 : memref<10000x128xf32, #tpu.memory_space<hbm>>) target(%dma_start3A_239 : memref<128x128xf32, #tpu.memory_space<vmem>>) offsets(%dma_start3A_242 : memref<128xi32, #tpu.memory_space<vmem>>) semaphore(%arg10 : memref<!tpu.dma_semaphore, #tpu.memory_space<semaphore_mem>>)
      } else {
      }
    }
    %while3A_145 = arith.constant 1 : i32
    scf.for %while3A_147 = %while3A_143 to %while3A_139 step %while3A_145  : i32 {
      %jit3A_148 = arith.constant 2 : i32
      %eq3A_149 = arith.constant 0 : i32
      %eq3A_150 = arith.cmpi eq, %jit3A_148, %eq3A_149 : i32
      %jit3A_151 = arith.constant 1 : i32
      %select_n3A_152 = arith.select %eq3A_150, %jit3A_151, %jit3A_148 : i32
      %rem3A = arith.remsi %while3A_147, %select_n3A_152 : i32
      %ne3A = arith.constant 0 : i32
      %ne3A_153 = arith.cmpi ne, %rem3A, %ne3A : i32
      %lt3A = arith.constant 0 : i32
      %lt3A_154 = arith.cmpi slt, %rem3A, %lt3A : i32
      %lt3A_155 = arith.constant 0 : i32
      %lt3A_156 = arith.cmpi slt, %select_n3A_152, %lt3A_155 : i32
      %ne3A_157 = arith.xori %lt3A_154, %lt3A_156 : i1
      %and3A = arith.andi %ne3A_157, %ne3A_153 : i1
      %add3A_158 = arith.addi %rem3A, %select_n3A_152 : i32
      %select_n3A_159 = arith.select %and3A, %add3A_158, %rem3A : i32
      %jit3A_160 = arith.constant 4 : i32
      %eq3A_161 = arith.constant 0 : i32
      %eq3A_162 = arith.cmpi eq, %jit3A_160, %eq3A_161 : i32
      %jit3A_163 = arith.constant 1 : i32
      %select_n3A_164 = arith.select %eq3A_162, %jit3A_163, %jit3A_160 : i32
      %rem3A_165 = arith.remsi %while3A_147, %select_n3A_164 : i32
      %ne3A_166 = arith.constant 0 : i32
      %ne3A_167 = arith.cmpi ne, %rem3A_165, %ne3A_166 : i32
      %lt3A_168 = arith.constant 0 : i32
      %lt3A_169 = arith.cmpi slt, %rem3A_165, %lt3A_168 : i32
      %lt3A_170 = arith.constant 0 : i32
      %lt3A_171 = arith.cmpi slt, %select_n3A_164, %lt3A_170 : i32
      %ne3A_172 = arith.xori %lt3A_169, %lt3A_171 : i1
      %and3A_173 = arith.andi %ne3A_172, %ne3A_167 : i1
      %add3A_174 = arith.addi %rem3A_165, %select_n3A_164 : i32
      %select_n3A_175 = arith.select %and3A_173, %add3A_174, %rem3A_165 : i32
      %dma_wait3A_176 = arith.constant 0 : i32
      %dma_wait3A_177 = arith.constant 0 : i32
      %dma_wait3A_178 = tpu.memref_slice %arg7[%select_n3A_159, %dma_wait3A_176, %dma_wait3A_177] : memref<2x128x128xf32, #tpu.memory_space<vmem>> -> memref<1x128x128xf32, #tpu.memory_space<vmem>>
      %dma_wait3A_179 = tpu.memref_squeeze %dma_wait3A_178 : memref<1x128x128xf32, #tpu.memory_space<vmem>> -> memref<128x128xf32, #tpu.memory_space<vmem>>
      %dma_wait3A_180 = arith.constant 0 : i32
      %dma_wait3A_181 = arith.constant 0 : i32
      %dma_wait3A_182 = tpu.memref_slice %arg2[%dma_wait3A_180, %dma_wait3A_181] : memref<10000x128xf32, #tpu.memory_space<hbm>> -> memref<128x128xf32, #tpu.memory_space<hbm>>
      %dma_wait3A_183 = arith.constant 0 : i32
      %dma_wait3A_184 = arith.constant 0 : i32
      %dma_wait3A_185 = tpu.memref_slice %arg7[%select_n3A_159, %dma_wait3A_183, %dma_wait3A_184] : memref<2x128x128xf32, #tpu.memory_space<vmem>> -> memref<1x128x128xf32, #tpu.memory_space<vmem>>
      %dma_wait3A_186 = tpu.memref_squeeze %dma_wait3A_185 : memref<1x128x128xf32, #tpu.memory_space<vmem>> -> memref<128x128xf32, #tpu.memory_space<vmem>>
      %dma_wait3A_187 = arith.constant 0 : i32
      %dma_wait3A_188 = arith.constant 0 : i32
      %dma_wait3A_189 = tpu.memref_slice %arg2[%dma_wait3A_187, %dma_wait3A_188] : memref<10000x128xf32, #tpu.memory_space<hbm>> -> memref<128x128xf32, #tpu.memory_space<hbm>>
      tpu.wait_dma2 semaphore(%arg10 : memref<!tpu.dma_semaphore, #tpu.memory_space<semaphore_mem>>) src(%dma_wait3A_189 : memref<128x128xf32, #tpu.memory_space<hbm>>) dst(%dma_wait3A_186 : memref<128x128xf32, #tpu.memory_space<vmem>>)
      %run_scoped3A = arith.constant 1 : i32
      "tpu.region"() ({
        %run_scoped3A_200 = tpu.sem_alloc : memref<!tpu.dma_semaphore, #tpu.memory_space<semaphore_mem>>
        %dma_start3A_201 = arith.constant 0 : i32
        %dma_start3A_202 = arith.constant 0 : i32
        %dma_start3A_203 = tpu.memref_slice %arg7[%select_n3A_159, %dma_start3A_201, %dma_start3A_202] : memref<2x128x128xf32, #tpu.memory_space<vmem>> -> memref<1x128x128xf32, #tpu.memory_space<vmem>>
        %dma_start3A_204 = tpu.memref_squeeze %dma_start3A_203 : memref<1x128x128xf32, #tpu.memory_space<vmem>> -> memref<128x128xf32, #tpu.memory_space<vmem>>
        %dma_start3A_205 = arith.constant 0 : i32
        %dma_start3A_206 = tpu.memref_slice %arg6[%select_n3A_175, %run_scoped3A, %dma_start3A_205] : memref<4x2x128xi32, #tpu.memory_space<vmem>> -> memref<1x1x128xi32, #tpu.memory_space<vmem>>
        %dma_start3A_207 = tpu.memref_squeeze %dma_start3A_206 : memref<1x1x128xi32, #tpu.memory_space<vmem>> -> memref<128xi32, #tpu.memory_space<vmem>>
        %dma_start3A_208 = arith.constant 0 : i32
        %dma_start3A_209 = arith.constant 0 : i32
        %dma_start3A_210 = tpu.memref_slice %arg8[%dma_start3A_208, %dma_start3A_209] : memref<10112x128xf32, #tpu.memory_space<vmem_shared>> -> memref<10112x128xf32, #tpu.memory_space<vmem_shared>>
        tpu.enqueue_indirect_dma source(%dma_start3A_204 : memref<128x128xf32, #tpu.memory_space<vmem>>) target(%dma_start3A_210 : memref<10112x128xf32, #tpu.memory_space<vmem_shared>>) offsets(%dma_start3A_207 : memref<128xi32, #tpu.memory_space<vmem>>) semaphore(%run_scoped3A_200 : memref<!tpu.dma_semaphore, #tpu.memory_space<semaphore_mem>>) {add = true}
        %dma_wait3A_211 = arith.constant 0 : i32
        %dma_wait3A_212 = arith.constant 0 : i32
        %dma_wait3A_213 = tpu.memref_slice %arg7[%select_n3A_159, %dma_wait3A_211, %dma_wait3A_212] : memref<2x128x128xf32, #tpu.memory_space<vmem>> -> memref<1x128x128xf32, #tpu.memory_space<vmem>>
        %dma_wait3A_214 = tpu.memref_squeeze %dma_wait3A_213 : memref<1x128x128xf32, #tpu.memory_space<vmem>> -> memref<128x128xf32, #tpu.memory_space<vmem>>
        %dma_wait3A_215 = arith.constant 0 : i32
        %dma_wait3A_216 = tpu.memref_slice %arg6[%select_n3A_175, %run_scoped3A, %dma_wait3A_215] : memref<4x2x128xi32, #tpu.memory_space<vmem>> -> memref<1x1x128xi32, #tpu.memory_space<vmem>>
        %dma_wait3A_217 = tpu.memref_squeeze %dma_wait3A_216 : memref<1x1x128xi32, #tpu.memory_space<vmem>> -> memref<128xi32, #tpu.memory_space<vmem>>
        %dma_wait3A_218 = arith.constant 0 : i32
        %dma_wait3A_219 = arith.constant 0 : i32
        %dma_wait3A_220 = tpu.memref_slice %arg8[%dma_wait3A_218, %dma_wait3A_219] : memref<10112x128xf32, #tpu.memory_space<vmem_shared>> -> memref<10112x128xf32, #tpu.memory_space<vmem_shared>>
        tpu.wait_indirect_dma semaphore(%run_scoped3A_200 : memref<!tpu.dma_semaphore, #tpu.memory_space<semaphore_mem>>) src(%dma_wait3A_214 : memref<128x128xf32, #tpu.memory_space<vmem>>) dst(%dma_wait3A_220 : memref<10112x128xf32, #tpu.memory_space<vmem_shared>>)
        tpu.yield
      }) : () -> ()
      %add3A_190 = arith.constant 4 : i32
      %add3A_191 = arith.addi %while3A_147, %add3A_190 : i32
      %lt3A_192 = arith.cmpi slt, %add3A_191, %select_n3A : i32
      %convert_element_type3A = arith.extui %lt3A_192 : i1 to i32
      %cond3A = arith.constant 0 : i32
      %cond3A_193 = arith.cmpi ne, %convert_element_type3A, %cond3A : i32
      scf.if %cond3A_193 {
        %add3A_200 = arith.constant 4 : i32
        %add3A_201 = arith.addi %while3A_147, %add3A_200 : i32
        %dma_start3A_202 = arith.constant 0 : i32
        %dma_start3A_203 = arith.constant 0 : i32
        %dma_start3A_204 = tpu.memref_slice %arg6[%select_n3A_175, %dma_start3A_202, %dma_start3A_203] : memref<4x2x128xi32, #tpu.memory_space<vmem>> -> memref<1x2x128xi32, #tpu.memory_space<vmem>>
        %dma_start3A_205 = tpu.memref_squeeze %dma_start3A_204 : memref<1x2x128xi32, #tpu.memory_space<vmem>> -> memref<2x128xi32, #tpu.memory_space<vmem>>
        %dma_start3A_206 = arith.constant 0 : i32
        %dma_start3A_207 = arith.constant 0 : i32
        %dma_start3A_208 = tpu.memref_slice %arg3[%add3A, %add3A_201, %dma_start3A_206, %dma_start3A_207] : memref<32x110x2x128xi32, #tpu.memory_space<hbm>> -> memref<1x1x2x128xi32, #tpu.memory_space<hbm>>
        %dma_start3A_209 = tpu.memref_squeeze %dma_start3A_208 : memref<1x1x2x128xi32, #tpu.memory_space<hbm>> -> memref<2x128xi32, #tpu.memory_space<hbm>>
        %dma_start3A_210 = arith.constant 0 : i32
        %dma_start3A_211 = arith.constant 0 : i32
        %dma_start3A_212 = tpu.memref_slice %arg6[%select_n3A_175, %dma_start3A_210, %dma_start3A_211] : memref<4x2x128xi32, #tpu.memory_space<vmem>> -> memref<1x2x128xi32, #tpu.memory_space<vmem>>
        %dma_start3A_213 = tpu.memref_squeeze %dma_start3A_212 : memref<1x2x128xi32, #tpu.memory_space<vmem>> -> memref<2x128xi32, #tpu.memory_space<vmem>>
        %dma_start3A_214 = arith.constant 0 : i32
        %dma_start3A_215 = arith.constant 0 : i32
        %dma_start3A_216 = tpu.memref_slice %arg3[%add3A, %add3A_201, %dma_start3A_214, %dma_start3A_215] : memref<32x110x2x128xi32, #tpu.memory_space<hbm>> -> memref<1x1x2x128xi32, #tpu.memory_space<hbm>>
        %dma_start3A_217 = tpu.memref_squeeze %dma_start3A_216 : memref<1x1x2x128xi32, #tpu.memory_space<hbm>> -> memref<2x128xi32, #tpu.memory_space<hbm>>
        tpu.enqueue_dma source(%dma_start3A_217 : memref<2x128xi32, #tpu.memory_space<hbm>>) target(%dma_start3A_213 : memref<2x128xi32, #tpu.memory_space<vmem>>) target_semaphore(%arg9 : memref<!tpu.dma_semaphore, #tpu.memory_space<semaphore_mem>>)
      } else {
      }
      %add3A_194 = arith.constant 2 : i32
      %add3A_195 = arith.addi %while3A_147, %add3A_194 : i32
      %lt3A_196 = arith.cmpi slt, %add3A_195, %select_n3A : i32
      %convert_element_type3A_197 = arith.extui %lt3A_196 : i1 to i32
      %cond3A_198 = arith.constant 0 : i32
      %cond3A_199 = arith.cmpi ne, %convert_element_type3A_197, %cond3A_198 : i32
      scf.if %cond3A_199 {
        %dma_wait3A_200 = arith.constant 0 : i32
        %dma_wait3A_201 = arith.constant 0 : i32
        %dma_wait3A_202 = arith.constant 0 : i32
        %dma_wait3A_203 = tpu.memref_slice %arg6[%select_n3A_175, %dma_wait3A_201, %dma_wait3A_202] : memref<4x2x128xi32, #tpu.memory_space<vmem>> -> memref<1x2x128xi32, #tpu.memory_space<vmem>>
        %dma_wait3A_204 = tpu.memref_squeeze %dma_wait3A_203 : memref<1x2x128xi32, #tpu.memory_space<vmem>> -> memref<2x128xi32, #tpu.memory_space<vmem>>
        %dma_wait3A_205 = arith.constant 0 : i32
        %dma_wait3A_206 = arith.constant 0 : i32
        %dma_wait3A_207 = tpu.memref_slice %arg3[%add3A, %dma_wait3A_200, %dma_wait3A_205, %dma_wait3A_206] : memref<32x110x2x128xi32, #tpu.memory_space<hbm>> -> memref<1x1x2x128xi32, #tpu.memory_space<hbm>>
        %dma_wait3A_208 = tpu.memref_squeeze %dma_wait3A_207 : memref<1x1x2x128xi32, #tpu.memory_space<hbm>> -> memref<2x128xi32, #tpu.memory_space<hbm>>
        %dma_wait3A_209 = arith.constant 0 : i32
        %dma_wait3A_210 = arith.constant 0 : i32
        %dma_wait3A_211 = tpu.memref_slice %arg6[%select_n3A_175, %dma_wait3A_209, %dma_wait3A_210] : memref<4x2x128xi32, #tpu.memory_space<vmem>> -> memref<1x2x128xi32, #tpu.memory_space<vmem>>
        %dma_wait3A_212 = tpu.memref_squeeze %dma_wait3A_211 : memref<1x2x128xi32, #tpu.memory_space<vmem>> -> memref<2x128xi32, #tpu.memory_space<vmem>>
        %dma_wait3A_213 = arith.constant 0 : i32
        %dma_wait3A_214 = arith.constant 0 : i32
        %dma_wait3A_215 = tpu.memref_slice %arg3[%add3A, %dma_wait3A_200, %dma_wait3A_213, %dma_wait3A_214] : memref<32x110x2x128xi32, #tpu.memory_space<hbm>> -> memref<1x1x2x128xi32, #tpu.memory_space<hbm>>
        %dma_wait3A_216 = tpu.memref_squeeze %dma_wait3A_215 : memref<1x1x2x128xi32, #tpu.memory_space<hbm>> -> memref<2x128xi32, #tpu.memory_space<hbm>>
        tpu.wait_dma2 semaphore(%arg9 : memref<!tpu.dma_semaphore, #tpu.memory_space<semaphore_mem>>) src(%dma_wait3A_216 : memref<2x128xi32, #tpu.memory_space<hbm>>) dst(%dma_wait3A_212 : memref<2x128xi32, #tpu.memory_space<vmem>>)
        %add3A_217 = arith.constant 2 : i32
        %add3A_218 = arith.addi %while3A_147, %add3A_217 : i32
        %jit3A_219 = arith.constant 4 : i32
        %eq3A_220 = arith.constant 0 : i32
        %eq3A_221 = arith.cmpi eq, %jit3A_219, %eq3A_220 : i32
        %jit3A_222 = arith.constant 1 : i32
        %select_n3A_223 = arith.select %eq3A_221, %jit3A_222, %jit3A_219 : i32
        %rem3A_224 = arith.remsi %add3A_218, %select_n3A_223 : i32
        %ne3A_225 = arith.constant 0 : i32
        %ne3A_226 = arith.cmpi ne, %rem3A_224, %ne3A_225 : i32
        %lt3A_227 = arith.constant 0 : i32
        %lt3A_228 = arith.cmpi slt, %rem3A_224, %lt3A_227 : i32
        %lt3A_229 = arith.constant 0 : i32
        %lt3A_230 = arith.cmpi slt, %select_n3A_223, %lt3A_229 : i32
        %ne3A_231 = arith.xori %lt3A_228, %lt3A_230 : i1
        %and3A_232 = arith.andi %ne3A_231, %ne3A_226 : i1
        %add3A_233 = arith.addi %rem3A_224, %select_n3A_223 : i32
        %select_n3A_234 = arith.select %and3A_232, %add3A_233, %rem3A_224 : i32
        %dma_start3A_235 = arith.constant 0 : i32
        %dma_start3A_236 = arith.constant 0 : i32
        %dma_start3A_237 = arith.constant 0 : i32
        %dma_start3A_238 = tpu.memref_slice %arg7[%select_n3A_159, %dma_start3A_236, %dma_start3A_237] : memref<2x128x128xf32, #tpu.memory_space<vmem>> -> memref<1x128x128xf32, #tpu.memory_space<vmem>>
        %dma_start3A_239 = tpu.memref_squeeze %dma_start3A_238 : memref<1x128x128xf32, #tpu.memory_space<vmem>> -> memref<128x128xf32, #tpu.memory_space<vmem>>
        %dma_start3A_240 = arith.constant 0 : i32
        %dma_start3A_241 = tpu.memref_slice %arg6[%select_n3A_234, %dma_start3A_235, %dma_start3A_240] : memref<4x2x128xi32, #tpu.memory_space<vmem>> -> memref<1x1x128xi32, #tpu.memory_space<vmem>>
        %dma_start3A_242 = tpu.memref_squeeze %dma_start3A_241 : memref<1x1x128xi32, #tpu.memory_space<vmem>> -> memref<128xi32, #tpu.memory_space<vmem>>
        %dma_start3A_243 = arith.constant 0 : i32
        %dma_start3A_244 = arith.constant 0 : i32
        %dma_start3A_245 = tpu.memref_slice %arg2[%dma_start3A_243, %dma_start3A_244] : memref<10000x128xf32, #tpu.memory_space<hbm>> -> memref<10000x128xf32, #tpu.memory_space<hbm>>
        tpu.enqueue_indirect_dma source(%dma_start3A_245 : memref<10000x128xf32, #tpu.memory_space<hbm>>) target(%dma_start3A_239 : memref<128x128xf32, #tpu.memory_space<vmem>>) offsets(%dma_start3A_242 : memref<128xi32, #tpu.memory_space<vmem>>) semaphore(%arg10 : memref<!tpu.dma_semaphore, #tpu.memory_space<semaphore_mem>>)
      } else {
      }
    }
    %barrier3A_146 = arith.constant 0 : index
    tpu.barrier barrier_id(%barrier3A_146)
    "tpu.region"() ({
      %run_scoped3A = tpu.sem_alloc : memref<!tpu.dma_semaphore, #tpu.memory_space<semaphore_mem>>
      %dma_start3A_147 = arith.constant 0 : i32
      %dma_start3A_148 = tpu.memref_slice %arg5[%arg0, %mul3A_4, %dma_start3A_147] : memref<2x10112x128xf32, #tpu.memory_space<hbm>> -> memref<1x632x128xf32, #tpu.memory_space<hbm>>
      %dma_start3A_149 = tpu.memref_squeeze %dma_start3A_148 : memref<1x632x128xf32, #tpu.memory_space<hbm>> -> memref<632x128xf32, #tpu.memory_space<hbm>>
      %dma_start3A_150 = arith.constant 0 : i32
      %dma_start3A_151 = tpu.memref_slice %arg8[%mul3A_4, %dma_start3A_150] : memref<10112x128xf32, #tpu.memory_space<vmem_shared>> -> memref<632x128xf32, #tpu.memory_space<vmem_shared>>
      tpu.enqueue_dma source(%dma_start3A_151 : memref<632x128xf32, #tpu.memory_space<vmem_shared>>) target(%dma_start3A_149 : memref<632x128xf32, #tpu.memory_space<hbm>>) target_semaphore(%run_scoped3A : memref<!tpu.dma_semaphore, #tpu.memory_space<semaphore_mem>>)
      %dma_wait3A_152 = arith.constant 0 : i32
      %dma_wait3A_153 = tpu.memref_slice %arg5[%arg0, %mul3A_4, %dma_wait3A_152] : memref<2x10112x128xf32, #tpu.memory_space<hbm>> -> memref<1x632x128xf32, #tpu.memory_space<hbm>>
      %dma_wait3A_154 = tpu.memref_squeeze %dma_wait3A_153 : memref<1x632x128xf32, #tpu.memory_space<hbm>> -> memref<632x128xf32, #tpu.memory_space<hbm>>
      %dma_wait3A_155 = arith.constant 0 : i32
      %dma_wait3A_156 = tpu.memref_slice %arg8[%mul3A_4, %dma_wait3A_155] : memref<10112x128xf32, #tpu.memory_space<vmem_shared>> -> memref<632x128xf32, #tpu.memory_space<vmem_shared>>
      tpu.wait_dma2 semaphore(%run_scoped3A : memref<!tpu.dma_semaphore, #tpu.memory_space<semaphore_mem>>) src(%dma_wait3A_156 : memref<632x128xf32, #tpu.memory_space<vmem_shared>>) dst(%dma_wait3A_154 : memref<632x128xf32, #tpu.memory_space<hbm>>)
      tpu.yield
    }) : () -> ()
    return
  }
}

#map = affine_map<(d0, d1) -> (0, 0)>
#map1 = affine_map<(d0, d1) -> (0, 0, 0, 0)>
#map2 = affine_map<(d0, d1) -> (0, 0, 0)>
module attributes {stable_mosaic.version = 14 : i64} {
  func.func @_agg(%arg0: i32, %arg1: i32, %arg2: memref<10000x128xf32, #tpu.memory_space<hbm>>, %arg3: memref<32x110x2x128xi32, #tpu.memory_space<hbm>>, %arg4: memref<10112x128xf32, #tpu.memory_space<hbm>>, %arg5: memref<2x10112x128xf32, #tpu.memory_space<hbm>>, %arg6: memref<4x2x128xi32, #tpu.memory_space<vmem>>, %arg7: memref<2x128x128xf32, #tpu.memory_space<vmem>>, %arg8: memref<10112x128xf32, #tpu.memory_space<vmem_shared>>, %arg9: memref<!tpu.dma_semaphore, #tpu.memory_space<semaphore_mem>>, %arg10: memref<!tpu.dma_semaphore, #tpu.memory_space<semaphore_mem>>, %arg11: memref<!tpu.dma_semaphore, #tpu.memory_space<semaphore_mem>>) attributes {dimension_semantics = [#tpu.dimension_semantics<core_parallel>, #tpu.dimension_semantics<subcore_parallel>], iteration_bounds = array<i64: 2, 16>, scalar_prefetch = 0 : i64, scratch_operands = 6 : i64, tpu.core_type = #tpu.core_type<sc_vector_subcore>, window_params = [{transform_indices = #map}, {transform_indices = #map1}, {transform_indices = #map}, {transform_indices = #map2}]} {
    %mul3A = arith.constant 2 : i32
    %mul3A_0 = arith.muli %arg1, %mul3A : i32
    %add3A = arith.addi %mul3A_0, %arg0 : i32
    %eq3A = arith.constant 0 : i32
    %eq3A_1 = arith.cmpi eq, %arg0, %eq3A : i32
    %jit3A = arith.constant 110 : i32
    %jit3A_2 = arith.constant 52 : i32
    %select_n3A = arith.select %eq3A_1, %jit3A, %jit3A_2 : i32
    %mul3A_3 = arith.constant 632 : i32
    %mul3A_4 = arith.muli %arg1, %mul3A_3 : i32
    "tpu.region"() ({
      %run_scoped3A = tpu.sem_alloc : memref<!tpu.dma_semaphore, #tpu.memory_space<semaphore_mem>>
      %dma_start3A_147 = arith.constant 0 : i32
      %dma_start3A_148 = tpu.memref_slice %arg8[%mul3A_4, %dma_start3A_147] : memref<10112x128xf32, #tpu.memory_space<vmem_shared>> -> memref<632x128xf32, #tpu.memory_space<vmem_shared>>
      %dma_start3A_149 = arith.constant 0 : i32
      %dma_start3A_150 = tpu.memref_slice %arg4[%mul3A_4, %dma_start3A_149] : memref<10112x128xf32, #tpu.memory_space<hbm>> -> memref<632x128xf32, #tpu.memory_space<hbm>>
      tpu.enqueue_dma source(%dma_start3A_150 : memref<632x128xf32, #tpu.memory_space<hbm>>) target(%dma_start3A_148 : memref<632x128xf32, #tpu.memory_space<vmem_shared>>) target_semaphore(%run_scoped3A : memref<!tpu.dma_semaphore, #tpu.memory_space<semaphore_mem>>)
      %dma_wait3A_151 = arith.constant 0 : i32
      %dma_wait3A_152 = tpu.memref_slice %arg8[%mul3A_4, %dma_wait3A_151] : memref<10112x128xf32, #tpu.memory_space<vmem_shared>> -> memref<632x128xf32, #tpu.memory_space<vmem_shared>>
      %dma_wait3A_153 = arith.constant 0 : i32
      %dma_wait3A_154 = tpu.memref_slice %arg4[%mul3A_4, %dma_wait3A_153] : memref<10112x128xf32, #tpu.memory_space<hbm>> -> memref<632x128xf32, #tpu.memory_space<hbm>>
      tpu.wait_dma2 semaphore(%run_scoped3A : memref<!tpu.dma_semaphore, #tpu.memory_space<semaphore_mem>>) src(%dma_wait3A_154 : memref<632x128xf32, #tpu.memory_space<hbm>>) dst(%dma_wait3A_152 : memref<632x128xf32, #tpu.memory_space<vmem_shared>>)
      tpu.yield
    }) : () -> ()
    %dma_start3A = arith.constant 0 : i32
    %dma_start3A_5 = arith.constant 0 : i32
    %dma_start3A_6 = arith.constant 0 : i32
    %dma_start3A_7 = arith.constant 0 : i32
    %dma_start3A_8 = tpu.memref_slice %arg6[%dma_start3A_5, %dma_start3A_6, %dma_start3A_7] : memref<4x2x128xi32, #tpu.memory_space<vmem>> -> memref<1x2x128xi32, #tpu.memory_space<vmem>>
    %dma_start3A_9 = tpu.memref_squeeze %dma_start3A_8 : memref<1x2x128xi32, #tpu.memory_space<vmem>> -> memref<2x128xi32, #tpu.memory_space<vmem>>
    %dma_start3A_10 = arith.constant 0 : i32
    %dma_start3A_11 = arith.constant 0 : i32
    %dma_start3A_12 = tpu.memref_slice %arg3[%add3A, %dma_start3A, %dma_start3A_10, %dma_start3A_11] : memref<32x110x2x128xi32, #tpu.memory_space<hbm>> -> memref<1x1x2x128xi32, #tpu.memory_space<hbm>>
    %dma_start3A_13 = tpu.memref_squeeze %dma_start3A_12 : memref<1x1x2x128xi32, #tpu.memory_space<hbm>> -> memref<2x128xi32, #tpu.memory_space<hbm>>
    %dma_start3A_14 = arith.constant 0 : i32
    %dma_start3A_15 = arith.constant 0 : i32
    %dma_start3A_16 = tpu.memref_slice %arg6[%dma_start3A_5, %dma_start3A_14, %dma_start3A_15] : memref<4x2x128xi32, #tpu.memory_space<vmem>> -> memref<1x2x128xi32, #tpu.memory_space<vmem>>
    %dma_start3A_17 = tpu.memref_squeeze %dma_start3A_16 : memref<1x2x128xi32, #tpu.memory_space<vmem>> -> memref<2x128xi32, #tpu.memory_space<vmem>>
    %dma_start3A_18 = arith.constant 0 : i32
    %dma_start3A_19 = arith.constant 0 : i32
    %dma_start3A_20 = tpu.memref_slice %arg3[%add3A, %dma_start3A, %dma_start3A_18, %dma_start3A_19] : memref<32x110x2x128xi32, #tpu.memory_space<hbm>> -> memref<1x1x2x128xi32, #tpu.memory_space<hbm>>
    %dma_start3A_21 = tpu.memref_squeeze %dma_start3A_20 : memref<1x1x2x128xi32, #tpu.memory_space<hbm>> -> memref<2x128xi32, #tpu.memory_space<hbm>>
    tpu.enqueue_dma source(%dma_start3A_21 : memref<2x128xi32, #tpu.memory_space<hbm>>) target(%dma_start3A_17 : memref<2x128xi32, #tpu.memory_space<vmem>>) target_semaphore(%arg9 : memref<!tpu.dma_semaphore, #tpu.memory_space<semaphore_mem>>)
    %dma_start3A_22 = arith.constant 1 : i32
    %dma_start3A_23 = arith.constant 1 : i32
    %dma_start3A_24 = arith.constant 0 : i32
    %dma_start3A_25 = arith.constant 0 : i32
    %dma_start3A_26 = tpu.memref_slice %arg6[%dma_start3A_23, %dma_start3A_24, %dma_start3A_25] : memref<4x2x128xi32, #tpu.memory_space<vmem>> -> memref<1x2x128xi32, #tpu.memory_space<vmem>>
    %dma_start3A_27 = tpu.memref_squeeze %dma_start3A_26 : memref<1x2x128xi32, #tpu.memory_space<vmem>> -> memref<2x128xi32, #tpu.memory_space<vmem>>
    %dma_start3A_28 = arith.constant 0 : i32
    %dma_start3A_29 = arith.constant 0 : i32
    %dma_start3A_30 = tpu.memref_slice %arg3[%add3A, %dma_start3A_22, %dma_start3A_28, %dma_start3A_29] : memref<32x110x2x128xi32, #tpu.memory_space<hbm>> -> memref<1x1x2x128xi32, #tpu.memory_space<hbm>>
    %dma_start3A_31 = tpu.memref_squeeze %dma_start3A_30 : memref<1x1x2x128xi32, #tpu.memory_space<hbm>> -> memref<2x128xi32, #tpu.memory_space<hbm>>
    %dma_start3A_32 = arith.constant 0 : i32
    %dma_start3A_33 = arith.constant 0 : i32
    %dma_start3A_34 = tpu.memref_slice %arg6[%dma_start3A_23, %dma_start3A_32, %dma_start3A_33] : memref<4x2x128xi32, #tpu.memory_space<vmem>> -> memref<1x2x128xi32, #tpu.memory_space<vmem>>
    %dma_start3A_35 = tpu.memref_squeeze %dma_start3A_34 : memref<1x2x128xi32, #tpu.memory_space<vmem>> -> memref<2x128xi32, #tpu.memory_space<vmem>>
    %dma_start3A_36 = arith.constant 0 : i32
    %dma_start3A_37 = arith.constant 0 : i32
    %dma_start3A_38 = tpu.memref_slice %arg3[%add3A, %dma_start3A_22, %dma_start3A_36, %dma_start3A_37] : memref<32x110x2x128xi32, #tpu.memory_space<hbm>> -> memref<1x1x2x128xi32, #tpu.memory_space<hbm>>
    %dma_start3A_39 = tpu.memref_squeeze %dma_start3A_38 : memref<1x1x2x128xi32, #tpu.memory_space<hbm>> -> memref<2x128xi32, #tpu.memory_space<hbm>>
    tpu.enqueue_dma source(%dma_start3A_39 : memref<2x128xi32, #tpu.memory_space<hbm>>) target(%dma_start3A_35 : memref<2x128xi32, #tpu.memory_space<vmem>>) target_semaphore(%arg9 : memref<!tpu.dma_semaphore, #tpu.memory_space<semaphore_mem>>)
    %dma_start3A_40 = arith.constant 2 : i32
    %dma_start3A_41 = arith.constant 2 : i32
    %dma_start3A_42 = arith.constant 0 : i32
    %dma_start3A_43 = arith.constant 0 : i32
    %dma_start3A_44 = tpu.memref_slice %arg6[%dma_start3A_41, %dma_start3A_42, %dma_start3A_43] : memref<4x2x128xi32, #tpu.memory_space<vmem>> -> memref<1x2x128xi32, #tpu.memory_space<vmem>>
    %dma_start3A_45 = tpu.memref_squeeze %dma_start3A_44 : memref<1x2x128xi32, #tpu.memory_space<vmem>> -> memref<2x128xi32, #tpu.memory_space<vmem>>
    %dma_start3A_46 = arith.constant 0 : i32
    %dma_start3A_47 = arith.constant 0 : i32
    %dma_start3A_48 = tpu.memref_slice %arg3[%add3A, %dma_start3A_40, %dma_start3A_46, %dma_start3A_47] : memref<32x110x2x128xi32, #tpu.memory_space<hbm>> -> memref<1x1x2x128xi32, #tpu.memory_space<hbm>>
    %dma_start3A_49 = tpu.memref_squeeze %dma_start3A_48 : memref<1x1x2x128xi32, #tpu.memory_space<hbm>> -> memref<2x128xi32, #tpu.memory_space<hbm>>
    %dma_start3A_50 = arith.constant 0 : i32
    %dma_start3A_51 = arith.constant 0 : i32
    %dma_start3A_52 = tpu.memref_slice %arg6[%dma_start3A_41, %dma_start3A_50, %dma_start3A_51] : memref<4x2x128xi32, #tpu.memory_space<vmem>> -> memref<1x2x128xi32, #tpu.memory_space<vmem>>
    %dma_start3A_53 = tpu.memref_squeeze %dma_start3A_52 : memref<1x2x128xi32, #tpu.memory_space<vmem>> -> memref<2x128xi32, #tpu.memory_space<vmem>>
    %dma_start3A_54 = arith.constant 0 : i32
    %dma_start3A_55 = arith.constant 0 : i32
    %dma_start3A_56 = tpu.memref_slice %arg3[%add3A, %dma_start3A_40, %dma_start3A_54, %dma_start3A_55] : memref<32x110x2x128xi32, #tpu.memory_space<hbm>> -> memref<1x1x2x128xi32, #tpu.memory_space<hbm>>
    %dma_start3A_57 = tpu.memref_squeeze %dma_start3A_56 : memref<1x1x2x128xi32, #tpu.memory_space<hbm>> -> memref<2x128xi32, #tpu.memory_space<hbm>>
    tpu.enqueue_dma source(%dma_start3A_57 : memref<2x128xi32, #tpu.memory_space<hbm>>) target(%dma_start3A_53 : memref<2x128xi32, #tpu.memory_space<vmem>>) target_semaphore(%arg9 : memref<!tpu.dma_semaphore, #tpu.memory_space<semaphore_mem>>)
    %dma_start3A_58 = arith.constant 3 : i32
    %dma_start3A_59 = arith.constant 3 : i32
    %dma_start3A_60 = arith.constant 0 : i32
    %dma_start3A_61 = arith.constant 0 : i32
    %dma_start3A_62 = tpu.memref_slice %arg6[%dma_start3A_59, %dma_start3A_60, %dma_start3A_61] : memref<4x2x128xi32, #tpu.memory_space<vmem>> -> memref<1x2x128xi32, #tpu.memory_space<vmem>>
    %dma_start3A_63 = tpu.memref_squeeze %dma_start3A_62 : memref<1x2x128xi32, #tpu.memory_space<vmem>> -> memref<2x128xi32, #tpu.memory_space<vmem>>
    %dma_start3A_64 = arith.constant 0 : i32
    %dma_start3A_65 = arith.constant 0 : i32
    %dma_start3A_66 = tpu.memref_slice %arg3[%add3A, %dma_start3A_58, %dma_start3A_64, %dma_start3A_65] : memref<32x110x2x128xi32, #tpu.memory_space<hbm>> -> memref<1x1x2x128xi32, #tpu.memory_space<hbm>>
    %dma_start3A_67 = tpu.memref_squeeze %dma_start3A_66 : memref<1x1x2x128xi32, #tpu.memory_space<hbm>> -> memref<2x128xi32, #tpu.memory_space<hbm>>
    %dma_start3A_68 = arith.constant 0 : i32
    %dma_start3A_69 = arith.constant 0 : i32
    %dma_start3A_70 = tpu.memref_slice %arg6[%dma_start3A_59, %dma_start3A_68, %dma_start3A_69] : memref<4x2x128xi32, #tpu.memory_space<vmem>> -> memref<1x2x128xi32, #tpu.memory_space<vmem>>
    %dma_start3A_71 = tpu.memref_squeeze %dma_start3A_70 : memref<1x2x128xi32, #tpu.memory_space<vmem>> -> memref<2x128xi32, #tpu.memory_space<vmem>>
    %dma_start3A_72 = arith.constant 0 : i32
    %dma_start3A_73 = arith.constant 0 : i32
    %dma_start3A_74 = tpu.memref_slice %arg3[%add3A, %dma_start3A_58, %dma_start3A_72, %dma_start3A_73] : memref<32x110x2x128xi32, #tpu.memory_space<hbm>> -> memref<1x1x2x128xi32, #tpu.memory_space<hbm>>
    %dma_start3A_75 = tpu.memref_squeeze %dma_start3A_74 : memref<1x1x2x128xi32, #tpu.memory_space<hbm>> -> memref<2x128xi32, #tpu.memory_space<hbm>>
    tpu.enqueue_dma source(%dma_start3A_75 : memref<2x128xi32, #tpu.memory_space<hbm>>) target(%dma_start3A_71 : memref<2x128xi32, #tpu.memory_space<vmem>>) target_semaphore(%arg9 : memref<!tpu.dma_semaphore, #tpu.memory_space<semaphore_mem>>)
    %barrier3A = arith.constant 0 : index
    tpu.barrier barrier_id(%barrier3A)
    %dma_wait3A = arith.constant 0 : i32
    %dma_wait3A_76 = arith.constant 0 : i32
    %dma_wait3A_77 = arith.constant 0 : i32
    %dma_wait3A_78 = arith.constant 0 : i32
    %dma_wait3A_79 = tpu.memref_slice %arg6[%dma_wait3A_76, %dma_wait3A_77, %dma_wait3A_78] : memref<4x2x128xi32, #tpu.memory_space<vmem>> -> memref<1x2x128xi32, #tpu.memory_space<vmem>>
    %dma_wait3A_80 = tpu.memref_squeeze %dma_wait3A_79 : memref<1x2x128xi32, #tpu.memory_space<vmem>> -> memref<2x128xi32, #tpu.memory_space<vmem>>
    %dma_wait3A_81 = arith.constant 0 : i32
    %dma_wait3A_82 = arith.constant 0 : i32
    %dma_wait3A_83 = tpu.memref_slice %arg3[%add3A, %dma_wait3A, %dma_wait3A_81, %dma_wait3A_82] : memref<32x110x2x128xi32, #tpu.memory_space<hbm>> -> memref<1x1x2x128xi32, #tpu.memory_space<hbm>>
    %dma_wait3A_84 = tpu.memref_squeeze %dma_wait3A_83 : memref<1x1x2x128xi32, #tpu.memory_space<hbm>> -> memref<2x128xi32, #tpu.memory_space<hbm>>
    %dma_wait3A_85 = arith.constant 0 : i32
    %dma_wait3A_86 = arith.constant 0 : i32
    %dma_wait3A_87 = tpu.memref_slice %arg6[%dma_wait3A_76, %dma_wait3A_85, %dma_wait3A_86] : memref<4x2x128xi32, #tpu.memory_space<vmem>> -> memref<1x2x128xi32, #tpu.memory_space<vmem>>
    %dma_wait3A_88 = tpu.memref_squeeze %dma_wait3A_87 : memref<1x2x128xi32, #tpu.memory_space<vmem>> -> memref<2x128xi32, #tpu.memory_space<vmem>>
    %dma_wait3A_89 = arith.constant 0 : i32
    %dma_wait3A_90 = arith.constant 0 : i32
    %dma_wait3A_91 = tpu.memref_slice %arg3[%add3A, %dma_wait3A, %dma_wait3A_89, %dma_wait3A_90] : memref<32x110x2x128xi32, #tpu.memory_space<hbm>> -> memref<1x1x2x128xi32, #tpu.memory_space<hbm>>
    %dma_wait3A_92 = tpu.memref_squeeze %dma_wait3A_91 : memref<1x1x2x128xi32, #tpu.memory_space<hbm>> -> memref<2x128xi32, #tpu.memory_space<hbm>>
    tpu.wait_dma2 semaphore(%arg9 : memref<!tpu.dma_semaphore, #tpu.memory_space<semaphore_mem>>) src(%dma_wait3A_92 : memref<2x128xi32, #tpu.memory_space<hbm>>) dst(%dma_wait3A_88 : memref<2x128xi32, #tpu.memory_space<vmem>>)
    %dma_start3A_93 = arith.constant 0 : i32
    %dma_start3A_94 = arith.constant 0 : i32
    %dma_start3A_95 = arith.constant 0 : i32
    %dma_start3A_96 = arith.constant 0 : i32
    %dma_start3A_97 = arith.constant 0 : i32
    %dma_start3A_98 = tpu.memref_slice %arg7[%dma_start3A_95, %dma_start3A_96, %dma_start3A_97] : memref<2x128x128xf32, #tpu.memory_space<vmem>> -> memref<1x128x128xf32, #tpu.memory_space<vmem>>
    %dma_start3A_99 = tpu.memref_squeeze %dma_start3A_98 : memref<1x128x128xf32, #tpu.memory_space<vmem>> -> memref<128x128xf32, #tpu.memory_space<vmem>>
    %dma_start3A_100 = arith.constant 0 : i32
    %dma_start3A_101 = tpu.memref_slice %arg6[%dma_start3A_93, %dma_start3A_94, %dma_start3A_100] : memref<4x2x128xi32, #tpu.memory_space<vmem>> -> memref<1x1x128xi32, #tpu.memory_space<vmem>>
    %dma_start3A_102 = tpu.memref_squeeze %dma_start3A_101 : memref<1x1x128xi32, #tpu.memory_space<vmem>> -> memref<128xi32, #tpu.memory_space<vmem>>
    %dma_start3A_103 = arith.constant 0 : i32
    %dma_start3A_104 = arith.constant 0 : i32
    %dma_start3A_105 = tpu.memref_slice %arg2[%dma_start3A_103, %dma_start3A_104] : memref<10000x128xf32, #tpu.memory_space<hbm>> -> memref<10000x128xf32, #tpu.memory_space<hbm>>
    tpu.enqueue_indirect_dma source(%dma_start3A_105 : memref<10000x128xf32, #tpu.memory_space<hbm>>) target(%dma_start3A_99 : memref<128x128xf32, #tpu.memory_space<vmem>>) offsets(%dma_start3A_102 : memref<128xi32, #tpu.memory_space<vmem>>) semaphore(%arg10 : memref<!tpu.dma_semaphore, #tpu.memory_space<semaphore_mem>>)
    %dma_wait3A_106 = arith.constant 1 : i32
    %dma_wait3A_107 = arith.constant 1 : i32
    %dma_wait3A_108 = arith.constant 0 : i32
    %dma_wait3A_109 = arith.constant 0 : i32
    %dma_wait3A_110 = tpu.memref_slice %arg6[%dma_wait3A_107, %dma_wait3A_108, %dma_wait3A_109] : memref<4x2x128xi32, #tpu.memory_space<vmem>> -> memref<1x2x128xi32, #tpu.memory_space<vmem>>
    %dma_wait3A_111 = tpu.memref_squeeze %dma_wait3A_110 : memref<1x2x128xi32, #tpu.memory_space<vmem>> -> memref<2x128xi32, #tpu.memory_space<vmem>>
    %dma_wait3A_112 = arith.constant 0 : i32
    %dma_wait3A_113 = arith.constant 0 : i32
    %dma_wait3A_114 = tpu.memref_slice %arg3[%add3A, %dma_wait3A_106, %dma_wait3A_112, %dma_wait3A_113] : memref<32x110x2x128xi32, #tpu.memory_space<hbm>> -> memref<1x1x2x128xi32, #tpu.memory_space<hbm>>
    %dma_wait3A_115 = tpu.memref_squeeze %dma_wait3A_114 : memref<1x1x2x128xi32, #tpu.memory_space<hbm>> -> memref<2x128xi32, #tpu.memory_space<hbm>>
    %dma_wait3A_116 = arith.constant 0 : i32
    %dma_wait3A_117 = arith.constant 0 : i32
    %dma_wait3A_118 = tpu.memref_slice %arg6[%dma_wait3A_107, %dma_wait3A_116, %dma_wait3A_117] : memref<4x2x128xi32, #tpu.memory_space<vmem>> -> memref<1x2x128xi32, #tpu.memory_space<vmem>>
    %dma_wait3A_119 = tpu.memref_squeeze %dma_wait3A_118 : memref<1x2x128xi32, #tpu.memory_space<vmem>> -> memref<2x128xi32, #tpu.memory_space<vmem>>
    %dma_wait3A_120 = arith.constant 0 : i32
    %dma_wait3A_121 = arith.constant 0 : i32
    %dma_wait3A_122 = tpu.memref_slice %arg3[%add3A, %dma_wait3A_106, %dma_wait3A_120, %dma_wait3A_121] : memref<32x110x2x128xi32, #tpu.memory_space<hbm>> -> memref<1x1x2x128xi32, #tpu.memory_space<hbm>>
    %dma_wait3A_123 = tpu.memref_squeeze %dma_wait3A_122 : memref<1x1x2x128xi32, #tpu.memory_space<hbm>> -> memref<2x128xi32, #tpu.memory_space<hbm>>
    tpu.wait_dma2 semaphore(%arg9 : memref<!tpu.dma_semaphore, #tpu.memory_space<semaphore_mem>>) src(%dma_wait3A_123 : memref<2x128xi32, #tpu.memory_space<hbm>>) dst(%dma_wait3A_119 : memref<2x128xi32, #tpu.memory_space<vmem>>)
    %dma_start3A_124 = arith.constant 1 : i32
    %dma_start3A_125 = arith.constant 0 : i32
    %dma_start3A_126 = arith.constant 1 : i32
    %dma_start3A_127 = arith.constant 0 : i32
    %dma_start3A_128 = arith.constant 0 : i32
    %dma_start3A_129 = tpu.memref_slice %arg7[%dma_start3A_126, %dma_start3A_127, %dma_start3A_128] : memref<2x128x128xf32, #tpu.memory_space<vmem>> -> memref<1x128x128xf32, #tpu.memory_space<vmem>>
    %dma_start3A_130 = tpu.memref_squeeze %dma_start3A_129 : memref<1x128x128xf32, #tpu.memory_space<vmem>> -> memref<128x128xf32, #tpu.memory_space<vmem>>
    %dma_start3A_131 = arith.constant 0 : i32
    %dma_start3A_132 = tpu.memref_slice %arg6[%dma_start3A_124, %dma_start3A_125, %dma_start3A_131] : memref<4x2x128xi32, #tpu.memory_space<vmem>> -> memref<1x1x128xi32, #tpu.memory_space<vmem>>
    %dma_start3A_133 = tpu.memref_squeeze %dma_start3A_132 : memref<1x1x128xi32, #tpu.memory_space<vmem>> -> memref<128xi32, #tpu.memory_space<vmem>>
    %dma_start3A_134 = arith.constant 0 : i32
    %dma_start3A_135 = arith.constant 0 : i32
    %dma_start3A_136 = tpu.memref_slice %arg2[%dma_start3A_134, %dma_start3A_135] : memref<10000x128xf32, #tpu.memory_space<hbm>> -> memref<10000x128xf32, #tpu.memory_space<hbm>>
    tpu.enqueue_indirect_dma source(%dma_start3A_136 : memref<10000x128xf32, #tpu.memory_space<hbm>>) target(%dma_start3A_130 : memref<128x128xf32, #tpu.memory_space<vmem>>) offsets(%dma_start3A_133 : memref<128xi32, #tpu.memory_space<vmem>>) semaphore(%arg10 : memref<!tpu.dma_semaphore, #tpu.memory_space<semaphore_mem>>)
    %while3A = arith.constant 0 : i32
    %while3A_137 = arith.constant 0 : i32
    %while3A_138 = arith.subi %select_n3A, %while3A_137 : i32
    %while3A_139 = arith.addi %while3A_137, %while3A_138 : i32
    %while3A_140 = arith.constant 1 : i32
    %while3A_141 = arith.divsi %while3A_138, %while3A_140 : i32
    %while3A_142 = arith.muli %while3A_141, %while3A_140 : i32
    %while3A_143 = arith.addi %while3A_137, %while3A_142 : i32
    %while3A_144 = arith.constant 1 : i32
    scf.for %while3A_147 = %while3A_137 to %while3A_143 step %while3A_144  : i32 {
      %jit3A_148 = arith.constant 2 : i32
      %eq3A_149 = arith.constant 0 : i32
      %eq3A_150 = arith.cmpi eq, %jit3A_148, %eq3A_149 : i32
      %jit3A_151 = arith.constant 1 : i32
      %select_n3A_152 = arith.select %eq3A_150, %jit3A_151, %jit3A_148 : i32
      %rem3A = arith.remsi %while3A_147, %select_n3A_152 : i32
      %ne3A = arith.constant 0 : i32
      %ne3A_153 = arith.cmpi ne, %rem3A, %ne3A : i32
      %lt3A = arith.constant 0 : i32
      %lt3A_154 = arith.cmpi slt, %rem3A, %lt3A : i32
      %lt3A_155 = arith.constant 0 : i32
      %lt3A_156 = arith.cmpi slt, %select_n3A_152, %lt3A_155 : i32
      %ne3A_157 = arith.xori %lt3A_154, %lt3A_156 : i1
      %and3A = arith.andi %ne3A_157, %ne3A_153 : i1
      %add3A_158 = arith.addi %rem3A, %select_n3A_152 : i32
      %select_n3A_159 = arith.select %and3A, %add3A_158, %rem3A : i32
      %jit3A_160 = arith.constant 4 : i32
      %eq3A_161 = arith.constant 0 : i32
      %eq3A_162 = arith.cmpi eq, %jit3A_160, %eq3A_161 : i32
      %jit3A_163 = arith.constant 1 : i32
      %select_n3A_164 = arith.select %eq3A_162, %jit3A_163, %jit3A_160 : i32
      %rem3A_165 = arith.remsi %while3A_147, %select_n3A_164 : i32
      %ne3A_166 = arith.constant 0 : i32
      %ne3A_167 = arith.cmpi ne, %rem3A_165, %ne3A_166 : i32
      %lt3A_168 = arith.constant 0 : i32
      %lt3A_169 = arith.cmpi slt, %rem3A_165, %lt3A_168 : i32
      %lt3A_170 = arith.constant 0 : i32
      %lt3A_171 = arith.cmpi slt, %select_n3A_164, %lt3A_170 : i32
      %ne3A_172 = arith.xori %lt3A_169, %lt3A_171 : i1
      %and3A_173 = arith.andi %ne3A_172, %ne3A_167 : i1
      %add3A_174 = arith.addi %rem3A_165, %select_n3A_164 : i32
      %select_n3A_175 = arith.select %and3A_173, %add3A_174, %rem3A_165 : i32
      %dma_wait3A_176 = arith.constant 0 : i32
      %dma_wait3A_177 = arith.constant 0 : i32
      %dma_wait3A_178 = tpu.memref_slice %arg7[%select_n3A_159, %dma_wait3A_176, %dma_wait3A_177] : memref<2x128x128xf32, #tpu.memory_space<vmem>> -> memref<1x128x128xf32, #tpu.memory_space<vmem>>
      %dma_wait3A_179 = tpu.memref_squeeze %dma_wait3A_178 : memref<1x128x128xf32, #tpu.memory_space<vmem>> -> memref<128x128xf32, #tpu.memory_space<vmem>>
      %dma_wait3A_180 = arith.constant 0 : i32
      %dma_wait3A_181 = arith.constant 0 : i32
      %dma_wait3A_182 = tpu.memref_slice %arg2[%dma_wait3A_180, %dma_wait3A_181] : memref<10000x128xf32, #tpu.memory_space<hbm>> -> memref<128x128xf32, #tpu.memory_space<hbm>>
      %dma_wait3A_183 = arith.constant 0 : i32
      %dma_wait3A_184 = arith.constant 0 : i32
      %dma_wait3A_185 = tpu.memref_slice %arg7[%select_n3A_159, %dma_wait3A_183, %dma_wait3A_184] : memref<2x128x128xf32, #tpu.memory_space<vmem>> -> memref<1x128x128xf32, #tpu.memory_space<vmem>>
      %dma_wait3A_186 = tpu.memref_squeeze %dma_wait3A_185 : memref<1x128x128xf32, #tpu.memory_space<vmem>> -> memref<128x128xf32, #tpu.memory_space<vmem>>
      %dma_wait3A_187 = arith.constant 0 : i32
      %dma_wait3A_188 = arith.constant 0 : i32
      %dma_wait3A_189 = tpu.memref_slice %arg2[%dma_wait3A_187, %dma_wait3A_188] : memref<10000x128xf32, #tpu.memory_space<hbm>> -> memref<128x128xf32, #tpu.memory_space<hbm>>
      tpu.wait_dma2 semaphore(%arg10 : memref<!tpu.dma_semaphore, #tpu.memory_space<semaphore_mem>>) src(%dma_wait3A_189 : memref<128x128xf32, #tpu.memory_space<hbm>>) dst(%dma_wait3A_186 : memref<128x128xf32, #tpu.memory_space<vmem>>)
      %run_scoped3A = arith.constant 1 : i32
      "tpu.region"() ({
        %run_scoped3A_200 = tpu.sem_alloc : memref<!tpu.dma_semaphore, #tpu.memory_space<semaphore_mem>>
        %dma_start3A_201 = arith.constant 0 : i32
        %dma_start3A_202 = arith.constant 0 : i32
        %dma_start3A_203 = tpu.memref_slice %arg7[%select_n3A_159, %dma_start3A_201, %dma_start3A_202] : memref<2x128x128xf32, #tpu.memory_space<vmem>> -> memref<1x128x128xf32, #tpu.memory_space<vmem>>
        %dma_start3A_204 = tpu.memref_squeeze %dma_start3A_203 : memref<1x128x128xf32, #tpu.memory_space<vmem>> -> memref<128x128xf32, #tpu.memory_space<vmem>>
        %dma_start3A_205 = arith.constant 0 : i32
        %dma_start3A_206 = tpu.memref_slice %arg6[%select_n3A_175, %run_scoped3A, %dma_start3A_205] : memref<4x2x128xi32, #tpu.memory_space<vmem>> -> memref<1x1x128xi32, #tpu.memory_space<vmem>>
        %dma_start3A_207 = tpu.memref_squeeze %dma_start3A_206 : memref<1x1x128xi32, #tpu.memory_space<vmem>> -> memref<128xi32, #tpu.memory_space<vmem>>
        %dma_start3A_208 = arith.constant 0 : i32
        %dma_start3A_209 = arith.constant 0 : i32
        %dma_start3A_210 = tpu.memref_slice %arg8[%dma_start3A_208, %dma_start3A_209] : memref<10112x128xf32, #tpu.memory_space<vmem_shared>> -> memref<10112x128xf32, #tpu.memory_space<vmem_shared>>
        tpu.enqueue_indirect_dma source(%dma_start3A_204 : memref<128x128xf32, #tpu.memory_space<vmem>>) target(%dma_start3A_210 : memref<10112x128xf32, #tpu.memory_space<vmem_shared>>) offsets(%dma_start3A_207 : memref<128xi32, #tpu.memory_space<vmem>>) semaphore(%run_scoped3A_200 : memref<!tpu.dma_semaphore, #tpu.memory_space<semaphore_mem>>) {add = true}
        %dma_wait3A_211 = arith.constant 0 : i32
        %dma_wait3A_212 = arith.constant 0 : i32
        %dma_wait3A_213 = tpu.memref_slice %arg7[%select_n3A_159, %dma_wait3A_211, %dma_wait3A_212] : memref<2x128x128xf32, #tpu.memory_space<vmem>> -> memref<1x128x128xf32, #tpu.memory_space<vmem>>
        %dma_wait3A_214 = tpu.memref_squeeze %dma_wait3A_213 : memref<1x128x128xf32, #tpu.memory_space<vmem>> -> memref<128x128xf32, #tpu.memory_space<vmem>>
        %dma_wait3A_215 = arith.constant 0 : i32
        %dma_wait3A_216 = tpu.memref_slice %arg6[%select_n3A_175, %run_scoped3A, %dma_wait3A_215] : memref<4x2x128xi32, #tpu.memory_space<vmem>> -> memref<1x1x128xi32, #tpu.memory_space<vmem>>
        %dma_wait3A_217 = tpu.memref_squeeze %dma_wait3A_216 : memref<1x1x128xi32, #tpu.memory_space<vmem>> -> memref<128xi32, #tpu.memory_space<vmem>>
        %dma_wait3A_218 = arith.constant 0 : i32
        %dma_wait3A_219 = arith.constant 0 : i32
        %dma_wait3A_220 = tpu.memref_slice %arg8[%dma_wait3A_218, %dma_wait3A_219] : memref<10112x128xf32, #tpu.memory_space<vmem_shared>> -> memref<10112x128xf32, #tpu.memory_space<vmem_shared>>
        tpu.wait_indirect_dma semaphore(%run_scoped3A_200 : memref<!tpu.dma_semaphore, #tpu.memory_space<semaphore_mem>>) src(%dma_wait3A_214 : memref<128x128xf32, #tpu.memory_space<vmem>>) dst(%dma_wait3A_220 : memref<10112x128xf32, #tpu.memory_space<vmem_shared>>)
        tpu.yield
      }) : () -> ()
      %add3A_190 = arith.constant 4 : i32
      %add3A_191 = arith.addi %while3A_147, %add3A_190 : i32
      %lt3A_192 = arith.cmpi slt, %add3A_191, %select_n3A : i32
      %convert_element_type3A = arith.extui %lt3A_192 : i1 to i32
      %cond3A = arith.constant 0 : i32
      %cond3A_193 = arith.cmpi ne, %convert_element_type3A, %cond3A : i32
      scf.if %cond3A_193 {
        %add3A_200 = arith.constant 4 : i32
        %add3A_201 = arith.addi %while3A_147, %add3A_200 : i32
        %dma_start3A_202 = arith.constant 0 : i32
        %dma_start3A_203 = arith.constant 0 : i32
        %dma_start3A_204 = tpu.memref_slice %arg6[%select_n3A_175, %dma_start3A_202, %dma_start3A_203] : memref<4x2x128xi32, #tpu.memory_space<vmem>> -> memref<1x2x128xi32, #tpu.memory_space<vmem>>
        %dma_start3A_205 = tpu.memref_squeeze %dma_start3A_204 : memref<1x2x128xi32, #tpu.memory_space<vmem>> -> memref<2x128xi32, #tpu.memory_space<vmem>>
        %dma_start3A_206 = arith.constant 0 : i32
        %dma_start3A_207 = arith.constant 0 : i32
        %dma_start3A_208 = tpu.memref_slice %arg3[%add3A, %add3A_201, %dma_start3A_206, %dma_start3A_207] : memref<32x110x2x128xi32, #tpu.memory_space<hbm>> -> memref<1x1x2x128xi32, #tpu.memory_space<hbm>>
        %dma_start3A_209 = tpu.memref_squeeze %dma_start3A_208 : memref<1x1x2x128xi32, #tpu.memory_space<hbm>> -> memref<2x128xi32, #tpu.memory_space<hbm>>
        %dma_start3A_210 = arith.constant 0 : i32
        %dma_start3A_211 = arith.constant 0 : i32
        %dma_start3A_212 = tpu.memref_slice %arg6[%select_n3A_175, %dma_start3A_210, %dma_start3A_211] : memref<4x2x128xi32, #tpu.memory_space<vmem>> -> memref<1x2x128xi32, #tpu.memory_space<vmem>>
        %dma_start3A_213 = tpu.memref_squeeze %dma_start3A_212 : memref<1x2x128xi32, #tpu.memory_space<vmem>> -> memref<2x128xi32, #tpu.memory_space<vmem>>
        %dma_start3A_214 = arith.constant 0 : i32
        %dma_start3A_215 = arith.constant 0 : i32
        %dma_start3A_216 = tpu.memref_slice %arg3[%add3A, %add3A_201, %dma_start3A_214, %dma_start3A_215] : memref<32x110x2x128xi32, #tpu.memory_space<hbm>> -> memref<1x1x2x128xi32, #tpu.memory_space<hbm>>
        %dma_start3A_217 = tpu.memref_squeeze %dma_start3A_216 : memref<1x1x2x128xi32, #tpu.memory_space<hbm>> -> memref<2x128xi32, #tpu.memory_space<hbm>>
        tpu.enqueue_dma source(%dma_start3A_217 : memref<2x128xi32, #tpu.memory_space<hbm>>) target(%dma_start3A_213 : memref<2x128xi32, #tpu.memory_space<vmem>>) target_semaphore(%arg9 : memref<!tpu.dma_semaphore, #tpu.memory_space<semaphore_mem>>)
      } else {
      }
      %add3A_194 = arith.constant 2 : i32
      %add3A_195 = arith.addi %while3A_147, %add3A_194 : i32
      %lt3A_196 = arith.cmpi slt, %add3A_195, %select_n3A : i32
      %convert_element_type3A_197 = arith.extui %lt3A_196 : i1 to i32
      %cond3A_198 = arith.constant 0 : i32
      %cond3A_199 = arith.cmpi ne, %convert_element_type3A_197, %cond3A_198 : i32
      scf.if %cond3A_199 {
        %dma_wait3A_200 = arith.constant 0 : i32
        %dma_wait3A_201 = arith.constant 0 : i32
        %dma_wait3A_202 = arith.constant 0 : i32
        %dma_wait3A_203 = tpu.memref_slice %arg6[%select_n3A_175, %dma_wait3A_201, %dma_wait3A_202] : memref<4x2x128xi32, #tpu.memory_space<vmem>> -> memref<1x2x128xi32, #tpu.memory_space<vmem>>
        %dma_wait3A_204 = tpu.memref_squeeze %dma_wait3A_203 : memref<1x2x128xi32, #tpu.memory_space<vmem>> -> memref<2x128xi32, #tpu.memory_space<vmem>>
        %dma_wait3A_205 = arith.constant 0 : i32
        %dma_wait3A_206 = arith.constant 0 : i32
        %dma_wait3A_207 = tpu.memref_slice %arg3[%add3A, %dma_wait3A_200, %dma_wait3A_205, %dma_wait3A_206] : memref<32x110x2x128xi32, #tpu.memory_space<hbm>> -> memref<1x1x2x128xi32, #tpu.memory_space<hbm>>
        %dma_wait3A_208 = tpu.memref_squeeze %dma_wait3A_207 : memref<1x1x2x128xi32, #tpu.memory_space<hbm>> -> memref<2x128xi32, #tpu.memory_space<hbm>>
        %dma_wait3A_209 = arith.constant 0 : i32
        %dma_wait3A_210 = arith.constant 0 : i32
        %dma_wait3A_211 = tpu.memref_slice %arg6[%select_n3A_175, %dma_wait3A_209, %dma_wait3A_210] : memref<4x2x128xi32, #tpu.memory_space<vmem>> -> memref<1x2x128xi32, #tpu.memory_space<vmem>>
        %dma_wait3A_212 = tpu.memref_squeeze %dma_wait3A_211 : memref<1x2x128xi32, #tpu.memory_space<vmem>> -> memref<2x128xi32, #tpu.memory_space<vmem>>
        %dma_wait3A_213 = arith.constant 0 : i32
        %dma_wait3A_214 = arith.constant 0 : i32
        %dma_wait3A_215 = tpu.memref_slice %arg3[%add3A, %dma_wait3A_200, %dma_wait3A_213, %dma_wait3A_214] : memref<32x110x2x128xi32, #tpu.memory_space<hbm>> -> memref<1x1x2x128xi32, #tpu.memory_space<hbm>>
        %dma_wait3A_216 = tpu.memref_squeeze %dma_wait3A_215 : memref<1x1x2x128xi32, #tpu.memory_space<hbm>> -> memref<2x128xi32, #tpu.memory_space<hbm>>
        tpu.wait_dma2 semaphore(%arg9 : memref<!tpu.dma_semaphore, #tpu.memory_space<semaphore_mem>>) src(%dma_wait3A_216 : memref<2x128xi32, #tpu.memory_space<hbm>>) dst(%dma_wait3A_212 : memref<2x128xi32, #tpu.memory_space<vmem>>)
        %add3A_217 = arith.constant 2 : i32
        %add3A_218 = arith.addi %while3A_147, %add3A_217 : i32
        %jit3A_219 = arith.constant 4 : i32
        %eq3A_220 = arith.constant 0 : i32
        %eq3A_221 = arith.cmpi eq, %jit3A_219, %eq3A_220 : i32
        %jit3A_222 = arith.constant 1 : i32
        %select_n3A_223 = arith.select %eq3A_221, %jit3A_222, %jit3A_219 : i32
        %rem3A_224 = arith.remsi %add3A_218, %select_n3A_223 : i32
        %ne3A_225 = arith.constant 0 : i32
        %ne3A_226 = arith.cmpi ne, %rem3A_224, %ne3A_225 : i32
        %lt3A_227 = arith.constant 0 : i32
        %lt3A_228 = arith.cmpi slt, %rem3A_224, %lt3A_227 : i32
        %lt3A_229 = arith.constant 0 : i32
        %lt3A_230 = arith.cmpi slt, %select_n3A_223, %lt3A_229 : i32
        %ne3A_231 = arith.xori %lt3A_228, %lt3A_230 : i1
        %and3A_232 = arith.andi %ne3A_231, %ne3A_226 : i1
        %add3A_233 = arith.addi %rem3A_224, %select_n3A_223 : i32
        %select_n3A_234 = arith.select %and3A_232, %add3A_233, %rem3A_224 : i32
        %dma_start3A_235 = arith.constant 0 : i32
        %dma_start3A_236 = arith.constant 0 : i32
        %dma_start3A_237 = arith.constant 0 : i32
        %dma_start3A_238 = tpu.memref_slice %arg7[%select_n3A_159, %dma_start3A_236, %dma_start3A_237] : memref<2x128x128xf32, #tpu.memory_space<vmem>> -> memref<1x128x128xf32, #tpu.memory_space<vmem>>
        %dma_start3A_239 = tpu.memref_squeeze %dma_start3A_238 : memref<1x128x128xf32, #tpu.memory_space<vmem>> -> memref<128x128xf32, #tpu.memory_space<vmem>>
        %dma_start3A_240 = arith.constant 0 : i32
        %dma_start3A_241 = tpu.memref_slice %arg6[%select_n3A_234, %dma_start3A_235, %dma_start3A_240] : memref<4x2x128xi32, #tpu.memory_space<vmem>> -> memref<1x1x128xi32, #tpu.memory_space<vmem>>
        %dma_start3A_242 = tpu.memref_squeeze %dma_start3A_241 : memref<1x1x128xi32, #tpu.memory_space<vmem>> -> memref<128xi32, #tpu.memory_space<vmem>>
        %dma_start3A_243 = arith.constant 0 : i32
        %dma_start3A_244 = arith.constant 0 : i32
        %dma_start3A_245 = tpu.memref_slice %arg2[%dma_start3A_243, %dma_start3A_244] : memref<10000x128xf32, #tpu.memory_space<hbm>> -> memref<10000x128xf32, #tpu.memory_space<hbm>>
        tpu.enqueue_indirect_dma source(%dma_start3A_245 : memref<10000x128xf32, #tpu.memory_space<hbm>>) target(%dma_start3A_239 : memref<128x128xf32, #tpu.memory_space<vmem>>) offsets(%dma_start3A_242 : memref<128xi32, #tpu.memory_space<vmem>>) semaphore(%arg10 : memref<!tpu.dma_semaphore, #tpu.memory_space<semaphore_mem>>)
      } else {
      }
    }
    %while3A_145 = arith.constant 1 : i32
    scf.for %while3A_147 = %while3A_143 to %while3A_139 step %while3A_145  : i32 {
      %jit3A_148 = arith.constant 2 : i32
      %eq3A_149 = arith.constant 0 : i32
      %eq3A_150 = arith.cmpi eq, %jit3A_148, %eq3A_149 : i32
      %jit3A_151 = arith.constant 1 : i32
      %select_n3A_152 = arith.select %eq3A_150, %jit3A_151, %jit3A_148 : i32
      %rem3A = arith.remsi %while3A_147, %select_n3A_152 : i32
      %ne3A = arith.constant 0 : i32
      %ne3A_153 = arith.cmpi ne, %rem3A, %ne3A : i32
      %lt3A = arith.constant 0 : i32
      %lt3A_154 = arith.cmpi slt, %rem3A, %lt3A : i32
      %lt3A_155 = arith.constant 0 : i32
      %lt3A_156 = arith.cmpi slt, %select_n3A_152, %lt3A_155 : i32
      %ne3A_157 = arith.xori %lt3A_154, %lt3A_156 : i1
      %and3A = arith.andi %ne3A_157, %ne3A_153 : i1
      %add3A_158 = arith.addi %rem3A, %select_n3A_152 : i32
      %select_n3A_159 = arith.select %and3A, %add3A_158, %rem3A : i32
      %jit3A_160 = arith.constant 4 : i32
      %eq3A_161 = arith.constant 0 : i32
      %eq3A_162 = arith.cmpi eq, %jit3A_160, %eq3A_161 : i32
      %jit3A_163 = arith.constant 1 : i32
      %select_n3A_164 = arith.select %eq3A_162, %jit3A_163, %jit3A_160 : i32
      %rem3A_165 = arith.remsi %while3A_147, %select_n3A_164 : i32
      %ne3A_166 = arith.constant 0 : i32
      %ne3A_167 = arith.cmpi ne, %rem3A_165, %ne3A_166 : i32
      %lt3A_168 = arith.constant 0 : i32
      %lt3A_169 = arith.cmpi slt, %rem3A_165, %lt3A_168 : i32
      %lt3A_170 = arith.constant 0 : i32
      %lt3A_171 = arith.cmpi slt, %select_n3A_164, %lt3A_170 : i32
      %ne3A_172 = arith.xori %lt3A_169, %lt3A_171 : i1
      %and3A_173 = arith.andi %ne3A_172, %ne3A_167 : i1
      %add3A_174 = arith.addi %rem3A_165, %select_n3A_164 : i32
      %select_n3A_175 = arith.select %and3A_173, %add3A_174, %rem3A_165 : i32
      %dma_wait3A_176 = arith.constant 0 : i32
      %dma_wait3A_177 = arith.constant 0 : i32
      %dma_wait3A_178 = tpu.memref_slice %arg7[%select_n3A_159, %dma_wait3A_176, %dma_wait3A_177] : memref<2x128x128xf32, #tpu.memory_space<vmem>> -> memref<1x128x128xf32, #tpu.memory_space<vmem>>
      %dma_wait3A_179 = tpu.memref_squeeze %dma_wait3A_178 : memref<1x128x128xf32, #tpu.memory_space<vmem>> -> memref<128x128xf32, #tpu.memory_space<vmem>>
      %dma_wait3A_180 = arith.constant 0 : i32
      %dma_wait3A_181 = arith.constant 0 : i32
      %dma_wait3A_182 = tpu.memref_slice %arg2[%dma_wait3A_180, %dma_wait3A_181] : memref<10000x128xf32, #tpu.memory_space<hbm>> -> memref<128x128xf32, #tpu.memory_space<hbm>>
      %dma_wait3A_183 = arith.constant 0 : i32
      %dma_wait3A_184 = arith.constant 0 : i32
      %dma_wait3A_185 = tpu.memref_slice %arg7[%select_n3A_159, %dma_wait3A_183, %dma_wait3A_184] : memref<2x128x128xf32, #tpu.memory_space<vmem>> -> memref<1x128x128xf32, #tpu.memory_space<vmem>>
      %dma_wait3A_186 = tpu.memref_squeeze %dma_wait3A_185 : memref<1x128x128xf32, #tpu.memory_space<vmem>> -> memref<128x128xf32, #tpu.memory_space<vmem>>
      %dma_wait3A_187 = arith.constant 0 : i32
      %dma_wait3A_188 = arith.constant 0 : i32
      %dma_wait3A_189 = tpu.memref_slice %arg2[%dma_wait3A_187, %dma_wait3A_188] : memref<10000x128xf32, #tpu.memory_space<hbm>> -> memref<128x128xf32, #tpu.memory_space<hbm>>
      tpu.wait_dma2 semaphore(%arg10 : memref<!tpu.dma_semaphore, #tpu.memory_space<semaphore_mem>>) src(%dma_wait3A_189 : memref<128x128xf32, #tpu.memory_space<hbm>>) dst(%dma_wait3A_186 : memref<128x128xf32, #tpu.memory_space<vmem>>)
      %run_scoped3A = arith.constant 1 : i32
      "tpu.region"() ({
        %run_scoped3A_200 = tpu.sem_alloc : memref<!tpu.dma_semaphore, #tpu.memory_space<semaphore_mem>>
        %dma_start3A_201 = arith.constant 0 : i32
        %dma_start3A_202 = arith.constant 0 : i32
        %dma_start3A_203 = tpu.memref_slice %arg7[%select_n3A_159, %dma_start3A_201, %dma_start3A_202] : memref<2x128x128xf32, #tpu.memory_space<vmem>> -> memref<1x128x128xf32, #tpu.memory_space<vmem>>
        %dma_start3A_204 = tpu.memref_squeeze %dma_start3A_203 : memref<1x128x128xf32, #tpu.memory_space<vmem>> -> memref<128x128xf32, #tpu.memory_space<vmem>>
        %dma_start3A_205 = arith.constant 0 : i32
        %dma_start3A_206 = tpu.memref_slice %arg6[%select_n3A_175, %run_scoped3A, %dma_start3A_205] : memref<4x2x128xi32, #tpu.memory_space<vmem>> -> memref<1x1x128xi32, #tpu.memory_space<vmem>>
        %dma_start3A_207 = tpu.memref_squeeze %dma_start3A_206 : memref<1x1x128xi32, #tpu.memory_space<vmem>> -> memref<128xi32, #tpu.memory_space<vmem>>
        %dma_start3A_208 = arith.constant 0 : i32
        %dma_start3A_209 = arith.constant 0 : i32
        %dma_start3A_210 = tpu.memref_slice %arg8[%dma_start3A_208, %dma_start3A_209] : memref<10112x128xf32, #tpu.memory_space<vmem_shared>> -> memref<10112x128xf32, #tpu.memory_space<vmem_shared>>
        tpu.enqueue_indirect_dma source(%dma_start3A_204 : memref<128x128xf32, #tpu.memory_space<vmem>>) target(%dma_start3A_210 : memref<10112x128xf32, #tpu.memory_space<vmem_shared>>) offsets(%dma_start3A_207 : memref<128xi32, #tpu.memory_space<vmem>>) semaphore(%run_scoped3A_200 : memref<!tpu.dma_semaphore, #tpu.memory_space<semaphore_mem>>) {add = true}
        %dma_wait3A_211 = arith.constant 0 : i32
        %dma_wait3A_212 = arith.constant 0 : i32
        %dma_wait3A_213 = tpu.memref_slice %arg7[%select_n3A_159, %dma_wait3A_211, %dma_wait3A_212] : memref<2x128x128xf32, #tpu.memory_space<vmem>> -> memref<1x128x128xf32, #tpu.memory_space<vmem>>
        %dma_wait3A_214 = tpu.memref_squeeze %dma_wait3A_213 : memref<1x128x128xf32, #tpu.memory_space<vmem>> -> memref<128x128xf32, #tpu.memory_space<vmem>>
        %dma_wait3A_215 = arith.constant 0 : i32
        %dma_wait3A_216 = tpu.memref_slice %arg6[%select_n3A_175, %run_scoped3A, %dma_wait3A_215] : memref<4x2x128xi32, #tpu.memory_space<vmem>> -> memref<1x1x128xi32, #tpu.memory_space<vmem>>
        %dma_wait3A_217 = tpu.memref_squeeze %dma_wait3A_216 : memref<1x1x128xi32, #tpu.memory_space<vmem>> -> memref<128xi32, #tpu.memory_space<vmem>>
        %dma_wait3A_218 = arith.constant 0 : i32
        %dma_wait3A_219 = arith.constant 0 : i32
        %dma_wait3A_220 = tpu.memref_slice %arg8[%dma_wait3A_218, %dma_wait3A_219] : memref<10112x128xf32, #tpu.memory_space<vmem_shared>> -> memref<10112x128xf32, #tpu.memory_space<vmem_shared>>
        tpu.wait_indirect_dma semaphore(%run_scoped3A_200 : memref<!tpu.dma_semaphore, #tpu.memory_space<semaphore_mem>>) src(%dma_wait3A_214 : memref<128x128xf32, #tpu.memory_space<vmem>>) dst(%dma_wait3A_220 : memref<10112x128xf32, #tpu.memory_space<vmem_shared>>)
        tpu.yield
      }) : () -> ()
      %add3A_190 = arith.constant 4 : i32
      %add3A_191 = arith.addi %while3A_147, %add3A_190 : i32
      %lt3A_192 = arith.cmpi slt, %add3A_191, %select_n3A : i32
      %convert_element_type3A = arith.extui %lt3A_192 : i1 to i32
      %cond3A = arith.constant 0 : i32
      %cond3A_193 = arith.cmpi ne, %convert_element_type3A, %cond3A : i32
      scf.if %cond3A_193 {
        %add3A_200 = arith.constant 4 : i32
        %add3A_201 = arith.addi %while3A_147, %add3A_200 : i32
        %dma_start3A_202 = arith.constant 0 : i32
        %dma_start3A_203 = arith.constant 0 : i32
        %dma_start3A_204 = tpu.memref_slice %arg6[%select_n3A_175, %dma_start3A_202, %dma_start3A_203] : memref<4x2x128xi32, #tpu.memory_space<vmem>> -> memref<1x2x128xi32, #tpu.memory_space<vmem>>
        %dma_start3A_205 = tpu.memref_squeeze %dma_start3A_204 : memref<1x2x128xi32, #tpu.memory_space<vmem>> -> memref<2x128xi32, #tpu.memory_space<vmem>>
        %dma_start3A_206 = arith.constant 0 : i32
        %dma_start3A_207 = arith.constant 0 : i32
        %dma_start3A_208 = tpu.memref_slice %arg3[%add3A, %add3A_201, %dma_start3A_206, %dma_start3A_207] : memref<32x110x2x128xi32, #tpu.memory_space<hbm>> -> memref<1x1x2x128xi32, #tpu.memory_space<hbm>>
        %dma_start3A_209 = tpu.memref_squeeze %dma_start3A_208 : memref<1x1x2x128xi32, #tpu.memory_space<hbm>> -> memref<2x128xi32, #tpu.memory_space<hbm>>
        %dma_start3A_210 = arith.constant 0 : i32
        %dma_start3A_211 = arith.constant 0 : i32
        %dma_start3A_212 = tpu.memref_slice %arg6[%select_n3A_175, %dma_start3A_210, %dma_start3A_211] : memref<4x2x128xi32, #tpu.memory_space<vmem>> -> memref<1x2x128xi32, #tpu.memory_space<vmem>>
        %dma_start3A_213 = tpu.memref_squeeze %dma_start3A_212 : memref<1x2x128xi32, #tpu.memory_space<vmem>> -> memref<2x128xi32, #tpu.memory_space<vmem>>
        %dma_start3A_214 = arith.constant 0 : i32
        %dma_start3A_215 = arith.constant 0 : i32
        %dma_start3A_216 = tpu.memref_slice %arg3[%add3A, %add3A_201, %dma_start3A_214, %dma_start3A_215] : memref<32x110x2x128xi32, #tpu.memory_space<hbm>> -> memref<1x1x2x128xi32, #tpu.memory_space<hbm>>
        %dma_start3A_217 = tpu.memref_squeeze %dma_start3A_216 : memref<1x1x2x128xi32, #tpu.memory_space<hbm>> -> memref<2x128xi32, #tpu.memory_space<hbm>>
        tpu.enqueue_dma source(%dma_start3A_217 : memref<2x128xi32, #tpu.memory_space<hbm>>) target(%dma_start3A_213 : memref<2x128xi32, #tpu.memory_space<vmem>>) target_semaphore(%arg9 : memref<!tpu.dma_semaphore, #tpu.memory_space<semaphore_mem>>)
      } else {
      }
      %add3A_194 = arith.constant 2 : i32
      %add3A_195 = arith.addi %while3A_147, %add3A_194 : i32
      %lt3A_196 = arith.cmpi slt, %add3A_195, %select_n3A : i32
      %convert_element_type3A_197 = arith.extui %lt3A_196 : i1 to i32
      %cond3A_198 = arith.constant 0 : i32
      %cond3A_199 = arith.cmpi ne, %convert_element_type3A_197, %cond3A_198 : i32
      scf.if %cond3A_199 {
        %dma_wait3A_200 = arith.constant 0 : i32
        %dma_wait3A_201 = arith.constant 0 : i32
        %dma_wait3A_202 = arith.constant 0 : i32
        %dma_wait3A_203 = tpu.memref_slice %arg6[%select_n3A_175, %dma_wait3A_201, %dma_wait3A_202] : memref<4x2x128xi32, #tpu.memory_space<vmem>> -> memref<1x2x128xi32, #tpu.memory_space<vmem>>
        %dma_wait3A_204 = tpu.memref_squeeze %dma_wait3A_203 : memref<1x2x128xi32, #tpu.memory_space<vmem>> -> memref<2x128xi32, #tpu.memory_space<vmem>>
        %dma_wait3A_205 = arith.constant 0 : i32
        %dma_wait3A_206 = arith.constant 0 : i32
        %dma_wait3A_207 = tpu.memref_slice %arg3[%add3A, %dma_wait3A_200, %dma_wait3A_205, %dma_wait3A_206] : memref<32x110x2x128xi32, #tpu.memory_space<hbm>> -> memref<1x1x2x128xi32, #tpu.memory_space<hbm>>
        %dma_wait3A_208 = tpu.memref_squeeze %dma_wait3A_207 : memref<1x1x2x128xi32, #tpu.memory_space<hbm>> -> memref<2x128xi32, #tpu.memory_space<hbm>>
        %dma_wait3A_209 = arith.constant 0 : i32
        %dma_wait3A_210 = arith.constant 0 : i32
        %dma_wait3A_211 = tpu.memref_slice %arg6[%select_n3A_175, %dma_wait3A_209, %dma_wait3A_210] : memref<4x2x128xi32, #tpu.memory_space<vmem>> -> memref<1x2x128xi32, #tpu.memory_space<vmem>>
        %dma_wait3A_212 = tpu.memref_squeeze %dma_wait3A_211 : memref<1x2x128xi32, #tpu.memory_space<vmem>> -> memref<2x128xi32, #tpu.memory_space<vmem>>
        %dma_wait3A_213 = arith.constant 0 : i32
        %dma_wait3A_214 = arith.constant 0 : i32
        %dma_wait3A_215 = tpu.memref_slice %arg3[%add3A, %dma_wait3A_200, %dma_wait3A_213, %dma_wait3A_214] : memref<32x110x2x128xi32, #tpu.memory_space<hbm>> -> memref<1x1x2x128xi32, #tpu.memory_space<hbm>>
        %dma_wait3A_216 = tpu.memref_squeeze %dma_wait3A_215 : memref<1x1x2x128xi32, #tpu.memory_space<hbm>> -> memref<2x128xi32, #tpu.memory_space<hbm>>
        tpu.wait_dma2 semaphore(%arg9 : memref<!tpu.dma_semaphore, #tpu.memory_space<semaphore_mem>>) src(%dma_wait3A_216 : memref<2x128xi32, #tpu.memory_space<hbm>>) dst(%dma_wait3A_212 : memref<2x128xi32, #tpu.memory_space<vmem>>)
        %add3A_217 = arith.constant 2 : i32
        %add3A_218 = arith.addi %while3A_147, %add3A_217 : i32
        %jit3A_219 = arith.constant 4 : i32
        %eq3A_220 = arith.constant 0 : i32
        %eq3A_221 = arith.cmpi eq, %jit3A_219, %eq3A_220 : i32
        %jit3A_222 = arith.constant 1 : i32
        %select_n3A_223 = arith.select %eq3A_221, %jit3A_222, %jit3A_219 : i32
        %rem3A_224 = arith.remsi %add3A_218, %select_n3A_223 : i32
        %ne3A_225 = arith.constant 0 : i32
        %ne3A_226 = arith.cmpi ne, %rem3A_224, %ne3A_225 : i32
        %lt3A_227 = arith.constant 0 : i32
        %lt3A_228 = arith.cmpi slt, %rem3A_224, %lt3A_227 : i32
        %lt3A_229 = arith.constant 0 : i32
        %lt3A_230 = arith.cmpi slt, %select_n3A_223, %lt3A_229 : i32
        %ne3A_231 = arith.xori %lt3A_228, %lt3A_230 : i1
        %and3A_232 = arith.andi %ne3A_231, %ne3A_226 : i1
        %add3A_233 = arith.addi %rem3A_224, %select_n3A_223 : i32
        %select_n3A_234 = arith.select %and3A_232, %add3A_233, %rem3A_224 : i32
        %dma_start3A_235 = arith.constant 0 : i32
        %dma_start3A_236 = arith.constant 0 : i32
        %dma_start3A_237 = arith.constant 0 : i32
        %dma_start3A_238 = tpu.memref_slice %arg7[%select_n3A_159, %dma_start3A_236, %dma_start3A_237] : memref<2x128x128xf32, #tpu.memory_space<vmem>> -> memref<1x128x128xf32, #tpu.memory_space<vmem>>
        %dma_start3A_239 = tpu.memref_squeeze %dma_start3A_238 : memref<1x128x128xf32, #tpu.memory_space<vmem>> -> memref<128x128xf32, #tpu.memory_space<vmem>>
        %dma_start3A_240 = arith.constant 0 : i32
        %dma_start3A_241 = tpu.memref_slice %arg6[%select_n3A_234, %dma_start3A_235, %dma_start3A_240] : memref<4x2x128xi32, #tpu.memory_space<vmem>> -> memref<1x1x128xi32, #tpu.memory_space<vmem>>
        %dma_start3A_242 = tpu.memref_squeeze %dma_start3A_241 : memref<1x1x128xi32, #tpu.memory_space<vmem>> -> memref<128xi32, #tpu.memory_space<vmem>>
        %dma_start3A_243 = arith.constant 0 : i32
        %dma_start3A_244 = arith.constant 0 : i32
        %dma_start3A_245 = tpu.memref_slice %arg2[%dma_start3A_243, %dma_start3A_244] : memref<10000x128xf32, #tpu.memory_space<hbm>> -> memref<10000x128xf32, #tpu.memory_space<hbm>>
        tpu.enqueue_indirect_dma source(%dma_start3A_245 : memref<10000x128xf32, #tpu.memory_space<hbm>>) target(%dma_start3A_239 : memref<128x128xf32, #tpu.memory_space<vmem>>) offsets(%dma_start3A_242 : memref<128xi32, #tpu.memory_space<vmem>>) semaphore(%arg10 : memref<!tpu.dma_semaphore, #tpu.memory_space<semaphore_mem>>)
      } else {
      }
    }
    %barrier3A_146 = arith.constant 0 : index
    tpu.barrier barrier_id(%barrier3A_146)
    "tpu.region"() ({
      %run_scoped3A = tpu.sem_alloc : memref<!tpu.dma_semaphore, #tpu.memory_space<semaphore_mem>>
      %dma_start3A_147 = arith.constant 0 : i32
      %dma_start3A_148 = tpu.memref_slice %arg5[%arg0, %mul3A_4, %dma_start3A_147] : memref<2x10112x128xf32, #tpu.memory_space<hbm>> -> memref<1x632x128xf32, #tpu.memory_space<hbm>>
      %dma_start3A_149 = tpu.memref_squeeze %dma_start3A_148 : memref<1x632x128xf32, #tpu.memory_space<hbm>> -> memref<632x128xf32, #tpu.memory_space<hbm>>
      %dma_start3A_150 = arith.constant 0 : i32
      %dma_start3A_151 = tpu.memref_slice %arg8[%mul3A_4, %dma_start3A_150] : memref<10112x128xf32, #tpu.memory_space<vmem_shared>> -> memref<632x128xf32, #tpu.memory_space<vmem_shared>>
      tpu.enqueue_dma source(%dma_start3A_151 : memref<632x128xf32, #tpu.memory_space<vmem_shared>>) target(%dma_start3A_149 : memref<632x128xf32, #tpu.memory_space<hbm>>) target_semaphore(%run_scoped3A : memref<!tpu.dma_semaphore, #tpu.memory_space<semaphore_mem>>)
      %dma_wait3A_152 = arith.constant 0 : i32
      %dma_wait3A_153 = tpu.memref_slice %arg5[%arg0, %mul3A_4, %dma_wait3A_152] : memref<2x10112x128xf32, #tpu.memory_space<hbm>> -> memref<1x632x128xf32, #tpu.memory_space<hbm>>
      %dma_wait3A_154 = tpu.memref_squeeze %dma_wait3A_153 : memref<1x632x128xf32, #tpu.memory_space<hbm>> -> memref<632x128xf32, #tpu.memory_space<hbm>>
      %dma_wait3A_155 = arith.constant 0 : i32
      %dma_wait3A_156 = tpu.memref_slice %arg8[%mul3A_4, %dma_wait3A_155] : memref<10112x128xf32, #tpu.memory_space<vmem_shared>> -> memref<632x128xf32, #tpu.memory_space<vmem_shared>>
      tpu.wait_dma2 semaphore(%run_scoped3A : memref<!tpu.dma_semaphore, #tpu.memory_space<semaphore_mem>>) src(%dma_wait3A_156 : memref<632x128xf32, #tpu.memory_space<vmem_shared>>) dst(%dma_wait3A_154 : memref<632x128xf32, #tpu.memory_space<hbm>>)
      tpu.yield
    }) : () -> ()
    return
  }
}

#map = affine_map<(d0, d1) -> (0, 0)>
#map1 = affine_map<(d0, d1) -> (0, 0, 0, 0)>
#map2 = affine_map<(d0, d1) -> (0, 0, 0)>
module attributes {stable_mosaic.version = 14 : i64} {
  func.func @_agg(%arg0: i32, %arg1: i32, %arg2: memref<10000x128xf32, #tpu.memory_space<hbm>>, %arg3: memref<32x110x2x128xi32, #tpu.memory_space<hbm>>, %arg4: memref<10112x128xf32, #tpu.memory_space<hbm>>, %arg5: memref<2x10112x128xf32, #tpu.memory_space<hbm>>, %arg6: memref<4x2x128xi32, #tpu.memory_space<vmem>>, %arg7: memref<2x128x128xf32, #tpu.memory_space<vmem>>, %arg8: memref<10112x128xf32, #tpu.memory_space<vmem_shared>>, %arg9: memref<!tpu.dma_semaphore, #tpu.memory_space<semaphore_mem>>, %arg10: memref<!tpu.dma_semaphore, #tpu.memory_space<semaphore_mem>>, %arg11: memref<!tpu.dma_semaphore, #tpu.memory_space<semaphore_mem>>) attributes {dimension_semantics = [#tpu.dimension_semantics<core_parallel>, #tpu.dimension_semantics<subcore_parallel>], iteration_bounds = array<i64: 2, 16>, scalar_prefetch = 0 : i64, scratch_operands = 6 : i64, tpu.core_type = #tpu.core_type<sc_vector_subcore>, window_params = [{transform_indices = #map}, {transform_indices = #map1}, {transform_indices = #map}, {transform_indices = #map2}]} {
    %mul3A = arith.constant 2 : i32
    %mul3A_0 = arith.muli %arg1, %mul3A : i32
    %add3A = arith.addi %mul3A_0, %arg0 : i32
    %eq3A = arith.constant 0 : i32
    %eq3A_1 = arith.cmpi eq, %arg0, %eq3A : i32
    %jit3A = arith.constant 110 : i32
    %jit3A_2 = arith.constant 52 : i32
    %select_n3A = arith.select %eq3A_1, %jit3A, %jit3A_2 : i32
    %mul3A_3 = arith.constant 632 : i32
    %mul3A_4 = arith.muli %arg1, %mul3A_3 : i32
    "tpu.region"() ({
      %run_scoped3A = tpu.sem_alloc : memref<!tpu.dma_semaphore, #tpu.memory_space<semaphore_mem>>
      %dma_start3A_147 = arith.constant 0 : i32
      %dma_start3A_148 = tpu.memref_slice %arg8[%mul3A_4, %dma_start3A_147] : memref<10112x128xf32, #tpu.memory_space<vmem_shared>> -> memref<632x128xf32, #tpu.memory_space<vmem_shared>>
      %dma_start3A_149 = arith.constant 0 : i32
      %dma_start3A_150 = tpu.memref_slice %arg4[%mul3A_4, %dma_start3A_149] : memref<10112x128xf32, #tpu.memory_space<hbm>> -> memref<632x128xf32, #tpu.memory_space<hbm>>
      tpu.enqueue_dma source(%dma_start3A_150 : memref<632x128xf32, #tpu.memory_space<hbm>>) target(%dma_start3A_148 : memref<632x128xf32, #tpu.memory_space<vmem_shared>>) target_semaphore(%run_scoped3A : memref<!tpu.dma_semaphore, #tpu.memory_space<semaphore_mem>>)
      %dma_wait3A_151 = arith.constant 0 : i32
      %dma_wait3A_152 = tpu.memref_slice %arg8[%mul3A_4, %dma_wait3A_151] : memref<10112x128xf32, #tpu.memory_space<vmem_shared>> -> memref<632x128xf32, #tpu.memory_space<vmem_shared>>
      %dma_wait3A_153 = arith.constant 0 : i32
      %dma_wait3A_154 = tpu.memref_slice %arg4[%mul3A_4, %dma_wait3A_153] : memref<10112x128xf32, #tpu.memory_space<hbm>> -> memref<632x128xf32, #tpu.memory_space<hbm>>
      tpu.wait_dma2 semaphore(%run_scoped3A : memref<!tpu.dma_semaphore, #tpu.memory_space<semaphore_mem>>) src(%dma_wait3A_154 : memref<632x128xf32, #tpu.memory_space<hbm>>) dst(%dma_wait3A_152 : memref<632x128xf32, #tpu.memory_space<vmem_shared>>)
      tpu.yield
    }) : () -> ()
    %dma_start3A = arith.constant 0 : i32
    %dma_start3A_5 = arith.constant 0 : i32
    %dma_start3A_6 = arith.constant 0 : i32
    %dma_start3A_7 = arith.constant 0 : i32
    %dma_start3A_8 = tpu.memref_slice %arg6[%dma_start3A_5, %dma_start3A_6, %dma_start3A_7] : memref<4x2x128xi32, #tpu.memory_space<vmem>> -> memref<1x2x128xi32, #tpu.memory_space<vmem>>
    %dma_start3A_9 = tpu.memref_squeeze %dma_start3A_8 : memref<1x2x128xi32, #tpu.memory_space<vmem>> -> memref<2x128xi32, #tpu.memory_space<vmem>>
    %dma_start3A_10 = arith.constant 0 : i32
    %dma_start3A_11 = arith.constant 0 : i32
    %dma_start3A_12 = tpu.memref_slice %arg3[%add3A, %dma_start3A, %dma_start3A_10, %dma_start3A_11] : memref<32x110x2x128xi32, #tpu.memory_space<hbm>> -> memref<1x1x2x128xi32, #tpu.memory_space<hbm>>
    %dma_start3A_13 = tpu.memref_squeeze %dma_start3A_12 : memref<1x1x2x128xi32, #tpu.memory_space<hbm>> -> memref<2x128xi32, #tpu.memory_space<hbm>>
    %dma_start3A_14 = arith.constant 0 : i32
    %dma_start3A_15 = arith.constant 0 : i32
    %dma_start3A_16 = tpu.memref_slice %arg6[%dma_start3A_5, %dma_start3A_14, %dma_start3A_15] : memref<4x2x128xi32, #tpu.memory_space<vmem>> -> memref<1x2x128xi32, #tpu.memory_space<vmem>>
    %dma_start3A_17 = tpu.memref_squeeze %dma_start3A_16 : memref<1x2x128xi32, #tpu.memory_space<vmem>> -> memref<2x128xi32, #tpu.memory_space<vmem>>
    %dma_start3A_18 = arith.constant 0 : i32
    %dma_start3A_19 = arith.constant 0 : i32
    %dma_start3A_20 = tpu.memref_slice %arg3[%add3A, %dma_start3A, %dma_start3A_18, %dma_start3A_19] : memref<32x110x2x128xi32, #tpu.memory_space<hbm>> -> memref<1x1x2x128xi32, #tpu.memory_space<hbm>>
    %dma_start3A_21 = tpu.memref_squeeze %dma_start3A_20 : memref<1x1x2x128xi32, #tpu.memory_space<hbm>> -> memref<2x128xi32, #tpu.memory_space<hbm>>
    tpu.enqueue_dma source(%dma_start3A_21 : memref<2x128xi32, #tpu.memory_space<hbm>>) target(%dma_start3A_17 : memref<2x128xi32, #tpu.memory_space<vmem>>) target_semaphore(%arg9 : memref<!tpu.dma_semaphore, #tpu.memory_space<semaphore_mem>>)
    %dma_start3A_22 = arith.constant 1 : i32
    %dma_start3A_23 = arith.constant 1 : i32
    %dma_start3A_24 = arith.constant 0 : i32
    %dma_start3A_25 = arith.constant 0 : i32
    %dma_start3A_26 = tpu.memref_slice %arg6[%dma_start3A_23, %dma_start3A_24, %dma_start3A_25] : memref<4x2x128xi32, #tpu.memory_space<vmem>> -> memref<1x2x128xi32, #tpu.memory_space<vmem>>
    %dma_start3A_27 = tpu.memref_squeeze %dma_start3A_26 : memref<1x2x128xi32, #tpu.memory_space<vmem>> -> memref<2x128xi32, #tpu.memory_space<vmem>>
    %dma_start3A_28 = arith.constant 0 : i32
    %dma_start3A_29 = arith.constant 0 : i32
    %dma_start3A_30 = tpu.memref_slice %arg3[%add3A, %dma_start3A_22, %dma_start3A_28, %dma_start3A_29] : memref<32x110x2x128xi32, #tpu.memory_space<hbm>> -> memref<1x1x2x128xi32, #tpu.memory_space<hbm>>
    %dma_start3A_31 = tpu.memref_squeeze %dma_start3A_30 : memref<1x1x2x128xi32, #tpu.memory_space<hbm>> -> memref<2x128xi32, #tpu.memory_space<hbm>>
    %dma_start3A_32 = arith.constant 0 : i32
    %dma_start3A_33 = arith.constant 0 : i32
    %dma_start3A_34 = tpu.memref_slice %arg6[%dma_start3A_23, %dma_start3A_32, %dma_start3A_33] : memref<4x2x128xi32, #tpu.memory_space<vmem>> -> memref<1x2x128xi32, #tpu.memory_space<vmem>>
    %dma_start3A_35 = tpu.memref_squeeze %dma_start3A_34 : memref<1x2x128xi32, #tpu.memory_space<vmem>> -> memref<2x128xi32, #tpu.memory_space<vmem>>
    %dma_start3A_36 = arith.constant 0 : i32
    %dma_start3A_37 = arith.constant 0 : i32
    %dma_start3A_38 = tpu.memref_slice %arg3[%add3A, %dma_start3A_22, %dma_start3A_36, %dma_start3A_37] : memref<32x110x2x128xi32, #tpu.memory_space<hbm>> -> memref<1x1x2x128xi32, #tpu.memory_space<hbm>>
    %dma_start3A_39 = tpu.memref_squeeze %dma_start3A_38 : memref<1x1x2x128xi32, #tpu.memory_space<hbm>> -> memref<2x128xi32, #tpu.memory_space<hbm>>
    tpu.enqueue_dma source(%dma_start3A_39 : memref<2x128xi32, #tpu.memory_space<hbm>>) target(%dma_start3A_35 : memref<2x128xi32, #tpu.memory_space<vmem>>) target_semaphore(%arg9 : memref<!tpu.dma_semaphore, #tpu.memory_space<semaphore_mem>>)
    %dma_start3A_40 = arith.constant 2 : i32
    %dma_start3A_41 = arith.constant 2 : i32
    %dma_start3A_42 = arith.constant 0 : i32
    %dma_start3A_43 = arith.constant 0 : i32
    %dma_start3A_44 = tpu.memref_slice %arg6[%dma_start3A_41, %dma_start3A_42, %dma_start3A_43] : memref<4x2x128xi32, #tpu.memory_space<vmem>> -> memref<1x2x128xi32, #tpu.memory_space<vmem>>
    %dma_start3A_45 = tpu.memref_squeeze %dma_start3A_44 : memref<1x2x128xi32, #tpu.memory_space<vmem>> -> memref<2x128xi32, #tpu.memory_space<vmem>>
    %dma_start3A_46 = arith.constant 0 : i32
    %dma_start3A_47 = arith.constant 0 : i32
    %dma_start3A_48 = tpu.memref_slice %arg3[%add3A, %dma_start3A_40, %dma_start3A_46, %dma_start3A_47] : memref<32x110x2x128xi32, #tpu.memory_space<hbm>> -> memref<1x1x2x128xi32, #tpu.memory_space<hbm>>
    %dma_start3A_49 = tpu.memref_squeeze %dma_start3A_48 : memref<1x1x2x128xi32, #tpu.memory_space<hbm>> -> memref<2x128xi32, #tpu.memory_space<hbm>>
    %dma_start3A_50 = arith.constant 0 : i32
    %dma_start3A_51 = arith.constant 0 : i32
    %dma_start3A_52 = tpu.memref_slice %arg6[%dma_start3A_41, %dma_start3A_50, %dma_start3A_51] : memref<4x2x128xi32, #tpu.memory_space<vmem>> -> memref<1x2x128xi32, #tpu.memory_space<vmem>>
    %dma_start3A_53 = tpu.memref_squeeze %dma_start3A_52 : memref<1x2x128xi32, #tpu.memory_space<vmem>> -> memref<2x128xi32, #tpu.memory_space<vmem>>
    %dma_start3A_54 = arith.constant 0 : i32
    %dma_start3A_55 = arith.constant 0 : i32
    %dma_start3A_56 = tpu.memref_slice %arg3[%add3A, %dma_start3A_40, %dma_start3A_54, %dma_start3A_55] : memref<32x110x2x128xi32, #tpu.memory_space<hbm>> -> memref<1x1x2x128xi32, #tpu.memory_space<hbm>>
    %dma_start3A_57 = tpu.memref_squeeze %dma_start3A_56 : memref<1x1x2x128xi32, #tpu.memory_space<hbm>> -> memref<2x128xi32, #tpu.memory_space<hbm>>
    tpu.enqueue_dma source(%dma_start3A_57 : memref<2x128xi32, #tpu.memory_space<hbm>>) target(%dma_start3A_53 : memref<2x128xi32, #tpu.memory_space<vmem>>) target_semaphore(%arg9 : memref<!tpu.dma_semaphore, #tpu.memory_space<semaphore_mem>>)
    %dma_start3A_58 = arith.constant 3 : i32
    %dma_start3A_59 = arith.constant 3 : i32
    %dma_start3A_60 = arith.constant 0 : i32
    %dma_start3A_61 = arith.constant 0 : i32
    %dma_start3A_62 = tpu.memref_slice %arg6[%dma_start3A_59, %dma_start3A_60, %dma_start3A_61] : memref<4x2x128xi32, #tpu.memory_space<vmem>> -> memref<1x2x128xi32, #tpu.memory_space<vmem>>
    %dma_start3A_63 = tpu.memref_squeeze %dma_start3A_62 : memref<1x2x128xi32, #tpu.memory_space<vmem>> -> memref<2x128xi32, #tpu.memory_space<vmem>>
    %dma_start3A_64 = arith.constant 0 : i32
    %dma_start3A_65 = arith.constant 0 : i32
    %dma_start3A_66 = tpu.memref_slice %arg3[%add3A, %dma_start3A_58, %dma_start3A_64, %dma_start3A_65] : memref<32x110x2x128xi32, #tpu.memory_space<hbm>> -> memref<1x1x2x128xi32, #tpu.memory_space<hbm>>
    %dma_start3A_67 = tpu.memref_squeeze %dma_start3A_66 : memref<1x1x2x128xi32, #tpu.memory_space<hbm>> -> memref<2x128xi32, #tpu.memory_space<hbm>>
    %dma_start3A_68 = arith.constant 0 : i32
    %dma_start3A_69 = arith.constant 0 : i32
    %dma_start3A_70 = tpu.memref_slice %arg6[%dma_start3A_59, %dma_start3A_68, %dma_start3A_69] : memref<4x2x128xi32, #tpu.memory_space<vmem>> -> memref<1x2x128xi32, #tpu.memory_space<vmem>>
    %dma_start3A_71 = tpu.memref_squeeze %dma_start3A_70 : memref<1x2x128xi32, #tpu.memory_space<vmem>> -> memref<2x128xi32, #tpu.memory_space<vmem>>
    %dma_start3A_72 = arith.constant 0 : i32
    %dma_start3A_73 = arith.constant 0 : i32
    %dma_start3A_74 = tpu.memref_slice %arg3[%add3A, %dma_start3A_58, %dma_start3A_72, %dma_start3A_73] : memref<32x110x2x128xi32, #tpu.memory_space<hbm>> -> memref<1x1x2x128xi32, #tpu.memory_space<hbm>>
    %dma_start3A_75 = tpu.memref_squeeze %dma_start3A_74 : memref<1x1x2x128xi32, #tpu.memory_space<hbm>> -> memref<2x128xi32, #tpu.memory_space<hbm>>
    tpu.enqueue_dma source(%dma_start3A_75 : memref<2x128xi32, #tpu.memory_space<hbm>>) target(%dma_start3A_71 : memref<2x128xi32, #tpu.memory_space<vmem>>) target_semaphore(%arg9 : memref<!tpu.dma_semaphore, #tpu.memory_space<semaphore_mem>>)
    %barrier3A = arith.constant 0 : index
    tpu.barrier barrier_id(%barrier3A)
    %dma_wait3A = arith.constant 0 : i32
    %dma_wait3A_76 = arith.constant 0 : i32
    %dma_wait3A_77 = arith.constant 0 : i32
    %dma_wait3A_78 = arith.constant 0 : i32
    %dma_wait3A_79 = tpu.memref_slice %arg6[%dma_wait3A_76, %dma_wait3A_77, %dma_wait3A_78] : memref<4x2x128xi32, #tpu.memory_space<vmem>> -> memref<1x2x128xi32, #tpu.memory_space<vmem>>
    %dma_wait3A_80 = tpu.memref_squeeze %dma_wait3A_79 : memref<1x2x128xi32, #tpu.memory_space<vmem>> -> memref<2x128xi32, #tpu.memory_space<vmem>>
    %dma_wait3A_81 = arith.constant 0 : i32
    %dma_wait3A_82 = arith.constant 0 : i32
    %dma_wait3A_83 = tpu.memref_slice %arg3[%add3A, %dma_wait3A, %dma_wait3A_81, %dma_wait3A_82] : memref<32x110x2x128xi32, #tpu.memory_space<hbm>> -> memref<1x1x2x128xi32, #tpu.memory_space<hbm>>
    %dma_wait3A_84 = tpu.memref_squeeze %dma_wait3A_83 : memref<1x1x2x128xi32, #tpu.memory_space<hbm>> -> memref<2x128xi32, #tpu.memory_space<hbm>>
    %dma_wait3A_85 = arith.constant 0 : i32
    %dma_wait3A_86 = arith.constant 0 : i32
    %dma_wait3A_87 = tpu.memref_slice %arg6[%dma_wait3A_76, %dma_wait3A_85, %dma_wait3A_86] : memref<4x2x128xi32, #tpu.memory_space<vmem>> -> memref<1x2x128xi32, #tpu.memory_space<vmem>>
    %dma_wait3A_88 = tpu.memref_squeeze %dma_wait3A_87 : memref<1x2x128xi32, #tpu.memory_space<vmem>> -> memref<2x128xi32, #tpu.memory_space<vmem>>
    %dma_wait3A_89 = arith.constant 0 : i32
    %dma_wait3A_90 = arith.constant 0 : i32
    %dma_wait3A_91 = tpu.memref_slice %arg3[%add3A, %dma_wait3A, %dma_wait3A_89, %dma_wait3A_90] : memref<32x110x2x128xi32, #tpu.memory_space<hbm>> -> memref<1x1x2x128xi32, #tpu.memory_space<hbm>>
    %dma_wait3A_92 = tpu.memref_squeeze %dma_wait3A_91 : memref<1x1x2x128xi32, #tpu.memory_space<hbm>> -> memref<2x128xi32, #tpu.memory_space<hbm>>
    tpu.wait_dma2 semaphore(%arg9 : memref<!tpu.dma_semaphore, #tpu.memory_space<semaphore_mem>>) src(%dma_wait3A_92 : memref<2x128xi32, #tpu.memory_space<hbm>>) dst(%dma_wait3A_88 : memref<2x128xi32, #tpu.memory_space<vmem>>)
    %dma_start3A_93 = arith.constant 0 : i32
    %dma_start3A_94 = arith.constant 0 : i32
    %dma_start3A_95 = arith.constant 0 : i32
    %dma_start3A_96 = arith.constant 0 : i32
    %dma_start3A_97 = arith.constant 0 : i32
    %dma_start3A_98 = tpu.memref_slice %arg7[%dma_start3A_95, %dma_start3A_96, %dma_start3A_97] : memref<2x128x128xf32, #tpu.memory_space<vmem>> -> memref<1x128x128xf32, #tpu.memory_space<vmem>>
    %dma_start3A_99 = tpu.memref_squeeze %dma_start3A_98 : memref<1x128x128xf32, #tpu.memory_space<vmem>> -> memref<128x128xf32, #tpu.memory_space<vmem>>
    %dma_start3A_100 = arith.constant 0 : i32
    %dma_start3A_101 = tpu.memref_slice %arg6[%dma_start3A_93, %dma_start3A_94, %dma_start3A_100] : memref<4x2x128xi32, #tpu.memory_space<vmem>> -> memref<1x1x128xi32, #tpu.memory_space<vmem>>
    %dma_start3A_102 = tpu.memref_squeeze %dma_start3A_101 : memref<1x1x128xi32, #tpu.memory_space<vmem>> -> memref<128xi32, #tpu.memory_space<vmem>>
    %dma_start3A_103 = arith.constant 0 : i32
    %dma_start3A_104 = arith.constant 0 : i32
    %dma_start3A_105 = tpu.memref_slice %arg2[%dma_start3A_103, %dma_start3A_104] : memref<10000x128xf32, #tpu.memory_space<hbm>> -> memref<10000x128xf32, #tpu.memory_space<hbm>>
    tpu.enqueue_indirect_dma source(%dma_start3A_105 : memref<10000x128xf32, #tpu.memory_space<hbm>>) target(%dma_start3A_99 : memref<128x128xf32, #tpu.memory_space<vmem>>) offsets(%dma_start3A_102 : memref<128xi32, #tpu.memory_space<vmem>>) semaphore(%arg10 : memref<!tpu.dma_semaphore, #tpu.memory_space<semaphore_mem>>)
    %dma_wait3A_106 = arith.constant 1 : i32
    %dma_wait3A_107 = arith.constant 1 : i32
    %dma_wait3A_108 = arith.constant 0 : i32
    %dma_wait3A_109 = arith.constant 0 : i32
    %dma_wait3A_110 = tpu.memref_slice %arg6[%dma_wait3A_107, %dma_wait3A_108, %dma_wait3A_109] : memref<4x2x128xi32, #tpu.memory_space<vmem>> -> memref<1x2x128xi32, #tpu.memory_space<vmem>>
    %dma_wait3A_111 = tpu.memref_squeeze %dma_wait3A_110 : memref<1x2x128xi32, #tpu.memory_space<vmem>> -> memref<2x128xi32, #tpu.memory_space<vmem>>
    %dma_wait3A_112 = arith.constant 0 : i32
    %dma_wait3A_113 = arith.constant 0 : i32
    %dma_wait3A_114 = tpu.memref_slice %arg3[%add3A, %dma_wait3A_106, %dma_wait3A_112, %dma_wait3A_113] : memref<32x110x2x128xi32, #tpu.memory_space<hbm>> -> memref<1x1x2x128xi32, #tpu.memory_space<hbm>>
    %dma_wait3A_115 = tpu.memref_squeeze %dma_wait3A_114 : memref<1x1x2x128xi32, #tpu.memory_space<hbm>> -> memref<2x128xi32, #tpu.memory_space<hbm>>
    %dma_wait3A_116 = arith.constant 0 : i32
    %dma_wait3A_117 = arith.constant 0 : i32
    %dma_wait3A_118 = tpu.memref_slice %arg6[%dma_wait3A_107, %dma_wait3A_116, %dma_wait3A_117] : memref<4x2x128xi32, #tpu.memory_space<vmem>> -> memref<1x2x128xi32, #tpu.memory_space<vmem>>
    %dma_wait3A_119 = tpu.memref_squeeze %dma_wait3A_118 : memref<1x2x128xi32, #tpu.memory_space<vmem>> -> memref<2x128xi32, #tpu.memory_space<vmem>>
    %dma_wait3A_120 = arith.constant 0 : i32
    %dma_wait3A_121 = arith.constant 0 : i32
    %dma_wait3A_122 = tpu.memref_slice %arg3[%add3A, %dma_wait3A_106, %dma_wait3A_120, %dma_wait3A_121] : memref<32x110x2x128xi32, #tpu.memory_space<hbm>> -> memref<1x1x2x128xi32, #tpu.memory_space<hbm>>
    %dma_wait3A_123 = tpu.memref_squeeze %dma_wait3A_122 : memref<1x1x2x128xi32, #tpu.memory_space<hbm>> -> memref<2x128xi32, #tpu.memory_space<hbm>>
    tpu.wait_dma2 semaphore(%arg9 : memref<!tpu.dma_semaphore, #tpu.memory_space<semaphore_mem>>) src(%dma_wait3A_123 : memref<2x128xi32, #tpu.memory_space<hbm>>) dst(%dma_wait3A_119 : memref<2x128xi32, #tpu.memory_space<vmem>>)
    %dma_start3A_124 = arith.constant 1 : i32
    %dma_start3A_125 = arith.constant 0 : i32
    %dma_start3A_126 = arith.constant 1 : i32
    %dma_start3A_127 = arith.constant 0 : i32
    %dma_start3A_128 = arith.constant 0 : i32
    %dma_start3A_129 = tpu.memref_slice %arg7[%dma_start3A_126, %dma_start3A_127, %dma_start3A_128] : memref<2x128x128xf32, #tpu.memory_space<vmem>> -> memref<1x128x128xf32, #tpu.memory_space<vmem>>
    %dma_start3A_130 = tpu.memref_squeeze %dma_start3A_129 : memref<1x128x128xf32, #tpu.memory_space<vmem>> -> memref<128x128xf32, #tpu.memory_space<vmem>>
    %dma_start3A_131 = arith.constant 0 : i32
    %dma_start3A_132 = tpu.memref_slice %arg6[%dma_start3A_124, %dma_start3A_125, %dma_start3A_131] : memref<4x2x128xi32, #tpu.memory_space<vmem>> -> memref<1x1x128xi32, #tpu.memory_space<vmem>>
    %dma_start3A_133 = tpu.memref_squeeze %dma_start3A_132 : memref<1x1x128xi32, #tpu.memory_space<vmem>> -> memref<128xi32, #tpu.memory_space<vmem>>
    %dma_start3A_134 = arith.constant 0 : i32
    %dma_start3A_135 = arith.constant 0 : i32
    %dma_start3A_136 = tpu.memref_slice %arg2[%dma_start3A_134, %dma_start3A_135] : memref<10000x128xf32, #tpu.memory_space<hbm>> -> memref<10000x128xf32, #tpu.memory_space<hbm>>
    tpu.enqueue_indirect_dma source(%dma_start3A_136 : memref<10000x128xf32, #tpu.memory_space<hbm>>) target(%dma_start3A_130 : memref<128x128xf32, #tpu.memory_space<vmem>>) offsets(%dma_start3A_133 : memref<128xi32, #tpu.memory_space<vmem>>) semaphore(%arg10 : memref<!tpu.dma_semaphore, #tpu.memory_space<semaphore_mem>>)
    %while3A = arith.constant 0 : i32
    %while3A_137 = arith.constant 0 : i32
    %while3A_138 = arith.subi %select_n3A, %while3A_137 : i32
    %while3A_139 = arith.addi %while3A_137, %while3A_138 : i32
    %while3A_140 = arith.constant 1 : i32
    %while3A_141 = arith.divsi %while3A_138, %while3A_140 : i32
    %while3A_142 = arith.muli %while3A_141, %while3A_140 : i32
    %while3A_143 = arith.addi %while3A_137, %while3A_142 : i32
    %while3A_144 = arith.constant 1 : i32
    scf.for %while3A_147 = %while3A_137 to %while3A_143 step %while3A_144  : i32 {
      %jit3A_148 = arith.constant 2 : i32
      %eq3A_149 = arith.constant 0 : i32
      %eq3A_150 = arith.cmpi eq, %jit3A_148, %eq3A_149 : i32
      %jit3A_151 = arith.constant 1 : i32
      %select_n3A_152 = arith.select %eq3A_150, %jit3A_151, %jit3A_148 : i32
      %rem3A = arith.remsi %while3A_147, %select_n3A_152 : i32
      %ne3A = arith.constant 0 : i32
      %ne3A_153 = arith.cmpi ne, %rem3A, %ne3A : i32
      %lt3A = arith.constant 0 : i32
      %lt3A_154 = arith.cmpi slt, %rem3A, %lt3A : i32
      %lt3A_155 = arith.constant 0 : i32
      %lt3A_156 = arith.cmpi slt, %select_n3A_152, %lt3A_155 : i32
      %ne3A_157 = arith.xori %lt3A_154, %lt3A_156 : i1
      %and3A = arith.andi %ne3A_157, %ne3A_153 : i1
      %add3A_158 = arith.addi %rem3A, %select_n3A_152 : i32
      %select_n3A_159 = arith.select %and3A, %add3A_158, %rem3A : i32
      %jit3A_160 = arith.constant 4 : i32
      %eq3A_161 = arith.constant 0 : i32
      %eq3A_162 = arith.cmpi eq, %jit3A_160, %eq3A_161 : i32
      %jit3A_163 = arith.constant 1 : i32
      %select_n3A_164 = arith.select %eq3A_162, %jit3A_163, %jit3A_160 : i32
      %rem3A_165 = arith.remsi %while3A_147, %select_n3A_164 : i32
      %ne3A_166 = arith.constant 0 : i32
      %ne3A_167 = arith.cmpi ne, %rem3A_165, %ne3A_166 : i32
      %lt3A_168 = arith.constant 0 : i32
      %lt3A_169 = arith.cmpi slt, %rem3A_165, %lt3A_168 : i32
      %lt3A_170 = arith.constant 0 : i32
      %lt3A_171 = arith.cmpi slt, %select_n3A_164, %lt3A_170 : i32
      %ne3A_172 = arith.xori %lt3A_169, %lt3A_171 : i1
      %and3A_173 = arith.andi %ne3A_172, %ne3A_167 : i1
      %add3A_174 = arith.addi %rem3A_165, %select_n3A_164 : i32
      %select_n3A_175 = arith.select %and3A_173, %add3A_174, %rem3A_165 : i32
      %dma_wait3A_176 = arith.constant 0 : i32
      %dma_wait3A_177 = arith.constant 0 : i32
      %dma_wait3A_178 = tpu.memref_slice %arg7[%select_n3A_159, %dma_wait3A_176, %dma_wait3A_177] : memref<2x128x128xf32, #tpu.memory_space<vmem>> -> memref<1x128x128xf32, #tpu.memory_space<vmem>>
      %dma_wait3A_179 = tpu.memref_squeeze %dma_wait3A_178 : memref<1x128x128xf32, #tpu.memory_space<vmem>> -> memref<128x128xf32, #tpu.memory_space<vmem>>
      %dma_wait3A_180 = arith.constant 0 : i32
      %dma_wait3A_181 = arith.constant 0 : i32
      %dma_wait3A_182 = tpu.memref_slice %arg2[%dma_wait3A_180, %dma_wait3A_181] : memref<10000x128xf32, #tpu.memory_space<hbm>> -> memref<128x128xf32, #tpu.memory_space<hbm>>
      %dma_wait3A_183 = arith.constant 0 : i32
      %dma_wait3A_184 = arith.constant 0 : i32
      %dma_wait3A_185 = tpu.memref_slice %arg7[%select_n3A_159, %dma_wait3A_183, %dma_wait3A_184] : memref<2x128x128xf32, #tpu.memory_space<vmem>> -> memref<1x128x128xf32, #tpu.memory_space<vmem>>
      %dma_wait3A_186 = tpu.memref_squeeze %dma_wait3A_185 : memref<1x128x128xf32, #tpu.memory_space<vmem>> -> memref<128x128xf32, #tpu.memory_space<vmem>>
      %dma_wait3A_187 = arith.constant 0 : i32
      %dma_wait3A_188 = arith.constant 0 : i32
      %dma_wait3A_189 = tpu.memref_slice %arg2[%dma_wait3A_187, %dma_wait3A_188] : memref<10000x128xf32, #tpu.memory_space<hbm>> -> memref<128x128xf32, #tpu.memory_space<hbm>>
      tpu.wait_dma2 semaphore(%arg10 : memref<!tpu.dma_semaphore, #tpu.memory_space<semaphore_mem>>) src(%dma_wait3A_189 : memref<128x128xf32, #tpu.memory_space<hbm>>) dst(%dma_wait3A_186 : memref<128x128xf32, #tpu.memory_space<vmem>>)
      %run_scoped3A = arith.constant 1 : i32
      "tpu.region"() ({
        %run_scoped3A_200 = tpu.sem_alloc : memref<!tpu.dma_semaphore, #tpu.memory_space<semaphore_mem>>
        %dma_start3A_201 = arith.constant 0 : i32
        %dma_start3A_202 = arith.constant 0 : i32
        %dma_start3A_203 = tpu.memref_slice %arg7[%select_n3A_159, %dma_start3A_201, %dma_start3A_202] : memref<2x128x128xf32, #tpu.memory_space<vmem>> -> memref<1x128x128xf32, #tpu.memory_space<vmem>>
        %dma_start3A_204 = tpu.memref_squeeze %dma_start3A_203 : memref<1x128x128xf32, #tpu.memory_space<vmem>> -> memref<128x128xf32, #tpu.memory_space<vmem>>
        %dma_start3A_205 = arith.constant 0 : i32
        %dma_start3A_206 = tpu.memref_slice %arg6[%select_n3A_175, %run_scoped3A, %dma_start3A_205] : memref<4x2x128xi32, #tpu.memory_space<vmem>> -> memref<1x1x128xi32, #tpu.memory_space<vmem>>
        %dma_start3A_207 = tpu.memref_squeeze %dma_start3A_206 : memref<1x1x128xi32, #tpu.memory_space<vmem>> -> memref<128xi32, #tpu.memory_space<vmem>>
        %dma_start3A_208 = arith.constant 0 : i32
        %dma_start3A_209 = arith.constant 0 : i32
        %dma_start3A_210 = tpu.memref_slice %arg8[%dma_start3A_208, %dma_start3A_209] : memref<10112x128xf32, #tpu.memory_space<vmem_shared>> -> memref<10112x128xf32, #tpu.memory_space<vmem_shared>>
        tpu.enqueue_indirect_dma source(%dma_start3A_204 : memref<128x128xf32, #tpu.memory_space<vmem>>) target(%dma_start3A_210 : memref<10112x128xf32, #tpu.memory_space<vmem_shared>>) offsets(%dma_start3A_207 : memref<128xi32, #tpu.memory_space<vmem>>) semaphore(%run_scoped3A_200 : memref<!tpu.dma_semaphore, #tpu.memory_space<semaphore_mem>>) {add = true}
        %dma_wait3A_211 = arith.constant 0 : i32
        %dma_wait3A_212 = arith.constant 0 : i32
        %dma_wait3A_213 = tpu.memref_slice %arg7[%select_n3A_159, %dma_wait3A_211, %dma_wait3A_212] : memref<2x128x128xf32, #tpu.memory_space<vmem>> -> memref<1x128x128xf32, #tpu.memory_space<vmem>>
        %dma_wait3A_214 = tpu.memref_squeeze %dma_wait3A_213 : memref<1x128x128xf32, #tpu.memory_space<vmem>> -> memref<128x128xf32, #tpu.memory_space<vmem>>
        %dma_wait3A_215 = arith.constant 0 : i32
        %dma_wait3A_216 = tpu.memref_slice %arg6[%select_n3A_175, %run_scoped3A, %dma_wait3A_215] : memref<4x2x128xi32, #tpu.memory_space<vmem>> -> memref<1x1x128xi32, #tpu.memory_space<vmem>>
        %dma_wait3A_217 = tpu.memref_squeeze %dma_wait3A_216 : memref<1x1x128xi32, #tpu.memory_space<vmem>> -> memref<128xi32, #tpu.memory_space<vmem>>
        %dma_wait3A_218 = arith.constant 0 : i32
        %dma_wait3A_219 = arith.constant 0 : i32
        %dma_wait3A_220 = tpu.memref_slice %arg8[%dma_wait3A_218, %dma_wait3A_219] : memref<10112x128xf32, #tpu.memory_space<vmem_shared>> -> memref<10112x128xf32, #tpu.memory_space<vmem_shared>>
        tpu.wait_indirect_dma semaphore(%run_scoped3A_200 : memref<!tpu.dma_semaphore, #tpu.memory_space<semaphore_mem>>) src(%dma_wait3A_214 : memref<128x128xf32, #tpu.memory_space<vmem>>) dst(%dma_wait3A_220 : memref<10112x128xf32, #tpu.memory_space<vmem_shared>>)
        tpu.yield
      }) : () -> ()
      %add3A_190 = arith.constant 4 : i32
      %add3A_191 = arith.addi %while3A_147, %add3A_190 : i32
      %lt3A_192 = arith.cmpi slt, %add3A_191, %select_n3A : i32
      %convert_element_type3A = arith.extui %lt3A_192 : i1 to i32
      %cond3A = arith.constant 0 : i32
      %cond3A_193 = arith.cmpi ne, %convert_element_type3A, %cond3A : i32
      scf.if %cond3A_193 {
        %add3A_200 = arith.constant 4 : i32
        %add3A_201 = arith.addi %while3A_147, %add3A_200 : i32
        %dma_start3A_202 = arith.constant 0 : i32
        %dma_start3A_203 = arith.constant 0 : i32
        %dma_start3A_204 = tpu.memref_slice %arg6[%select_n3A_175, %dma_start3A_202, %dma_start3A_203] : memref<4x2x128xi32, #tpu.memory_space<vmem>> -> memref<1x2x128xi32, #tpu.memory_space<vmem>>
        %dma_start3A_205 = tpu.memref_squeeze %dma_start3A_204 : memref<1x2x128xi32, #tpu.memory_space<vmem>> -> memref<2x128xi32, #tpu.memory_space<vmem>>
        %dma_start3A_206 = arith.constant 0 : i32
        %dma_start3A_207 = arith.constant 0 : i32
        %dma_start3A_208 = tpu.memref_slice %arg3[%add3A, %add3A_201, %dma_start3A_206, %dma_start3A_207] : memref<32x110x2x128xi32, #tpu.memory_space<hbm>> -> memref<1x1x2x128xi32, #tpu.memory_space<hbm>>
        %dma_start3A_209 = tpu.memref_squeeze %dma_start3A_208 : memref<1x1x2x128xi32, #tpu.memory_space<hbm>> -> memref<2x128xi32, #tpu.memory_space<hbm>>
        %dma_start3A_210 = arith.constant 0 : i32
        %dma_start3A_211 = arith.constant 0 : i32
        %dma_start3A_212 = tpu.memref_slice %arg6[%select_n3A_175, %dma_start3A_210, %dma_start3A_211] : memref<4x2x128xi32, #tpu.memory_space<vmem>> -> memref<1x2x128xi32, #tpu.memory_space<vmem>>
        %dma_start3A_213 = tpu.memref_squeeze %dma_start3A_212 : memref<1x2x128xi32, #tpu.memory_space<vmem>> -> memref<2x128xi32, #tpu.memory_space<vmem>>
        %dma_start3A_214 = arith.constant 0 : i32
        %dma_start3A_215 = arith.constant 0 : i32
        %dma_start3A_216 = tpu.memref_slice %arg3[%add3A, %add3A_201, %dma_start3A_214, %dma_start3A_215] : memref<32x110x2x128xi32, #tpu.memory_space<hbm>> -> memref<1x1x2x128xi32, #tpu.memory_space<hbm>>
        %dma_start3A_217 = tpu.memref_squeeze %dma_start3A_216 : memref<1x1x2x128xi32, #tpu.memory_space<hbm>> -> memref<2x128xi32, #tpu.memory_space<hbm>>
        tpu.enqueue_dma source(%dma_start3A_217 : memref<2x128xi32, #tpu.memory_space<hbm>>) target(%dma_start3A_213 : memref<2x128xi32, #tpu.memory_space<vmem>>) target_semaphore(%arg9 : memref<!tpu.dma_semaphore, #tpu.memory_space<semaphore_mem>>)
      } else {
      }
      %add3A_194 = arith.constant 2 : i32
      %add3A_195 = arith.addi %while3A_147, %add3A_194 : i32
      %lt3A_196 = arith.cmpi slt, %add3A_195, %select_n3A : i32
      %convert_element_type3A_197 = arith.extui %lt3A_196 : i1 to i32
      %cond3A_198 = arith.constant 0 : i32
      %cond3A_199 = arith.cmpi ne, %convert_element_type3A_197, %cond3A_198 : i32
      scf.if %cond3A_199 {
        %dma_wait3A_200 = arith.constant 0 : i32
        %dma_wait3A_201 = arith.constant 0 : i32
        %dma_wait3A_202 = arith.constant 0 : i32
        %dma_wait3A_203 = tpu.memref_slice %arg6[%select_n3A_175, %dma_wait3A_201, %dma_wait3A_202] : memref<4x2x128xi32, #tpu.memory_space<vmem>> -> memref<1x2x128xi32, #tpu.memory_space<vmem>>
        %dma_wait3A_204 = tpu.memref_squeeze %dma_wait3A_203 : memref<1x2x128xi32, #tpu.memory_space<vmem>> -> memref<2x128xi32, #tpu.memory_space<vmem>>
        %dma_wait3A_205 = arith.constant 0 : i32
        %dma_wait3A_206 = arith.constant 0 : i32
        %dma_wait3A_207 = tpu.memref_slice %arg3[%add3A, %dma_wait3A_200, %dma_wait3A_205, %dma_wait3A_206] : memref<32x110x2x128xi32, #tpu.memory_space<hbm>> -> memref<1x1x2x128xi32, #tpu.memory_space<hbm>>
        %dma_wait3A_208 = tpu.memref_squeeze %dma_wait3A_207 : memref<1x1x2x128xi32, #tpu.memory_space<hbm>> -> memref<2x128xi32, #tpu.memory_space<hbm>>
        %dma_wait3A_209 = arith.constant 0 : i32
        %dma_wait3A_210 = arith.constant 0 : i32
        %dma_wait3A_211 = tpu.memref_slice %arg6[%select_n3A_175, %dma_wait3A_209, %dma_wait3A_210] : memref<4x2x128xi32, #tpu.memory_space<vmem>> -> memref<1x2x128xi32, #tpu.memory_space<vmem>>
        %dma_wait3A_212 = tpu.memref_squeeze %dma_wait3A_211 : memref<1x2x128xi32, #tpu.memory_space<vmem>> -> memref<2x128xi32, #tpu.memory_space<vmem>>
        %dma_wait3A_213 = arith.constant 0 : i32
        %dma_wait3A_214 = arith.constant 0 : i32
        %dma_wait3A_215 = tpu.memref_slice %arg3[%add3A, %dma_wait3A_200, %dma_wait3A_213, %dma_wait3A_214] : memref<32x110x2x128xi32, #tpu.memory_space<hbm>> -> memref<1x1x2x128xi32, #tpu.memory_space<hbm>>
        %dma_wait3A_216 = tpu.memref_squeeze %dma_wait3A_215 : memref<1x1x2x128xi32, #tpu.memory_space<hbm>> -> memref<2x128xi32, #tpu.memory_space<hbm>>
        tpu.wait_dma2 semaphore(%arg9 : memref<!tpu.dma_semaphore, #tpu.memory_space<semaphore_mem>>) src(%dma_wait3A_216 : memref<2x128xi32, #tpu.memory_space<hbm>>) dst(%dma_wait3A_212 : memref<2x128xi32, #tpu.memory_space<vmem>>)
        %add3A_217 = arith.constant 2 : i32
        %add3A_218 = arith.addi %while3A_147, %add3A_217 : i32
        %jit3A_219 = arith.constant 4 : i32
        %eq3A_220 = arith.constant 0 : i32
        %eq3A_221 = arith.cmpi eq, %jit3A_219, %eq3A_220 : i32
        %jit3A_222 = arith.constant 1 : i32
        %select_n3A_223 = arith.select %eq3A_221, %jit3A_222, %jit3A_219 : i32
        %rem3A_224 = arith.remsi %add3A_218, %select_n3A_223 : i32
        %ne3A_225 = arith.constant 0 : i32
        %ne3A_226 = arith.cmpi ne, %rem3A_224, %ne3A_225 : i32
        %lt3A_227 = arith.constant 0 : i32
        %lt3A_228 = arith.cmpi slt, %rem3A_224, %lt3A_227 : i32
        %lt3A_229 = arith.constant 0 : i32
        %lt3A_230 = arith.cmpi slt, %select_n3A_223, %lt3A_229 : i32
        %ne3A_231 = arith.xori %lt3A_228, %lt3A_230 : i1
        %and3A_232 = arith.andi %ne3A_231, %ne3A_226 : i1
        %add3A_233 = arith.addi %rem3A_224, %select_n3A_223 : i32
        %select_n3A_234 = arith.select %and3A_232, %add3A_233, %rem3A_224 : i32
        %dma_start3A_235 = arith.constant 0 : i32
        %dma_start3A_236 = arith.constant 0 : i32
        %dma_start3A_237 = arith.constant 0 : i32
        %dma_start3A_238 = tpu.memref_slice %arg7[%select_n3A_159, %dma_start3A_236, %dma_start3A_237] : memref<2x128x128xf32, #tpu.memory_space<vmem>> -> memref<1x128x128xf32, #tpu.memory_space<vmem>>
        %dma_start3A_239 = tpu.memref_squeeze %dma_start3A_238 : memref<1x128x128xf32, #tpu.memory_space<vmem>> -> memref<128x128xf32, #tpu.memory_space<vmem>>
        %dma_start3A_240 = arith.constant 0 : i32
        %dma_start3A_241 = tpu.memref_slice %arg6[%select_n3A_234, %dma_start3A_235, %dma_start3A_240] : memref<4x2x128xi32, #tpu.memory_space<vmem>> -> memref<1x1x128xi32, #tpu.memory_space<vmem>>
        %dma_start3A_242 = tpu.memref_squeeze %dma_start3A_241 : memref<1x1x128xi32, #tpu.memory_space<vmem>> -> memref<128xi32, #tpu.memory_space<vmem>>
        %dma_start3A_243 = arith.constant 0 : i32
        %dma_start3A_244 = arith.constant 0 : i32
        %dma_start3A_245 = tpu.memref_slice %arg2[%dma_start3A_243, %dma_start3A_244] : memref<10000x128xf32, #tpu.memory_space<hbm>> -> memref<10000x128xf32, #tpu.memory_space<hbm>>
        tpu.enqueue_indirect_dma source(%dma_start3A_245 : memref<10000x128xf32, #tpu.memory_space<hbm>>) target(%dma_start3A_239 : memref<128x128xf32, #tpu.memory_space<vmem>>) offsets(%dma_start3A_242 : memref<128xi32, #tpu.memory_space<vmem>>) semaphore(%arg10 : memref<!tpu.dma_semaphore, #tpu.memory_space<semaphore_mem>>)
      } else {
      }
    }
    %while3A_145 = arith.constant 1 : i32
    scf.for %while3A_147 = %while3A_143 to %while3A_139 step %while3A_145  : i32 {
      %jit3A_148 = arith.constant 2 : i32
      %eq3A_149 = arith.constant 0 : i32
      %eq3A_150 = arith.cmpi eq, %jit3A_148, %eq3A_149 : i32
      %jit3A_151 = arith.constant 1 : i32
      %select_n3A_152 = arith.select %eq3A_150, %jit3A_151, %jit3A_148 : i32
      %rem3A = arith.remsi %while3A_147, %select_n3A_152 : i32
      %ne3A = arith.constant 0 : i32
      %ne3A_153 = arith.cmpi ne, %rem3A, %ne3A : i32
      %lt3A = arith.constant 0 : i32
      %lt3A_154 = arith.cmpi slt, %rem3A, %lt3A : i32
      %lt3A_155 = arith.constant 0 : i32
      %lt3A_156 = arith.cmpi slt, %select_n3A_152, %lt3A_155 : i32
      %ne3A_157 = arith.xori %lt3A_154, %lt3A_156 : i1
      %and3A = arith.andi %ne3A_157, %ne3A_153 : i1
      %add3A_158 = arith.addi %rem3A, %select_n3A_152 : i32
      %select_n3A_159 = arith.select %and3A, %add3A_158, %rem3A : i32
      %jit3A_160 = arith.constant 4 : i32
      %eq3A_161 = arith.constant 0 : i32
      %eq3A_162 = arith.cmpi eq, %jit3A_160, %eq3A_161 : i32
      %jit3A_163 = arith.constant 1 : i32
      %select_n3A_164 = arith.select %eq3A_162, %jit3A_163, %jit3A_160 : i32
      %rem3A_165 = arith.remsi %while3A_147, %select_n3A_164 : i32
      %ne3A_166 = arith.constant 0 : i32
      %ne3A_167 = arith.cmpi ne, %rem3A_165, %ne3A_166 : i32
      %lt3A_168 = arith.constant 0 : i32
      %lt3A_169 = arith.cmpi slt, %rem3A_165, %lt3A_168 : i32
      %lt3A_170 = arith.constant 0 : i32
      %lt3A_171 = arith.cmpi slt, %select_n3A_164, %lt3A_170 : i32
      %ne3A_172 = arith.xori %lt3A_169, %lt3A_171 : i1
      %and3A_173 = arith.andi %ne3A_172, %ne3A_167 : i1
      %add3A_174 = arith.addi %rem3A_165, %select_n3A_164 : i32
      %select_n3A_175 = arith.select %and3A_173, %add3A_174, %rem3A_165 : i32
      %dma_wait3A_176 = arith.constant 0 : i32
      %dma_wait3A_177 = arith.constant 0 : i32
      %dma_wait3A_178 = tpu.memref_slice %arg7[%select_n3A_159, %dma_wait3A_176, %dma_wait3A_177] : memref<2x128x128xf32, #tpu.memory_space<vmem>> -> memref<1x128x128xf32, #tpu.memory_space<vmem>>
      %dma_wait3A_179 = tpu.memref_squeeze %dma_wait3A_178 : memref<1x128x128xf32, #tpu.memory_space<vmem>> -> memref<128x128xf32, #tpu.memory_space<vmem>>
      %dma_wait3A_180 = arith.constant 0 : i32
      %dma_wait3A_181 = arith.constant 0 : i32
      %dma_wait3A_182 = tpu.memref_slice %arg2[%dma_wait3A_180, %dma_wait3A_181] : memref<10000x128xf32, #tpu.memory_space<hbm>> -> memref<128x128xf32, #tpu.memory_space<hbm>>
      %dma_wait3A_183 = arith.constant 0 : i32
      %dma_wait3A_184 = arith.constant 0 : i32
      %dma_wait3A_185 = tpu.memref_slice %arg7[%select_n3A_159, %dma_wait3A_183, %dma_wait3A_184] : memref<2x128x128xf32, #tpu.memory_space<vmem>> -> memref<1x128x128xf32, #tpu.memory_space<vmem>>
      %dma_wait3A_186 = tpu.memref_squeeze %dma_wait3A_185 : memref<1x128x128xf32, #tpu.memory_space<vmem>> -> memref<128x128xf32, #tpu.memory_space<vmem>>
      %dma_wait3A_187 = arith.constant 0 : i32
      %dma_wait3A_188 = arith.constant 0 : i32
      %dma_wait3A_189 = tpu.memref_slice %arg2[%dma_wait3A_187, %dma_wait3A_188] : memref<10000x128xf32, #tpu.memory_space<hbm>> -> memref<128x128xf32, #tpu.memory_space<hbm>>
      tpu.wait_dma2 semaphore(%arg10 : memref<!tpu.dma_semaphore, #tpu.memory_space<semaphore_mem>>) src(%dma_wait3A_189 : memref<128x128xf32, #tpu.memory_space<hbm>>) dst(%dma_wait3A_186 : memref<128x128xf32, #tpu.memory_space<vmem>>)
      %run_scoped3A = arith.constant 1 : i32
      "tpu.region"() ({
        %run_scoped3A_200 = tpu.sem_alloc : memref<!tpu.dma_semaphore, #tpu.memory_space<semaphore_mem>>
        %dma_start3A_201 = arith.constant 0 : i32
        %dma_start3A_202 = arith.constant 0 : i32
        %dma_start3A_203 = tpu.memref_slice %arg7[%select_n3A_159, %dma_start3A_201, %dma_start3A_202] : memref<2x128x128xf32, #tpu.memory_space<vmem>> -> memref<1x128x128xf32, #tpu.memory_space<vmem>>
        %dma_start3A_204 = tpu.memref_squeeze %dma_start3A_203 : memref<1x128x128xf32, #tpu.memory_space<vmem>> -> memref<128x128xf32, #tpu.memory_space<vmem>>
        %dma_start3A_205 = arith.constant 0 : i32
        %dma_start3A_206 = tpu.memref_slice %arg6[%select_n3A_175, %run_scoped3A, %dma_start3A_205] : memref<4x2x128xi32, #tpu.memory_space<vmem>> -> memref<1x1x128xi32, #tpu.memory_space<vmem>>
        %dma_start3A_207 = tpu.memref_squeeze %dma_start3A_206 : memref<1x1x128xi32, #tpu.memory_space<vmem>> -> memref<128xi32, #tpu.memory_space<vmem>>
        %dma_start3A_208 = arith.constant 0 : i32
        %dma_start3A_209 = arith.constant 0 : i32
        %dma_start3A_210 = tpu.memref_slice %arg8[%dma_start3A_208, %dma_start3A_209] : memref<10112x128xf32, #tpu.memory_space<vmem_shared>> -> memref<10112x128xf32, #tpu.memory_space<vmem_shared>>
        tpu.enqueue_indirect_dma source(%dma_start3A_204 : memref<128x128xf32, #tpu.memory_space<vmem>>) target(%dma_start3A_210 : memref<10112x128xf32, #tpu.memory_space<vmem_shared>>) offsets(%dma_start3A_207 : memref<128xi32, #tpu.memory_space<vmem>>) semaphore(%run_scoped3A_200 : memref<!tpu.dma_semaphore, #tpu.memory_space<semaphore_mem>>) {add = true}
        %dma_wait3A_211 = arith.constant 0 : i32
        %dma_wait3A_212 = arith.constant 0 : i32
        %dma_wait3A_213 = tpu.memref_slice %arg7[%select_n3A_159, %dma_wait3A_211, %dma_wait3A_212] : memref<2x128x128xf32, #tpu.memory_space<vmem>> -> memref<1x128x128xf32, #tpu.memory_space<vmem>>
        %dma_wait3A_214 = tpu.memref_squeeze %dma_wait3A_213 : memref<1x128x128xf32, #tpu.memory_space<vmem>> -> memref<128x128xf32, #tpu.memory_space<vmem>>
        %dma_wait3A_215 = arith.constant 0 : i32
        %dma_wait3A_216 = tpu.memref_slice %arg6[%select_n3A_175, %run_scoped3A, %dma_wait3A_215] : memref<4x2x128xi32, #tpu.memory_space<vmem>> -> memref<1x1x128xi32, #tpu.memory_space<vmem>>
        %dma_wait3A_217 = tpu.memref_squeeze %dma_wait3A_216 : memref<1x1x128xi32, #tpu.memory_space<vmem>> -> memref<128xi32, #tpu.memory_space<vmem>>
        %dma_wait3A_218 = arith.constant 0 : i32
        %dma_wait3A_219 = arith.constant 0 : i32
        %dma_wait3A_220 = tpu.memref_slice %arg8[%dma_wait3A_218, %dma_wait3A_219] : memref<10112x128xf32, #tpu.memory_space<vmem_shared>> -> memref<10112x128xf32, #tpu.memory_space<vmem_shared>>
        tpu.wait_indirect_dma semaphore(%run_scoped3A_200 : memref<!tpu.dma_semaphore, #tpu.memory_space<semaphore_mem>>) src(%dma_wait3A_214 : memref<128x128xf32, #tpu.memory_space<vmem>>) dst(%dma_wait3A_220 : memref<10112x128xf32, #tpu.memory_space<vmem_shared>>)
        tpu.yield
      }) : () -> ()
      %add3A_190 = arith.constant 4 : i32
      %add3A_191 = arith.addi %while3A_147, %add3A_190 : i32
      %lt3A_192 = arith.cmpi slt, %add3A_191, %select_n3A : i32
      %convert_element_type3A = arith.extui %lt3A_192 : i1 to i32
      %cond3A = arith.constant 0 : i32
      %cond3A_193 = arith.cmpi ne, %convert_element_type3A, %cond3A : i32
      scf.if %cond3A_193 {
        %add3A_200 = arith.constant 4 : i32
        %add3A_201 = arith.addi %while3A_147, %add3A_200 : i32
        %dma_start3A_202 = arith.constant 0 : i32
        %dma_start3A_203 = arith.constant 0 : i32
        %dma_start3A_204 = tpu.memref_slice %arg6[%select_n3A_175, %dma_start3A_202, %dma_start3A_203] : memref<4x2x128xi32, #tpu.memory_space<vmem>> -> memref<1x2x128xi32, #tpu.memory_space<vmem>>
        %dma_start3A_205 = tpu.memref_squeeze %dma_start3A_204 : memref<1x2x128xi32, #tpu.memory_space<vmem>> -> memref<2x128xi32, #tpu.memory_space<vmem>>
        %dma_start3A_206 = arith.constant 0 : i32
        %dma_start3A_207 = arith.constant 0 : i32
        %dma_start3A_208 = tpu.memref_slice %arg3[%add3A, %add3A_201, %dma_start3A_206, %dma_start3A_207] : memref<32x110x2x128xi32, #tpu.memory_space<hbm>> -> memref<1x1x2x128xi32, #tpu.memory_space<hbm>>
        %dma_start3A_209 = tpu.memref_squeeze %dma_start3A_208 : memref<1x1x2x128xi32, #tpu.memory_space<hbm>> -> memref<2x128xi32, #tpu.memory_space<hbm>>
        %dma_start3A_210 = arith.constant 0 : i32
        %dma_start3A_211 = arith.constant 0 : i32
        %dma_start3A_212 = tpu.memref_slice %arg6[%select_n3A_175, %dma_start3A_210, %dma_start3A_211] : memref<4x2x128xi32, #tpu.memory_space<vmem>> -> memref<1x2x128xi32, #tpu.memory_space<vmem>>
        %dma_start3A_213 = tpu.memref_squeeze %dma_start3A_212 : memref<1x2x128xi32, #tpu.memory_space<vmem>> -> memref<2x128xi32, #tpu.memory_space<vmem>>
        %dma_start3A_214 = arith.constant 0 : i32
        %dma_start3A_215 = arith.constant 0 : i32
        %dma_start3A_216 = tpu.memref_slice %arg3[%add3A, %add3A_201, %dma_start3A_214, %dma_start3A_215] : memref<32x110x2x128xi32, #tpu.memory_space<hbm>> -> memref<1x1x2x128xi32, #tpu.memory_space<hbm>>
        %dma_start3A_217 = tpu.memref_squeeze %dma_start3A_216 : memref<1x1x2x128xi32, #tpu.memory_space<hbm>> -> memref<2x128xi32, #tpu.memory_space<hbm>>
        tpu.enqueue_dma source(%dma_start3A_217 : memref<2x128xi32, #tpu.memory_space<hbm>>) target(%dma_start3A_213 : memref<2x128xi32, #tpu.memory_space<vmem>>) target_semaphore(%arg9 : memref<!tpu.dma_semaphore, #tpu.memory_space<semaphore_mem>>)
      } else {
      }
      %add3A_194 = arith.constant 2 : i32
      %add3A_195 = arith.addi %while3A_147, %add3A_194 : i32
      %lt3A_196 = arith.cmpi slt, %add3A_195, %select_n3A : i32
      %convert_element_type3A_197 = arith.extui %lt3A_196 : i1 to i32
      %cond3A_198 = arith.constant 0 : i32
      %cond3A_199 = arith.cmpi ne, %convert_element_type3A_197, %cond3A_198 : i32
      scf.if %cond3A_199 {
        %dma_wait3A_200 = arith.constant 0 : i32
        %dma_wait3A_201 = arith.constant 0 : i32
        %dma_wait3A_202 = arith.constant 0 : i32
        %dma_wait3A_203 = tpu.memref_slice %arg6[%select_n3A_175, %dma_wait3A_201, %dma_wait3A_202] : memref<4x2x128xi32, #tpu.memory_space<vmem>> -> memref<1x2x128xi32, #tpu.memory_space<vmem>>
        %dma_wait3A_204 = tpu.memref_squeeze %dma_wait3A_203 : memref<1x2x128xi32, #tpu.memory_space<vmem>> -> memref<2x128xi32, #tpu.memory_space<vmem>>
        %dma_wait3A_205 = arith.constant 0 : i32
        %dma_wait3A_206 = arith.constant 0 : i32
        %dma_wait3A_207 = tpu.memref_slice %arg3[%add3A, %dma_wait3A_200, %dma_wait3A_205, %dma_wait3A_206] : memref<32x110x2x128xi32, #tpu.memory_space<hbm>> -> memref<1x1x2x128xi32, #tpu.memory_space<hbm>>
        %dma_wait3A_208 = tpu.memref_squeeze %dma_wait3A_207 : memref<1x1x2x128xi32, #tpu.memory_space<hbm>> -> memref<2x128xi32, #tpu.memory_space<hbm>>
        %dma_wait3A_209 = arith.constant 0 : i32
        %dma_wait3A_210 = arith.constant 0 : i32
        %dma_wait3A_211 = tpu.memref_slice %arg6[%select_n3A_175, %dma_wait3A_209, %dma_wait3A_210] : memref<4x2x128xi32, #tpu.memory_space<vmem>> -> memref<1x2x128xi32, #tpu.memory_space<vmem>>
        %dma_wait3A_212 = tpu.memref_squeeze %dma_wait3A_211 : memref<1x2x128xi32, #tpu.memory_space<vmem>> -> memref<2x128xi32, #tpu.memory_space<vmem>>
        %dma_wait3A_213 = arith.constant 0 : i32
        %dma_wait3A_214 = arith.constant 0 : i32
        %dma_wait3A_215 = tpu.memref_slice %arg3[%add3A, %dma_wait3A_200, %dma_wait3A_213, %dma_wait3A_214] : memref<32x110x2x128xi32, #tpu.memory_space<hbm>> -> memref<1x1x2x128xi32, #tpu.memory_space<hbm>>
        %dma_wait3A_216 = tpu.memref_squeeze %dma_wait3A_215 : memref<1x1x2x128xi32, #tpu.memory_space<hbm>> -> memref<2x128xi32, #tpu.memory_space<hbm>>
        tpu.wait_dma2 semaphore(%arg9 : memref<!tpu.dma_semaphore, #tpu.memory_space<semaphore_mem>>) src(%dma_wait3A_216 : memref<2x128xi32, #tpu.memory_space<hbm>>) dst(%dma_wait3A_212 : memref<2x128xi32, #tpu.memory_space<vmem>>)
        %add3A_217 = arith.constant 2 : i32
        %add3A_218 = arith.addi %while3A_147, %add3A_217 : i32
        %jit3A_219 = arith.constant 4 : i32
        %eq3A_220 = arith.constant 0 : i32
        %eq3A_221 = arith.cmpi eq, %jit3A_219, %eq3A_220 : i32
        %jit3A_222 = arith.constant 1 : i32
        %select_n3A_223 = arith.select %eq3A_221, %jit3A_222, %jit3A_219 : i32
        %rem3A_224 = arith.remsi %add3A_218, %select_n3A_223 : i32
        %ne3A_225 = arith.constant 0 : i32
        %ne3A_226 = arith.cmpi ne, %rem3A_224, %ne3A_225 : i32
        %lt3A_227 = arith.constant 0 : i32
        %lt3A_228 = arith.cmpi slt, %rem3A_224, %lt3A_227 : i32
        %lt3A_229 = arith.constant 0 : i32
        %lt3A_230 = arith.cmpi slt, %select_n3A_223, %lt3A_229 : i32
        %ne3A_231 = arith.xori %lt3A_228, %lt3A_230 : i1
        %and3A_232 = arith.andi %ne3A_231, %ne3A_226 : i1
        %add3A_233 = arith.addi %rem3A_224, %select_n3A_223 : i32
        %select_n3A_234 = arith.select %and3A_232, %add3A_233, %rem3A_224 : i32
        %dma_start3A_235 = arith.constant 0 : i32
        %dma_start3A_236 = arith.constant 0 : i32
        %dma_start3A_237 = arith.constant 0 : i32
        %dma_start3A_238 = tpu.memref_slice %arg7[%select_n3A_159, %dma_start3A_236, %dma_start3A_237] : memref<2x128x128xf32, #tpu.memory_space<vmem>> -> memref<1x128x128xf32, #tpu.memory_space<vmem>>
        %dma_start3A_239 = tpu.memref_squeeze %dma_start3A_238 : memref<1x128x128xf32, #tpu.memory_space<vmem>> -> memref<128x128xf32, #tpu.memory_space<vmem>>
        %dma_start3A_240 = arith.constant 0 : i32
        %dma_start3A_241 = tpu.memref_slice %arg6[%select_n3A_234, %dma_start3A_235, %dma_start3A_240] : memref<4x2x128xi32, #tpu.memory_space<vmem>> -> memref<1x1x128xi32, #tpu.memory_space<vmem>>
        %dma_start3A_242 = tpu.memref_squeeze %dma_start3A_241 : memref<1x1x128xi32, #tpu.memory_space<vmem>> -> memref<128xi32, #tpu.memory_space<vmem>>
        %dma_start3A_243 = arith.constant 0 : i32
        %dma_start3A_244 = arith.constant 0 : i32
        %dma_start3A_245 = tpu.memref_slice %arg2[%dma_start3A_243, %dma_start3A_244] : memref<10000x128xf32, #tpu.memory_space<hbm>> -> memref<10000x128xf32, #tpu.memory_space<hbm>>
        tpu.enqueue_indirect_dma source(%dma_start3A_245 : memref<10000x128xf32, #tpu.memory_space<hbm>>) target(%dma_start3A_239 : memref<128x128xf32, #tpu.memory_space<vmem>>) offsets(%dma_start3A_242 : memref<128xi32, #tpu.memory_space<vmem>>) semaphore(%arg10 : memref<!tpu.dma_semaphore, #tpu.memory_space<semaphore_mem>>)
      } else {
      }
    }
    %barrier3A_146 = arith.constant 0 : index
    tpu.barrier barrier_id(%barrier3A_146)
    "tpu.region"() ({
      %run_scoped3A = tpu.sem_alloc : memref<!tpu.dma_semaphore, #tpu.memory_space<semaphore_mem>>
      %dma_start3A_147 = arith.constant 0 : i32
      %dma_start3A_148 = tpu.memref_slice %arg5[%arg0, %mul3A_4, %dma_start3A_147] : memref<2x10112x128xf32, #tpu.memory_space<hbm>> -> memref<1x632x128xf32, #tpu.memory_space<hbm>>
      %dma_start3A_149 = tpu.memref_squeeze %dma_start3A_148 : memref<1x632x128xf32, #tpu.memory_space<hbm>> -> memref<632x128xf32, #tpu.memory_space<hbm>>
      %dma_start3A_150 = arith.constant 0 : i32
      %dma_start3A_151 = tpu.memref_slice %arg8[%mul3A_4, %dma_start3A_150] : memref<10112x128xf32, #tpu.memory_space<vmem_shared>> -> memref<632x128xf32, #tpu.memory_space<vmem_shared>>
      tpu.enqueue_dma source(%dma_start3A_151 : memref<632x128xf32, #tpu.memory_space<vmem_shared>>) target(%dma_start3A_149 : memref<632x128xf32, #tpu.memory_space<hbm>>) target_semaphore(%run_scoped3A : memref<!tpu.dma_semaphore, #tpu.memory_space<semaphore_mem>>)
      %dma_wait3A_152 = arith.constant 0 : i32
      %dma_wait3A_153 = tpu.memref_slice %arg5[%arg0, %mul3A_4, %dma_wait3A_152] : memref<2x10112x128xf32, #tpu.memory_space<hbm>> -> memref<1x632x128xf32, #tpu.memory_space<hbm>>
      %dma_wait3A_154 = tpu.memref_squeeze %dma_wait3A_153 : memref<1x632x128xf32, #tpu.memory_space<hbm>> -> memref<632x128xf32, #tpu.memory_space<hbm>>
      %dma_wait3A_155 = arith.constant 0 : i32
      %dma_wait3A_156 = tpu.memref_slice %arg8[%mul3A_4, %dma_wait3A_155] : memref<10112x128xf32, #tpu.memory_space<vmem_shared>> -> memref<632x128xf32, #tpu.memory_space<vmem_shared>>
      tpu.wait_dma2 semaphore(%run_scoped3A : memref<!tpu.dma_semaphore, #tpu.memory_space<semaphore_mem>>) src(%dma_wait3A_156 : memref<632x128xf32, #tpu.memory_space<vmem_shared>>) dst(%dma_wait3A_154 : memref<632x128xf32, #tpu.memory_space<hbm>>)
      tpu.yield
    }) : () -> ()
    return
  }
}

module attributes {stable_mosaic.version = 14 : i64} {
  func.func @_tc0_body(%arg0: i32, %arg1: memref<2x1000x16xf32, #tpu.memory_space<vmem>>, %arg2: memref<1000x128xf32, #tpu.memory_space<vmem>>, %arg3: memref<128x128xf32, #tpu.memory_space<vmem>>, %arg4: memref<1000x1xf32, #tpu.memory_space<vmem>>, %arg5: memref<1000x128xf32, #tpu.memory_space<vmem>>) attributes {dimension_semantics = [#tpu.dimension_semantics<arbitrary>], iteration_bounds = array<i64: 10>, scalar_prefetch = 0 : i64, scratch_operands = 0 : i64, tpu.core_type = #tpu.core_type<tc>, window_params = [{transform_indices = @transform_0, window_bounds = array<i64: 2, 1000, 16>}, {transform_indices = @transform_1, window_bounds = array<i64: 1000, 128>}, {pipeline_mode = #tpu.pipeline_mode<synchronous>, transform_indices = @transform_2, window_bounds = array<i64: 128, 128>}, {transform_indices = @transform_3, window_bounds = array<i64: 1000, 1>}, {transform_indices = @transform_4, window_bounds = array<i64: 1000, 128>}]} {
    %get3A = arith.constant 0 : index
    %get3A_0 = arith.constant 0 : index
    %get3A_1 = arith.constant 0 : index
    %get3A_2 = vector.load %arg1[%get3A, %get3A_0, %get3A_1] : memref<2x1000x16xf32, #tpu.memory_space<vmem>>, vector<1x1000x1xf32>
    %get3A_3 = vector.shape_cast %get3A_2 : vector<1x1000x1xf32> to vector<1000x1xf32>
    %get3A_4 = arith.constant 1 : index
    %get3A_5 = arith.constant 0 : index
    %get3A_6 = arith.constant 0 : index
    %get3A_7 = vector.load %arg1[%get3A_4, %get3A_5, %get3A_6] : memref<2x1000x16xf32, #tpu.memory_space<vmem>>, vector<1x1000x1xf32>
    %get3A_8 = vector.shape_cast %get3A_7 : vector<1x1000x1xf32> to vector<1000x1xf32>
    %add3A = arith.addf %get3A_3, %get3A_8 : vector<1000x1xf32>
    %rsqrt3A = math.rsqrt %add3A : vector<1000x1xf32>
    %swap3A = arith.constant 0 : index
    %swap3A_9 = arith.constant 0 : index
    %swap3A_10 = vector.load %arg4[%swap3A, %swap3A_9] : memref<1000x1xf32, #tpu.memory_space<vmem>>, vector<1000x1xf32>
    tpu.vector_store %arg4[%swap3A, %swap3A_9], %rsqrt3A {strides = array<i32>} : memref<1000x1xf32, #tpu.memory_space<vmem>>, vector<1000x1xf32>,
    %get3A_11 = arith.constant 0 : index
    %get3A_12 = arith.constant 0 : index
    %get3A_13 = vector.load %arg2[%get3A_11, %get3A_12] : memref<1000x128xf32, #tpu.memory_space<vmem>>, vector<1000x128xf32>
    %get3A_14 = arith.constant 0 : index
    %get3A_15 = arith.constant 0 : index
    %get3A_16 = vector.load %arg3[%get3A_14, %get3A_15] : memref<128x128xf32, #tpu.memory_space<vmem>>, vector<128x128xf32>
    %dot_general3A = arith.constant dense<0.000000e+00> : vector<1000x128xf32>
    %dot_general3A_17 = tpu.matmul %get3A_13, %get3A_16, %dot_general3A {dimension_numbers = #tpu.dot_dimension_numbers<[1], [0], [0], [1], [0, 0, 1, 1], [], []>, transpose_lhs_hint = false} : vector<1000x128xf32>, vector<128x128xf32>, vector<1000x128xf32> -> vector<1000x128xf32>
    %mul3A = vector.broadcast %rsqrt3A : vector<1000x1xf32> to vector<1000x128xf32>
    %mul3A_18 = arith.mulf %dot_general3A_17, %mul3A : vector<1000x128xf32>
    %swap3A_19 = arith.constant 0 : index
    %swap3A_20 = arith.constant 0 : index
    %swap3A_21 = vector.load %arg5[%swap3A_19, %swap3A_20] : memref<1000x128xf32, #tpu.memory_space<vmem>>, vector<1000x128xf32>
    tpu.vector_store %arg5[%swap3A_19, %swap3A_20], %mul3A_18 {strides = array<i32>} : memref<1000x128xf32, #tpu.memory_space<vmem>>, vector<1000x128xf32>,
    return
  }
  func.func @transform_0(%arg0: i32) -> (i32, i32, i32) {
    %c0_i32 = arith.constant 0 : i32
    %c0_i32_0 = arith.constant 0 : i32
    %c0_i32_1 = arith.constant 0 : i32
    return %c0_i32, %arg0, %c0_i32_0 : i32, i32, i32
  }
  func.func @transform_1(%arg0: i32) -> (i32, i32) {
    %c0_i32 = arith.constant 0 : i32
    %c0_i32_0 = arith.constant 0 : i32
    return %arg0, %c0_i32 : i32, i32
  }
  func.func @transform_2(%arg0: i32) -> (i32, i32) {
    %c0_i32 = arith.constant 0 : i32
    %c0_i32_0 = arith.constant 0 : i32
    %c0_i32_1 = arith.constant 0 : i32
    return %c0_i32, %c0_i32_0 : i32, i32
  }
  func.func @transform_3(%arg0: i32) -> (i32, i32) {
    %c0_i32 = arith.constant 0 : i32
    %c0_i32_0 = arith.constant 0 : i32
    return %arg0, %c0_i32 : i32, i32
  }
  func.func @transform_4(%arg0: i32) -> (i32, i32) {
    %c0_i32 = arith.constant 0 : i32
    %c0_i32_0 = arith.constant 0 : i32
    return %arg0, %c0_i32 : i32, i32
  }
}

module attributes {stable_mosaic.version = 14 : i64} {
  func.func @_tcmid_body(%arg0: i32, %arg1: memref<2x1000x128xf32, #tpu.memory_space<vmem>>, %arg2: memref<1000x1xf32, #tpu.memory_space<vmem>>, %arg3: memref<1x128xf32, #tpu.memory_space<vmem>>, %arg4: memref<128x128xf32, #tpu.memory_space<vmem>>, %arg5: memref<1000x128xf32, #tpu.memory_space<vmem>>) attributes {dimension_semantics = [#tpu.dimension_semantics<arbitrary>], iteration_bounds = array<i64: 10>, scalar_prefetch = 0 : i64, scratch_operands = 0 : i64, tpu.core_type = #tpu.core_type<tc>, window_params = [{transform_indices = @transform_0, window_bounds = array<i64: 2, 1000, 128>}, {transform_indices = @transform_1, window_bounds = array<i64: 1000, 1>}, {pipeline_mode = #tpu.pipeline_mode<synchronous>, transform_indices = @transform_2, window_bounds = array<i64: 1, 128>}, {pipeline_mode = #tpu.pipeline_mode<synchronous>, transform_indices = @transform_3, window_bounds = array<i64: 128, 128>}, {transform_indices = @transform_4, window_bounds = array<i64: 1000, 128>}]} {
    %get3A = arith.constant 0 : index
    %get3A_0 = arith.constant 0 : index
    %get3A_1 = vector.load %arg2[%get3A, %get3A_0] : memref<1000x1xf32, #tpu.memory_space<vmem>>, vector<1000x1xf32>
    %get3A_2 = arith.constant 0 : index
    %get3A_3 = arith.constant 0 : index
    %get3A_4 = arith.constant 0 : index
    %get3A_5 = vector.load %arg1[%get3A_2, %get3A_3, %get3A_4] : memref<2x1000x128xf32, #tpu.memory_space<vmem>>, vector<1x1000x128xf32>
    %get3A_6 = vector.shape_cast %get3A_5 : vector<1x1000x128xf32> to vector<1000x128xf32>
    %get3A_7 = arith.constant 1 : index
    %get3A_8 = arith.constant 0 : index
    %get3A_9 = arith.constant 0 : index
    %get3A_10 = vector.load %arg1[%get3A_7, %get3A_8, %get3A_9] : memref<2x1000x128xf32, #tpu.memory_space<vmem>>, vector<1x1000x128xf32>
    %get3A_11 = vector.shape_cast %get3A_10 : vector<1x1000x128xf32> to vector<1000x128xf32>
    %add3A = arith.addf %get3A_6, %get3A_11 : vector<1000x128xf32>
    %mul3A = vector.broadcast %get3A_1 : vector<1000x1xf32> to vector<1000x128xf32>
    %mul3A_12 = arith.mulf %add3A, %mul3A : vector<1000x128xf32>
    %get3A_13 = arith.constant 0 : index
    %get3A_14 = arith.constant 0 : index
    %get3A_15 = vector.load %arg3[%get3A_13, %get3A_14] : memref<1x128xf32, #tpu.memory_space<vmem>>, vector<1x128xf32>
    %add3A_16 = vector.broadcast %get3A_15 : vector<1x128xf32> to vector<1000x128xf32>
    %add3A_17 = arith.addf %mul3A_12, %add3A_16 : vector<1000x128xf32>
    %max3A = arith.constant 0.000000e+00 : f32
    %max3A_18 = vector.broadcast %max3A : f32 to vector<1000x128xf32>
    %max3A_19 = arith.maximumf %add3A_17, %max3A_18 : vector<1000x128xf32>
    %get3A_20 = arith.constant 0 : index
    %get3A_21 = arith.constant 0 : index
    %get3A_22 = vector.load %arg4[%get3A_20, %get3A_21] : memref<128x128xf32, #tpu.memory_space<vmem>>, vector<128x128xf32>
    %dot_general3A = arith.constant dense<0.000000e+00> : vector<1000x128xf32>
    %dot_general3A_23 = tpu.matmul %max3A_19, %get3A_22, %dot_general3A {dimension_numbers = #tpu.dot_dimension_numbers<[1], [0], [0], [1], [0, 0, 1, 1], [], []>, transpose_lhs_hint = false} : vector<1000x128xf32>, vector<128x128xf32>, vector<1000x128xf32> -> vector<1000x128xf32>
    %mul3A_24 = vector.broadcast %get3A_1 : vector<1000x1xf32> to vector<1000x128xf32>
    %mul3A_25 = arith.mulf %dot_general3A_23, %mul3A_24 : vector<1000x128xf32>
    %swap3A = arith.constant 0 : index
    %swap3A_26 = arith.constant 0 : index
    %swap3A_27 = vector.load %arg5[%swap3A, %swap3A_26] : memref<1000x128xf32, #tpu.memory_space<vmem>>, vector<1000x128xf32>
    tpu.vector_store %arg5[%swap3A, %swap3A_26], %mul3A_25 {strides = array<i32>} : memref<1000x128xf32, #tpu.memory_space<vmem>>, vector<1000x128xf32>,
    return
  }
  func.func @transform_0(%arg0: i32) -> (i32, i32, i32) {
    %c0_i32 = arith.constant 0 : i32
    %c0_i32_0 = arith.constant 0 : i32
    %c0_i32_1 = arith.constant 0 : i32
    return %c0_i32, %arg0, %c0_i32_0 : i32, i32, i32
  }
  func.func @transform_1(%arg0: i32) -> (i32, i32) {
    %c0_i32 = arith.constant 0 : i32
    %c0_i32_0 = arith.constant 0 : i32
    return %arg0, %c0_i32 : i32, i32
  }
  func.func @transform_2(%arg0: i32) -> (i32, i32) {
    %c0_i32 = arith.constant 0 : i32
    %c0_i32_0 = arith.constant 0 : i32
    %c0_i32_1 = arith.constant 0 : i32
    return %c0_i32, %c0_i32_0 : i32, i32
  }
  func.func @transform_3(%arg0: i32) -> (i32, i32) {
    %c0_i32 = arith.constant 0 : i32
    %c0_i32_0 = arith.constant 0 : i32
    %c0_i32_1 = arith.constant 0 : i32
    return %c0_i32, %c0_i32_0 : i32, i32
  }
  func.func @transform_4(%arg0: i32) -> (i32, i32) {
    %c0_i32 = arith.constant 0 : i32
    %c0_i32_0 = arith.constant 0 : i32
    return %arg0, %c0_i32 : i32, i32
  }
}

module attributes {stable_mosaic.version = 14 : i64} {
  func.func @_tcfinal_body(%arg0: i32, %arg1: memref<2x1000x128xf32, #tpu.memory_space<vmem>>, %arg2: memref<1000x1xf32, #tpu.memory_space<vmem>>, %arg3: memref<1x128xf32, #tpu.memory_space<vmem>>, %arg4: memref<128x128xf32, #tpu.memory_space<vmem>>, %arg5: memref<1x128xf32, #tpu.memory_space<vmem>>, %arg6: memref<128x128xf32, #tpu.memory_space<vmem>>, %arg7: memref<1x128xf32, #tpu.memory_space<vmem>>, %arg8: memref<128x128xf32, #tpu.memory_space<vmem>>, %arg9: memref<1x128xf32, #tpu.memory_space<vmem>>, %arg10: memref<1000x128xf32, #tpu.memory_space<vmem>>) attributes {dimension_semantics = [#tpu.dimension_semantics<arbitrary>], iteration_bounds = array<i64: 10>, scalar_prefetch = 0 : i64, scratch_operands = 0 : i64, tpu.core_type = #tpu.core_type<tc>, window_params = [{transform_indices = @transform_0, window_bounds = array<i64: 2, 1000, 128>}, {transform_indices = @transform_1, window_bounds = array<i64: 1000, 1>}, {pipeline_mode = #tpu.pipeline_mode<synchronous>, transform_indices = @transform_2, window_bounds = array<i64: 1, 128>}, {pipeline_mode = #tpu.pipeline_mode<synchronous>, transform_indices = @transform_3, window_bounds = array<i64: 128, 128>}, {pipeline_mode = #tpu.pipeline_mode<synchronous>, transform_indices = @transform_4, window_bounds = array<i64: 1, 128>}, {pipeline_mode = #tpu.pipeline_mode<synchronous>, transform_indices = @transform_5, window_bounds = array<i64: 128, 128>}, {pipeline_mode = #tpu.pipeline_mode<synchronous>, transform_indices = @transform_6, window_bounds = array<i64: 1, 128>}, {pipeline_mode = #tpu.pipeline_mode<synchronous>, transform_indices = @transform_7, window_bounds = array<i64: 128, 128>}, {pipeline_mode = #tpu.pipeline_mode<synchronous>, transform_indices = @transform_8, window_bounds = array<i64: 1, 128>}, {transform_indices = @transform_9, window_bounds = array<i64: 1000, 128>}]} {
    %get3A = arith.constant 0 : index
    %get3A_0 = arith.constant 0 : index
    %get3A_1 = vector.load %arg2[%get3A, %get3A_0] : memref<1000x1xf32, #tpu.memory_space<vmem>>, vector<1000x1xf32>
    %get3A_2 = arith.constant 0 : index
    %get3A_3 = arith.constant 0 : index
    %get3A_4 = arith.constant 0 : index
    %get3A_5 = vector.load %arg1[%get3A_2, %get3A_3, %get3A_4] : memref<2x1000x128xf32, #tpu.memory_space<vmem>>, vector<1x1000x128xf32>
    %get3A_6 = vector.shape_cast %get3A_5 : vector<1x1000x128xf32> to vector<1000x128xf32>
    %get3A_7 = arith.constant 1 : index
    %get3A_8 = arith.constant 0 : index
    %get3A_9 = arith.constant 0 : index
    %get3A_10 = vector.load %arg1[%get3A_7, %get3A_8, %get3A_9] : memref<2x1000x128xf32, #tpu.memory_space<vmem>>, vector<1x1000x128xf32>
    %get3A_11 = vector.shape_cast %get3A_10 : vector<1x1000x128xf32> to vector<1000x128xf32>
    %add3A = arith.addf %get3A_6, %get3A_11 : vector<1000x128xf32>
    %mul3A = vector.broadcast %get3A_1 : vector<1000x1xf32> to vector<1000x128xf32>
    %mul3A_12 = arith.mulf %add3A, %mul3A : vector<1000x128xf32>
    %get3A_13 = arith.constant 0 : index
    %get3A_14 = arith.constant 0 : index
    %get3A_15 = vector.load %arg3[%get3A_13, %get3A_14] : memref<1x128xf32, #tpu.memory_space<vmem>>, vector<1x128xf32>
    %add3A_16 = vector.broadcast %get3A_15 : vector<1x128xf32> to vector<1000x128xf32>
    %add3A_17 = arith.addf %mul3A_12, %add3A_16 : vector<1000x128xf32>
    %max3A = arith.constant 0.000000e+00 : f32
    %max3A_18 = vector.broadcast %max3A : f32 to vector<1000x128xf32>
    %max3A_19 = arith.maximumf %add3A_17, %max3A_18 : vector<1000x128xf32>
    %get3A_20 = arith.constant 0 : index
    %get3A_21 = arith.constant 0 : index
    %get3A_22 = vector.load %arg4[%get3A_20, %get3A_21] : memref<128x128xf32, #tpu.memory_space<vmem>>, vector<128x128xf32>
    %dot_general3A = arith.constant dense<0.000000e+00> : vector<1000x128xf32>
    %dot_general3A_23 = tpu.matmul %max3A_19, %get3A_22, %dot_general3A {dimension_numbers = #tpu.dot_dimension_numbers<[1], [0], [0], [1], [0, 0, 1, 1], [], []>, transpose_lhs_hint = false} : vector<1000x128xf32>, vector<128x128xf32>, vector<1000x128xf32> -> vector<1000x128xf32>
    %get3A_24 = arith.constant 0 : index
    %get3A_25 = arith.constant 0 : index
    %get3A_26 = vector.load %arg5[%get3A_24, %get3A_25] : memref<1x128xf32, #tpu.memory_space<vmem>>, vector<1x128xf32>
    %add3A_27 = vector.broadcast %get3A_26 : vector<1x128xf32> to vector<1000x128xf32>
    %add3A_28 = arith.addf %dot_general3A_23, %add3A_27 : vector<1000x128xf32>
    %max3A_29 = arith.constant 0.000000e+00 : f32
    %max3A_30 = vector.broadcast %max3A_29 : f32 to vector<1000x128xf32>
    %max3A_31 = arith.maximumf %add3A_28, %max3A_30 : vector<1000x128xf32>
    %get3A_32 = arith.constant 0 : index
    %get3A_33 = arith.constant 0 : index
    %get3A_34 = vector.load %arg6[%get3A_32, %get3A_33] : memref<128x128xf32, #tpu.memory_space<vmem>>, vector<128x128xf32>
    %dot_general3A_35 = arith.constant dense<0.000000e+00> : vector<1000x128xf32>
    %dot_general3A_36 = tpu.matmul %max3A_31, %get3A_34, %dot_general3A_35 {dimension_numbers = #tpu.dot_dimension_numbers<[1], [0], [0], [1], [0, 0, 1, 1], [], []>, transpose_lhs_hint = false} : vector<1000x128xf32>, vector<128x128xf32>, vector<1000x128xf32> -> vector<1000x128xf32>
    %get3A_37 = arith.constant 0 : index
    %get3A_38 = arith.constant 0 : index
    %get3A_39 = vector.load %arg7[%get3A_37, %get3A_38] : memref<1x128xf32, #tpu.memory_space<vmem>>, vector<1x128xf32>
    %add3A_40 = vector.broadcast %get3A_39 : vector<1x128xf32> to vector<1000x128xf32>
    %add3A_41 = arith.addf %dot_general3A_36, %add3A_40 : vector<1000x128xf32>
    %max3A_42 = arith.constant 0.000000e+00 : f32
    %max3A_43 = vector.broadcast %max3A_42 : f32 to vector<1000x128xf32>
    %max3A_44 = arith.maximumf %add3A_41, %max3A_43 : vector<1000x128xf32>
    %get3A_45 = arith.constant 0 : index
    %get3A_46 = arith.constant 0 : index
    %get3A_47 = vector.load %arg8[%get3A_45, %get3A_46] : memref<128x128xf32, #tpu.memory_space<vmem>>, vector<128x128xf32>
    %dot_general3A_48 = arith.constant dense<0.000000e+00> : vector<1000x128xf32>
    %dot_general3A_49 = tpu.matmul %max3A_44, %get3A_47, %dot_general3A_48 {dimension_numbers = #tpu.dot_dimension_numbers<[1], [0], [0], [1], [0, 0, 1, 1], [], []>, transpose_lhs_hint = false} : vector<1000x128xf32>, vector<128x128xf32>, vector<1000x128xf32> -> vector<1000x128xf32>
    %get3A_50 = arith.constant 0 : index
    %get3A_51 = arith.constant 0 : index
    %get3A_52 = vector.load %arg9[%get3A_50, %get3A_51] : memref<1x128xf32, #tpu.memory_space<vmem>>, vector<1x128xf32>
    %add3A_53 = vector.broadcast %get3A_52 : vector<1x128xf32> to vector<1000x128xf32>
    %add3A_54 = arith.addf %dot_general3A_49, %add3A_53 : vector<1000x128xf32>
    %swap3A = arith.constant 0 : index
    %swap3A_55 = arith.constant 0 : index
    %swap3A_56 = vector.load %arg10[%swap3A, %swap3A_55] : memref<1000x128xf32, #tpu.memory_space<vmem>>, vector<1000x128xf32>
    tpu.vector_store %arg10[%swap3A, %swap3A_55], %add3A_54 {strides = array<i32>} : memref<1000x128xf32, #tpu.memory_space<vmem>>, vector<1000x128xf32>,
    return
  }
  func.func @transform_0(%arg0: i32) -> (i32, i32, i32) {
    %c0_i32 = arith.constant 0 : i32
    %c0_i32_0 = arith.constant 0 : i32
    %c0_i32_1 = arith.constant 0 : i32
    return %c0_i32, %arg0, %c0_i32_0 : i32, i32, i32
  }
  func.func @transform_1(%arg0: i32) -> (i32, i32) {
    %c0_i32 = arith.constant 0 : i32
    %c0_i32_0 = arith.constant 0 : i32
    return %arg0, %c0_i32 : i32, i32
  }
  func.func @transform_2(%arg0: i32) -> (i32, i32) {
    %c0_i32 = arith.constant 0 : i32
    %c0_i32_0 = arith.constant 0 : i32
    %c0_i32_1 = arith.constant 0 : i32
    return %c0_i32, %c0_i32_0 : i32, i32
  }
  func.func @transform_3(%arg0: i32) -> (i32, i32) {
    %c0_i32 = arith.constant 0 : i32
    %c0_i32_0 = arith.constant 0 : i32
    %c0_i32_1 = arith.constant 0 : i32
    return %c0_i32, %c0_i32_0 : i32, i32
  }
  func.func @transform_4(%arg0: i32) -> (i32, i32) {
    %c0_i32 = arith.constant 0 : i32
    %c0_i32_0 = arith.constant 0 : i32
    %c0_i32_1 = arith.constant 0 : i32
    return %c0_i32, %c0_i32_0 : i32, i32
  }
  func.func @transform_5(%arg0: i32) -> (i32, i32) {
    %c0_i32 = arith.constant 0 : i32
    %c0_i32_0 = arith.constant 0 : i32
    %c0_i32_1 = arith.constant 0 : i32
    return %c0_i32, %c0_i32_0 : i32, i32
  }
  func.func @transform_6(%arg0: i32) -> (i32, i32) {
    %c0_i32 = arith.constant 0 : i32
    %c0_i32_0 = arith.constant 0 : i32
    %c0_i32_1 = arith.constant 0 : i32
    return %c0_i32, %c0_i32_0 : i32, i32
  }
  func.func @transform_7(%arg0: i32) -> (i32, i32) {
    %c0_i32 = arith.constant 0 : i32
    %c0_i32_0 = arith.constant 0 : i32
    %c0_i32_1 = arith.constant 0 : i32
    return %c0_i32, %c0_i32_0 : i32, i32
  }
  func.func @transform_8(%arg0: i32) -> (i32, i32) {
    %c0_i32 = arith.constant 0 : i32
    %c0_i32_0 = arith.constant 0 : i32
    %c0_i32_1 = arith.constant 0 : i32
    return %c0_i32, %c0_i32_0 : i32, i32
  }
  func.func @transform_9(%arg0: i32) -> (i32, i32) {
    %c0_i32 = arith.constant 0 : i32
    %c0_i32_0 = arith.constant 0 : i32
    return %arg0, %c0_i32 : i32, i32
  }
}

</mosaic_0001>

<sc_bundles>
// kernel: kernel.10.cloned.1.call-start
scs
__scs_entry_jumppad:
0x0: {  	(pc) =	sbr.rel $0x88, $3  }
0x1: {  	(tag) =	ssettag $0x0;
	lr =	simm.s32 $0x1  }
0x2: {  	[smem:$0x3F93] =	sst lr;
	_ =	strace $0xD0000000  }
0x3: {  	_ = 	snop  }
0x4: {  	_ = 	snop  }
0x5: {  	_ = 	snop  }
0x6: {  	_ = 	snop  }
0x7: {  	_ = 	snop  }
__scs_overlays_trampoline_lowered:
0x8: {  	[smem:$0x3FA2] =	sst s0  }
0x9: {  	[smem:$0x3FA3] =	sst s1  }
0xa: {  	[smem:$0x3FA4] =	sst s2  }
0xb: {  	[smem:$0x3FA5] =	sst s3  }
0xc: {  	[smem:$0x3FA6] =	sst s4  }
0xd: {  	[smem:$0x3FA7] =	sst s5  }
0xe: {  	[smem:$0x3FA8] =	sst s6  }
0xf: {  	[smem:$0x3FA9] =	sst s7  }
0x10: {  	[smem:$0x3FAA] =	sst s8  }
0x11: {  	[smem:$0x3FAB] =	sst s9;
	s0 =	simm.s32 @!p0 $0x0  }
0x12: {  	s1 =	sld [smem:$0x3F91];
	s0 =	simm.s32 @p0 $0x1  }
0x13: {  	[smem:$0x3FAC] =	sst s0;
	s0 =	simm.s32 @!p1 $0x0  }
0x14: {  	s2 =	sld [smem:$0x3F90];
	s0 =	simm.s32 @p1 $0x1  }
0x15: {  	[smem:$0x3FAD] =	sst s0;
	s0 =	simm.s32 @!p2 $0x0  }
0x16: {  	s3 =	sld [smem:$0x3FDB];
	s0 =	simm.s32 @p2 $0x1  }
0x17: {  	s4 =	simm.s32 $0x1BF5;
	[smem:$0x3FAF] =	sst s0  }
0x18: {  	s0 =	sld [smem:$0x3F92];
	_ =	swait.ge [sflag:s4], $0x0  }
0x19: {  	s7 =	sld [smem:$0x3F93]  }
0x1a: {  	s8 =	sadd.s32 $0xFFFFE003, lr  }
0x1b: {  	s9 =	sadd.s32 $0xFFFFFEF7, lr;
	s5 =	simm.s32 $0xFFFFFFFF;
	p2 =	slt.u32 s8, $0xFFFFF086  }
0x1c: {  	p1 =	slt.u32 s9, $0xF7A;
	s5 =	simm.s32 @!p2 $0x0  }
0x1d: {  	s5 =	simm.s32 @p1 $0x1;
	p0 =	seq.s32 s7, s2  }
0x1e: {  	s7 =	smul.u32 @!p0 $0xF7A, s2;
	p2 =	seq.s32 @!p0 s5, $0x0  }
0x1f: {  	s9 =	smul.u32 $0xF7A, s1;
	s8 =	simm.s32 @!p0 $0x1BF5;
	p2 =	por !p2, p0  }
0x20: {  	[sflag:s8] =	ssyncset.s32 @!p0 $0xFFFFF086;
	s6 =	sadd.s32 @!p0 s3, s7;
	s7 =	simm.s32 @!p0 $0x108  }
0x21: {  	s3 =	sadd.s32 s3, s9;
	s6 =	sadd.s32 @!p0 $0x88, s6;
	s7 =	simm.s32 @p2 $0x1082  }
0x22: {  	[simem:s7], [sflag:s8] =	dma.local @!p0 [hbm:s6], $0xF7A  }
0x23: {  	s9 =	sor.u32 $0xD0000000, s2;
	s6 =	simm.s32 $0x108;
	_ =	swait.ge @!p0 [sflag:s8], $0x0  }
0x24: {  	s3 =	sadd.s32 $0x88, s3;
	s6 =	simm.s32 @!p1 $0x1082;
	[sflag:s4] =	ssyncset.s32 $0xFFFFF086  }
0x25: {  	[simem:s6], [sflag:s4] =	dma.local [hbm:s3], $0xF7A  }
0x26: {  	[smem:$0x3F93] =	sst s1;
	(tag) =	ssettag s2;
	_ =	strace s9  }
0x27: {  	s1 =	sld [smem:$0x3FA3]  }
0x28: {  	s2 =	sld [smem:$0x3FA4]  }
0x29: {  	s4 =	sld [smem:$0x3FA6]  }
0x2a: {  	p0 =	seq.s32 s5, $0x0;
	s5 =	sld [smem:$0x3FA7]  }
0x2b: {  	s6 =	sld [smem:$0x3FA8]  }
0x2c: {  	s7 =	sld [smem:$0x3FA9]  }
0x2d: {  	s3 =	simm.s32 $0x108;
	s8 =	sld [smem:$0x3FAA]  }
0x2e: {  	s3 =	simm.s32 @!p0 $0x1082;
	s9 =	sld [smem:$0x3FAB]  }
0x2f: {  	lr =	sadd.s32 s0, s3;
	s0 =	sld [smem:$0x3FA2]  }
0x30: {  	s3 =	sld [smem:$0x3FA5]  }
0x31: {  	[smem:$0x3FAE] =	sst s10  }
0x32: {  	s10 =	sld [smem:$0x3FAC];
	_ =	sdelay $0x3  }
0x33: {  	p0 =	seq.s32 s10, $0x1;
	s10 =	sld [smem:$0x3FAE];
	_ =	sdelay $0x3  }
0x34: {  	[smem:$0x3FAE] =	sst s10  }
0x35: {  	s10 =	sld [smem:$0x3FAD];
	_ =	sdelay $0x3  }
0x36: {  	p1 =	seq.s32 s10, $0x1;
	s10 =	sld [smem:$0x3FAE];
	_ =	sdelay $0x3  }
0x37: {  	[smem:$0x3FAE] =	sst s10  }
0x38: {  	s10 =	sld [smem:$0x3FAF]  }
0x39: {  	_ = 	snop;
	(pc) =	sbr.ind lr, $3  }
0x3a: {  	_ = 	snop  }
0x3b: {  	_ = 	snop  }
0x3c: {  	p2 =	seq.s32 s10, $0x1;
	s10 =	sld [smem:$0x3FAE]  }
0x3d: {  	_ =	shalt  }
0x3e: {  	_ =	shalt  }
0x3f: {  	_ =	shalt  }
0x40: {  	_ =	shalt  }
0x41: {  	_ =	shalt  }
0x42: {  	_ =	shalt  }
0x43: {  	_ =	shalt  }
0x44: {  	_ =	shalt  }
0x45: {  	_ =	shalt  }
0x46: {  	_ =	shalt  }
0x47: {  	_ =	shalt  }
0x48: {  	_ =	shalt  }
0x49: {  	_ =	shalt  }
0x4a: {  	_ =	shalt  }
0x4b: {  	_ =	shalt  }
0x4c: {  	_ =	shalt  }
0x4d: {  	_ =	shalt  }
0x4e: {  	_ =	shalt  }
0x4f: {  	_ =	shalt  }
0x50: {  	_ =	shalt  }
0x51: {  	_ =	shalt  }
0x52: {  	_ =	shalt  }
0x53: {  	_ =	shalt  }
0x54: {  	_ =	shalt  }
0x55: {  	_ =	shalt  }
0x56: {  	_ =	shalt  }
0x57: {  	_ =	shalt  }
0x58: {  	_ =	shalt  }
0x59: {  	_ =	shalt  }
0x5a: {  	_ =	shalt  }
0x5b: {  	_ =	shalt  }
0x5c: {  	_ =	shalt  }
0x5d: {  	_ =	shalt  }
0x5e: {  	_ =	shalt  }
0x5f: {  	_ =	shalt  }
0x60: {  	_ =	shalt  }
0x61: {  	_ =	shalt  }
0x62: {  	_ =	shalt  }
0x63: {  	_ =	shalt  }
0x64: {  	_ =	shalt  }
0x65: {  	_ =	shalt  }
0x66: {  	_ =	shalt  }
0x67: {  	_ =	shalt  }
0x68: {  	_ =	shalt  }
0x69: {  	_ =	shalt  }
0x6a: {  	_ =	shalt  }
0x6b: {  	_ =	shalt  }
0x6c: {  	_ =	shalt  }
0x6d: {  	_ =	shalt  }
0x6e: {  	_ =	shalt  }
0x6f: {  	_ =	shalt  }
0x70: {  	_ =	shalt  }
0x71: {  	_ =	shalt  }
0x72: {  	_ =	shalt  }
0x73: {  	_ =	shalt  }
0x74: {  	_ =	shalt  }
0x75: {  	_ =	shalt  }
0x76: {  	_ =	shalt  }
0x77: {  	_ =	shalt  }
0x78: {  	_ =	shalt  }
0x79: {  	_ =	shalt  }
0x7a: {  	_ =	shalt  }
0x7b: {  	_ =	shalt  }
0x7c: {  	_ =	shalt  }
0x7d: {  	_ =	shalt  }
0x7e: {  	_ =	shalt  }
0x7f: {  	_ =	shalt  }
0x80: {  	_ =	shalt  }
0x81: {  	_ =	shalt  }
0x82: {  	_ =	shalt  }
0x83: {  	_ =	shalt  }
0x84: {  	_ =	shalt  }
0x85: {  	_ =	shalt  }
0x86: {  	_ =	shalt  }
0x87: {  	_ =	shalt  }
.Lfunc_end0:
.L_simem_size_0:
called_computation_lowered:
.L_overlay_start_0:
0x88: {  	s2 =	sld [smem:$0x3FD9]  }
0x89: {  	s3 =	sld [smem:$0x3FFE];
	_ =	sdelay $0x1  }
0x8a: {  	s1 =	srdreg.scid  }
0x8b: {  	s0 =	sand.u32 $0x1, s1  }
0x8c: {  	s17 =	sshll.u32 s0, $0xA;
	s2 =	sadd.s32 s3, s2  }
0x8d: {  	s2 =	sadd.s32 s2, s17  }
0x8e: {  	[smem:$0x3FBA] =	sst s2  }
0x8f: {  	_ = 	snop  }
0x90: {  	s2 =	sld [smem:$0x3FD0];
	(tm) =	ssettm $0x1  }
0x91: {  	s18 =	sld [smem:$0x3FFB];
	_ =	sdelay $0x3  }
0x92: {  	_ =	strace s18  }
0x93: {  	s3 =	sld [smem:$0x3FFC];
	_ =	sdelay $0x3  }
0x94: {  	_ =	strace s3  }
0x95: {  	s3 =	sld [smem:$0x3FFD];
	_ =	sdelay $0x3  }
0x96: {  	_ =	strace s3  }
0x97: {  	_ =	strace $0x8FFFFFFF  }
0x98: {  	s19 =	sld [smem:$0x3FDB];
	_ =	sdelay $0x1  }
0x99: {  	s4 =	simm.s32 $_scs_section_size  }
0x9a: {  	s5 =	simm.s32 $_size__tile_overlayer_lowered;
	s6 =	simm.s32 $_tile_overlayer_lowered  }
0x9b: {  	s22 =	simm.s32 $0x1BFF;
	s21 =	sshll.u32 s6, $0x1;
	s3 =	sadd.s32 s4, s19  }
0x9c: {  	s7 =	simm.s32 $0x0;
	s20 =	sshll.u32 s5, $0x1;
	s5 =	sadd.s32 s21, s3  }
0x9d: {  	[timem:s7], [sflag:s22] =	dma.local [hbm:s5], s20  }
0x9e: {  	_ =	swait.ge [sflag:s22], s20  }
0x9f: {  	s4 =	ssub.s32 $0x0, s20;
	[sflag:s22] =	ssyncset.done $0x0  }
0xa0: {  	[sflag:s22] =	ssyncadd.s32 s4;
	_ =	sdelay $0x1  }
0xa1: {  	s23 =	simm.s32 $0x1B8B  }
0xa2: {  	_ =	swait.ge [sflag:s23], $0x1  }
0xa3: {  	[sflag:s23] =	ssyncset.done $0x0  }
0xa4: {  	s25 =	simm.s32 $0x1B8E;
	s24 =	sld [smem:$0x3FFE];
	[sflag:s23] =	ssyncadd.s32 $0xFFFFFFFF  }
0xa5: {  	s26 =	simm.s32 $execute0_lowered;
	[smem:$0x3FD2] =	sst s25  }
0xa6: {  	s5 =	sshll.u32 s26, $0x1;
	_ =	strace $0x80000046;
	[dreg:$0x1] =	wrdreg $0xFFFFFFFF  }
0xa7: {  	s28 =	simm.s32 $_size_execute0_lowered;
	s3 =	sadd.s32 s3, s5;
	[dreg:$0x0] =	wrdreg $0x0  }
0xa8: {  	s5 =	sshll.u32 s28, $0x1;
	[dreg:$0x2] =	wrdreg s3  }
0xa9: {  	[dreg:$0x3] =	wrdreg s5  }
0xaa: {  	[dreg:$0x4] =	wrdreg $0xC0  }
0xab: {  	_ =	task [dreg:s7], $0x5FFFF  }
0xac: {  	[dreg:$0x1] =	wrdreg $0xFFFFFFFF  }
0xad: {  	[dreg:$0x0] =	wrdreg $0x60  }
0xae: {  	[dreg:$0x2] =	wrdreg s24  }
0xaf: {  	[dreg:$0x3] =	wrdreg s2  }
0xb0: {  	[dreg:$0x4] =	wrdreg $0xAE000  }
0xb1: {  	[dreg:$0x5] =	wrdreg $0x9  }
0xb2: {  	_ =	task.clear_ibuf [dreg:s7], $0x6FFFF;
	_ =	strace $0x90000046  }
0xb3: {  	s29 =	simm.s32 $0x9;
	_ =	strace $0x80000048  }
0xb4: {  	_ =	swait.ge [sflag:s29], $0x1  }
0xb5: {  	[sflag:s29] =	ssyncadd.s32 $0xFFFFFFFF  }
0xb6: {  	_ =	strace $0x90000048  }
0xb7: {  	_ =	sfence  }
0xb8: {  	s30 =	sld [smem:$0x0];
	_ =	sdelay $0x2  }
0xb9: {  	s31 =	sshll.u32 s1, $0xD;
	s1 =	sshrl.u32 s1, $0x2  }
0xba: {  	s3 =	sand.u32 $0x4000, s31;
	s1 =	sadd.s32 s1, s30  }
0xbb: {  	s0 =	sor.u32 s3, s0;
	s1 =	sshll.u32 s1, $0x11  }
0xbc: {  	s0 =	sor.u32 s1, s0  }
0xbd: {  	s0 =	sadd.s32 $0x8F2B, s0  }
0xbe: {  	[sflag:s0] =	ssyncadd.remote.s32 $0x1  }
0xbf: {  	_ =	sfence.sel $0xFFFF  }
0xc0: {  	[dreg:$0x0] =	wrdreg $0xFFFFFFFF;
	(pc) =	sbr.abs _section_cstart, $3  }
0xc1: {  	[dreg:$0x1] =	wrdreg $0xFFFFFFFF  }
0xc2: {  	_ =	task.clear_ibuf [dreg:s7], $0x2FFFF;
	_ =	strace $0x9FFFFFFF  }
0xc3: {  	(tm) =	ssettm $0x7FFFFFFF  }
tec
execute0_lowered:
.L_overlay_start_1:
0x0: {  	(tag) =	ssettag $0x1  }
0x1: {  	s5 =	rddreg [dreg:$0x0]  }
0x2: {  	s2 =	rddreg [dreg:$0x1]  }
0x3: {  	s3 =	rddreg [dreg:$0x2]  }
0x4: {  	s0 =	rddreg [dreg:$0x3];
	s4 =	srdreg.scid  }
0x5: {  	s1 =	stileid.u32;
	s14 =	simm.s32 $0x80;
	s15 =	simm.s32 $0x0  }
0x6: {  	s6 =	sand.u32 $0x1, s4;
	s7 =	sshll.u32 s1, $0x1;
	s8 =	smul.u32 $0x13C00, s1  }
0x7: {  	s4 =	simm.s32 $0x0;
	s11 =	smul.u32 $0x4F000, s1;
	s31 =	sshll.u32 s1, $0x6  }
0x8: {  	s7 =	sor.u32 s6, s7;
	s9 =	smul.u32 $0x13C000, s6;
	[smem:$0x7FF] =	sst s4  }
0x9: {  	s30 =	ssub.s32 $0x2, s6;
	p0 =	seq.s32 s6, $0x0;
	s7 =	smul.u32 $0xDC0, s7  }
0xa: {  	_ =	strace $0x80000047;
	s10 =	sshrl.u32 s8, $0x3;
	s12 =	sshrl.u32 s30, $0x1  }
0xb: {  	s11 =	sshrl.u32 s11, $0x2;
	s8 =	sadd.s32 s8, s9;
	s29 =	sadd.s32 s10, s5  }
0xc: {  	s10 =	ssub.s32 s30, s12;
	s13 =	sadd.s32 s11, s3;
	s11 =	simm.s32 $0x1  }
0xd: {  	s12 =	sor.u32 $0x1C01, s31;
	s7 =	sadd.s32 s7, s5;
	s8 =	sshrl.u32 s8, $0x3  }
0xe: {  	s9 =	smax.u32 s10, $0x1;
	s10 =	simm.s32 $0x6E00;
	s13 =	sshrl.u32 s13, $0x3  }
0xf: {  	s8 =	sadd.s32 s8, s5;
	s5 =	simm.s32 $0x6E;
	s6 =	sadd.s32 $0x2E00, s7  }
0x10: {  	s7 =	sadd.s32 $0x1E600, s29;
	s5 =	simm.s32 @!p0 $0x34;
	s8 =	sadd.s32 $0x45E00, s8  }
.LBB2_1:
0x11: {  	[tilespmem:s10], [sflag:$0x1] =	stream.linear.gather [hbm4b:s2+s4], $0x4000, $0x38;
	[tilespmem:$0xD580] =	vst v63  }
0x12: {  	_ =	swait.ge [sflag:s11], $0x4000  }
0x13: {  	[sflag:s11] =	ssyncset.done $0x0  }
0x14: {  	[sflag:s11] =	ssyncadd.s32 $0xFFFFC000  }
0x15: {  	[tilespmem:s4], [sflag:$0x1] =	stream.linear.gather [hbm4b:s6+s4], $0x6E00, $0x38;
	[tilespmem:$0xD580] =	vst v63  }
0x16: {  	_ =	swait.ge [sflag:s11], $0x6E00  }
0x17: {  	[sflag:s11] =	ssyncset.done $0x0  }
0x18: {  	[sflag:s11] =	ssyncadd.s32 $0xFFFF9200  }
0x19: {  	[spmem:s13], [sflag:s12] =	dma.local [hbm:s7], $0x2780  }
0x1a: {  	_ =	swait.ge [sflag:s11], $0x2780  }
0x1b: {  	p0 =	sne.s32 s5, $0x1;
	[sflag:s11] =	ssyncset.done $0x0  }
.Ltmp0:
0x1c: {  	[sflag:s11] =	ssyncadd.s32 $0xFFFFD880;
	(pc) =	sbr.rel @!p0 .LBB2_3-.Ltmp0, $4  }
0x1d: {  	[bflag:$0x0] =	sbarrier.arrive $0xFFFF  }
0x1e: {  	[spmem:s3] =	stream.indirect.scatter.add.f32 [tilespmem:s10], [sflag:$0x1], $0x10, s14, s14, $0xb8;
	[tilespmem:$0xD580] =	vst v63  }
0x1f: {  	_ =	swait.ge [sflag:s11], $0x800  }
0x20: {  	s16 =	sadd.s32 $0xFFFFFFFF, s5;
	s17 =	simm.s32 $0x80;
	[sflag:s11] =	ssyncset.done $0x0  }
.LBB2_2:
0x21: {  	p0 =	sne.s32 s16, $0x1;
	[sflag:s11] =	ssyncadd.s32 $0xFFFFF800;
	s17 =	sadd.s32 $0x100, s17  }
.Ltmp1:
0x22: {  	s16 =	sadd.s32 $0xFFFFFFFF, s16;
	(pc) =	sbr.rel @p0 .LBB2_2-.Ltmp1, $4  }
0x23: {  	_ = 	snop  }
0x24: {  	[spmem:s3] =	stream.indirect.scatter.add.f32 [tilespmem:s10], [sflag:$0x1], $0x10, s17, s14, $0xb8;
	[tilespmem:$0xD580] =	vst v63  }
0x25: {  	_ =	swait.ge [sflag:s11], $0x800  }
0x26: {  	[sflag:s11] =	ssyncset.done $0x0  }
.LBB2_3:
0x27: {  	s15 =	sadd.s32 $0x1, s15  }
0x28: {  	[sflag:s11] =	ssyncadd.s32 $0xFFFFF800;
	p0 =	sne.s32 s15, s9  }
.Ltmp2:
0x29: {  	[bflag:$0x0] =	sbarrier.arrive $0xFFFF;
	(pc) =	sbr.rel @p0 .LBB2_1-.Ltmp2, $4  }
0x2a: {  	[hbm:s8], [sflag:s12] =	dma.local [spmem:s13], $0x2780  }
0x2b: {  	_ =	swait.ge [sflag:s11], $0x2780  }
0x2c: {  	[sflag:s11] =	ssyncset.done $0x0  }
0x2d: {  	[sflag:s11] =	ssyncadd.s32 $0xFFFFD880  }
0x2e: {  	_ =	sfence.sel $0x180000  }
0x2f: {  	[bflag:$0x0] =	sbarrier.arrive $0xFFFF  }
0x30: {  	p0 =	sne.s32 s1, $0x0;
	_ =	strace $0x90000047  }
0x31: {  	s0 =	sadd.s32 @!p0 $0x100000, s0;
	[bflag:$0x2] =	sbarrier.arrive $0xFFFF  }
0x32: {  	[sflag:s0] =	ssyncadd.tile.s32 @!p0 $0x1;
	_ =	shalt  }
.Lfunc_end2:
_tile_overlayer_lowered:
.L_overlay_start_2:
0x33: {  	(tag) =	ssettag $0x2  }
0x34: {  	s0 =	rddreg [dreg:$0x0];
	s2 =	stileid.u32  }
0x35: {  	s1 =	rddreg [dreg:$0x1];
	p0 =	sne.s32 s2, $0x0  }
0x36: {  	s3 =	rddreg [dreg:$0x2];
	[bflag:$0x3] =	sbarrier.arrive $0xFFFF;
	s2 =	simm.s32 @!p0 $0x1C01  }
0x37: {  	[timem:s3], [sflag:s2] =	dma.local @!p0 [hbm:s0], s1  }
0x38: {  	s0 =	simm.s32 @!p0 $0x1  }
0x39: {  	_ =	swait.ge @!p0 [sflag:s0], s1  }
0x3a: {  	s1 =	ssub.s32 @!p0 $0x0, s1;
	[sflag:s0] =	ssyncset.done @!p0 $0x0  }
0x3b: {  	[sflag:s0] =	ssyncadd.s32 @!p0 s1  }
0x3c: {  	[bflag:$0x3] =	sbarrier.arrive $0xFFFF  }
0x3d: {  	_ =	shalt  }

// kernel: kernel.13.cloned.1.call-start
scs
__scs_entry_jumppad:
0x0: {  	(pc) =	sbr.rel $0x88, $3  }
0x1: {  	(tag) =	ssettag $0x0;
	lr =	simm.s32 $0x1  }
0x2: {  	[smem:$0x3F93] =	sst lr;
	_ =	strace $0xD0000000  }
0x3: {  	_ = 	snop  }
0x4: {  	_ = 	snop  }
0x5: {  	_ = 	snop  }
0x6: {  	_ = 	snop  }
0x7: {  	_ = 	snop  }
__scs_overlays_trampoline_lowered:
0x8: {  	[smem:$0x3FA2] =	sst s0  }
0x9: {  	[smem:$0x3FA3] =	sst s1  }
0xa: {  	[smem:$0x3FA4] =	sst s2  }
0xb: {  	[smem:$0x3FA5] =	sst s3  }
0xc: {  	[smem:$0x3FA6] =	sst s4  }
0xd: {  	[smem:$0x3FA7] =	sst s5  }
0xe: {  	[smem:$0x3FA8] =	sst s6  }
0xf: {  	[smem:$0x3FA9] =	sst s7  }
0x10: {  	[smem:$0x3FAA] =	sst s8  }
0x11: {  	[smem:$0x3FAB] =	sst s9;
	s0 =	simm.s32 @!p0 $0x0  }
0x12: {  	s1 =	sld [smem:$0x3F91];
	s0 =	simm.s32 @p0 $0x1  }
0x13: {  	[smem:$0x3FAC] =	sst s0;
	s0 =	simm.s32 @!p1 $0x0  }
0x14: {  	s2 =	sld [smem:$0x3F90];
	s0 =	simm.s32 @p1 $0x1  }
0x15: {  	[smem:$0x3FAD] =	sst s0;
	s0 =	simm.s32 @!p2 $0x0  }
0x16: {  	s3 =	sld [smem:$0x3FDB];
	s0 =	simm.s32 @p2 $0x1  }
0x17: {  	s4 =	simm.s32 $0x1BF5;
	[smem:$0x3FAF] =	sst s0  }
0x18: {  	s0 =	sld [smem:$0x3F92];
	_ =	swait.ge [sflag:s4], $0x0  }
0x19: {  	s7 =	sld [smem:$0x3F93]  }
0x1a: {  	s8 =	sadd.s32 $0xFFFFE003, lr  }
0x1b: {  	s9 =	sadd.s32 $0xFFFFFEF7, lr;
	s5 =	simm.s32 $0xFFFFFFFF;
	p2 =	slt.u32 s8, $0xFFFFF086  }
0x1c: {  	p1 =	slt.u32 s9, $0xF7A;
	s5 =	simm.s32 @!p2 $0x0  }
0x1d: {  	s5 =	simm.s32 @p1 $0x1;
	p0 =	seq.s32 s7, s2  }
0x1e: {  	s7 =	smul.u32 @!p0 $0xF7A, s2;
	p2 =	seq.s32 @!p0 s5, $0x0  }
0x1f: {  	s9 =	smul.u32 $0xF7A, s1;
	s8 =	simm.s32 @!p0 $0x1BF5;
	p2 =	por !p2, p0  }
0x20: {  	[sflag:s8] =	ssyncset.s32 @!p0 $0xFFFFF086;
	s6 =	sadd.s32 @!p0 s3, s7;
	s7 =	simm.s32 @!p0 $0x108  }
0x21: {  	s3 =	sadd.s32 s3, s9;
	s6 =	sadd.s32 @!p0 $0x88, s6;
	s7 =	simm.s32 @p2 $0x1082  }
0x22: {  	[simem:s7], [sflag:s8] =	dma.local @!p0 [hbm:s6], $0xF7A  }
0x23: {  	s9 =	sor.u32 $0xD0000000, s2;
	s6 =	simm.s32 $0x108;
	_ =	swait.ge @!p0 [sflag:s8], $0x0  }
0x24: {  	s3 =	sadd.s32 $0x88, s3;
	s6 =	simm.s32 @!p1 $0x1082;
	[sflag:s4] =	ssyncset.s32 $0xFFFFF086  }
0x25: {  	[simem:s6], [sflag:s4] =	dma.local [hbm:s3], $0xF7A  }
0x26: {  	[smem:$0x3F93] =	sst s1;
	(tag) =	ssettag s2;
	_ =	strace s9  }
0x27: {  	s1 =	sld [smem:$0x3FA3]  }
0x28: {  	s2 =	sld [smem:$0x3FA4]  }
0x29: {  	s4 =	sld [smem:$0x3FA6]  }
0x2a: {  	p0 =	seq.s32 s5, $0x0;
	s5 =	sld [smem:$0x3FA7]  }
0x2b: {  	s6 =	sld [smem:$0x3FA8]  }
0x2c: {  	s7 =	sld [smem:$0x3FA9]  }
0x2d: {  	s3 =	simm.s32 $0x108;
	s8 =	sld [smem:$0x3FAA]  }
0x2e: {  	s3 =	simm.s32 @!p0 $0x1082;
	s9 =	sld [smem:$0x3FAB]  }
0x2f: {  	lr =	sadd.s32 s0, s3;
	s0 =	sld [smem:$0x3FA2]  }
0x30: {  	s3 =	sld [smem:$0x3FA5]  }
0x31: {  	[smem:$0x3FAE] =	sst s10  }
0x32: {  	s10 =	sld [smem:$0x3FAC];
	_ =	sdelay $0x3  }
0x33: {  	p0 =	seq.s32 s10, $0x1;
	s10 =	sld [smem:$0x3FAE];
	_ =	sdelay $0x3  }
0x34: {  	[smem:$0x3FAE] =	sst s10  }
0x35: {  	s10 =	sld [smem:$0x3FAD];
	_ =	sdelay $0x3  }
0x36: {  	p1 =	seq.s32 s10, $0x1;
	s10 =	sld [smem:$0x3FAE];
	_ =	sdelay $0x3  }
0x37: {  	[smem:$0x3FAE] =	sst s10  }
0x38: {  	s10 =	sld [smem:$0x3FAF]  }
0x39: {  	_ = 	snop;
	(pc) =	sbr.ind lr, $3  }
0x3a: {  	_ = 	snop  }
0x3b: {  	_ = 	snop  }
0x3c: {  	p2 =	seq.s32 s10, $0x1;
	s10 =	sld [smem:$0x3FAE]  }
0x3d: {  	_ =	shalt  }
0x3e: {  	_ =	shalt  }
0x3f: {  	_ =	shalt  }
0x40: {  	_ =	shalt  }
0x41: {  	_ =	shalt  }
0x42: {  	_ =	shalt  }
0x43: {  	_ =	shalt  }
0x44: {  	_ =	shalt  }
0x45: {  	_ =	shalt  }
0x46: {  	_ =	shalt  }
0x47: {  	_ =	shalt  }
0x48: {  	_ =	shalt  }
0x49: {  	_ =	shalt  }
0x4a: {  	_ =	shalt  }
0x4b: {  	_ =	shalt  }
0x4c: {  	_ =	shalt  }
0x4d: {  	_ =	shalt  }
0x4e: {  	_ =	shalt  }
0x4f: {  	_ =	shalt  }
0x50: {  	_ =	shalt  }
0x51: {  	_ =	shalt  }
0x52: {  	_ =	shalt  }
0x53: {  	_ =	shalt  }
0x54: {  	_ =	shalt  }
0x55: {  	_ =	shalt  }
0x56: {  	_ =	shalt  }
0x57: {  	_ =	shalt  }
0x58: {  	_ =	shalt  }
0x59: {  	_ =	shalt  }
0x5a: {  	_ =	shalt  }
0x5b: {  	_ =	shalt  }
0x5c: {  	_ =	shalt  }
0x5d: {  	_ =	shalt  }
0x5e: {  	_ =	shalt  }
0x5f: {  	_ =	shalt  }
0x60: {  	_ =	shalt  }
0x61: {  	_ =	shalt  }
0x62: {  	_ =	shalt  }
0x63: {  	_ =	shalt  }
0x64: {  	_ =	shalt  }
0x65: {  	_ =	shalt  }
0x66: {  	_ =	shalt  }
0x67: {  	_ =	shalt  }
0x68: {  	_ =	shalt  }
0x69: {  	_ =	shalt  }
0x6a: {  	_ =	shalt  }
0x6b: {  	_ =	shalt  }
0x6c: {  	_ =	shalt  }
0x6d: {  	_ =	shalt  }
0x6e: {  	_ =	shalt  }
0x6f: {  	_ =	shalt  }
0x70: {  	_ =	shalt  }
0x71: {  	_ =	shalt  }
0x72: {  	_ =	shalt  }
0x73: {  	_ =	shalt  }
0x74: {  	_ =	shalt  }
0x75: {  	_ =	shalt  }
0x76: {  	_ =	shalt  }
0x77: {  	_ =	shalt  }
0x78: {  	_ =	shalt  }
0x79: {  	_ =	shalt  }
0x7a: {  	_ =	shalt  }
0x7b: {  	_ =	shalt  }
0x7c: {  	_ =	shalt  }
0x7d: {  	_ =	shalt  }
0x7e: {  	_ =	shalt  }
0x7f: {  	_ =	shalt  }
0x80: {  	_ =	shalt  }
0x81: {  	_ =	shalt  }
0x82: {  	_ =	shalt  }
0x83: {  	_ =	shalt  }
0x84: {  	_ =	shalt  }
0x85: {  	_ =	shalt  }
0x86: {  	_ =	shalt  }
0x87: {  	_ =	shalt  }
.Lfunc_end0:
.L_simem_size_0:
called_computation.1_lowered:
.L_overlay_start_0:
0x88: {  	s2 =	sld [smem:$0x3FD9]  }
0x89: {  	s3 =	sld [smem:$0x3FFE];
	_ =	sdelay $0x1  }
0x8a: {  	s1 =	srdreg.scid  }
0x8b: {  	s0 =	sand.u32 $0x1, s1  }
0x8c: {  	s17 =	sshll.u32 s0, $0xA;
	s2 =	sadd.s32 s3, s2  }
0x8d: {  	s2 =	sadd.s32 s2, s17  }
0x8e: {  	[smem:$0x3FBA] =	sst s2  }
0x8f: {  	_ = 	snop  }
0x90: {  	s2 =	sld [smem:$0x3FD0];
	(tm) =	ssettm $0x1  }
0x91: {  	s18 =	sld [smem:$0x3FFB];
	_ =	sdelay $0x3  }
0x92: {  	_ =	strace s18  }
0x93: {  	s3 =	sld [smem:$0x3FFC];
	_ =	sdelay $0x3  }
0x94: {  	_ =	strace s3  }
0x95: {  	s3 =	sld [smem:$0x3FFD];
	_ =	sdelay $0x3  }
0x96: {  	_ =	strace s3  }
0x97: {  	_ =	strace $0x8FFFFFFF  }
0x98: {  	s19 =	sld [smem:$0x3FDB];
	_ =	sdelay $0x1  }
0x99: {  	s4 =	simm.s32 $_scs_section_size  }
0x9a: {  	s5 =	simm.s32 $_size__tile_overlayer_lowered;
	s6 =	simm.s32 $_tile_overlayer_lowered  }
0x9b: {  	s22 =	simm.s32 $0x1BFF;
	s21 =	sshll.u32 s6, $0x1;
	s3 =	sadd.s32 s4, s19  }
0x9c: {  	s7 =	simm.s32 $0x0;
	s20 =	sshll.u32 s5, $0x1;
	s5 =	sadd.s32 s21, s3  }
0x9d: {  	[timem:s7], [sflag:s22] =	dma.local [hbm:s5], s20  }
0x9e: {  	_ =	swait.ge [sflag:s22], s20  }
0x9f: {  	s4 =	ssub.s32 $0x0, s20;
	[sflag:s22] =	ssyncset.done $0x0  }
0xa0: {  	[sflag:s22] =	ssyncadd.s32 s4;
	_ =	sdelay $0x1  }
0xa1: {  	s23 =	simm.s32 $0x1B8B  }
0xa2: {  	_ =	swait.ge [sflag:s23], $0x1  }
0xa3: {  	[sflag:s23] =	ssyncset.done $0x0  }
0xa4: {  	s25 =	simm.s32 $0x1B8E;
	s24 =	sld [smem:$0x3FFE];
	[sflag:s23] =	ssyncadd.s32 $0xFFFFFFFF  }
0xa5: {  	s26 =	simm.s32 $execute0_lowered;
	[smem:$0x3FD2] =	sst s25  }
0xa6: {  	s5 =	sshll.u32 s26, $0x1;
	_ =	strace $0x80000049;
	[dreg:$0x1] =	wrdreg $0xFFFFFFFF  }
0xa7: {  	s28 =	simm.s32 $_size_execute0_lowered;
	s3 =	sadd.s32 s3, s5;
	[dreg:$0x0] =	wrdreg $0x0  }
0xa8: {  	s5 =	sshll.u32 s28, $0x1;
	[dreg:$0x2] =	wrdreg s3  }
0xa9: {  	[dreg:$0x3] =	wrdreg s5  }
0xaa: {  	[dreg:$0x4] =	wrdreg $0xC0  }
0xab: {  	_ =	task [dreg:s7], $0x5FFFF  }
0xac: {  	[dreg:$0x1] =	wrdreg $0xFFFFFFFF  }
0xad: {  	[dreg:$0x0] =	wrdreg $0x60  }
0xae: {  	[dreg:$0x2] =	wrdreg s2  }
0xaf: {  	[dreg:$0x3] =	wrdreg s24  }
0xb0: {  	[dreg:$0x4] =	wrdreg $0x84000  }
0xb1: {  	[dreg:$0x5] =	wrdreg $0x9  }
0xb2: {  	_ =	task.clear_ibuf [dreg:s7], $0x6FFFF;
	_ =	strace $0x90000049  }
0xb3: {  	s29 =	simm.s32 $0x9;
	_ =	strace $0x8000004B  }
0xb4: {  	_ =	swait.ge [sflag:s29], $0x1  }
0xb5: {  	[sflag:s29] =	ssyncadd.s32 $0xFFFFFFFF  }
0xb6: {  	_ =	strace $0x9000004B  }
0xb7: {  	_ =	sfence  }
0xb8: {  	s30 =	sld [smem:$0x0];
	_ =	sdelay $0x2  }
0xb9: {  	s31 =	sshll.u32 s1, $0xD;
	s1 =	sshrl.u32 s1, $0x2  }
0xba: {  	s3 =	sand.u32 $0x4000, s31;
	s1 =	sadd.s32 s1, s30  }
0xbb: {  	s0 =	sor.u32 s3, s0;
	s1 =	sshll.u32 s1, $0x11  }
0xbc: {  	s0 =	sor.u32 s1, s0  }
0xbd: {  	s0 =	sadd.s32 $0x8F2B, s0  }
0xbe: {  	[sflag:s0] =	ssyncadd.remote.s32 $0x1  }
0xbf: {  	_ =	sfence.sel $0xFFFF  }
0xc0: {  	[dreg:$0x0] =	wrdreg $0xFFFFFFFF;
	(pc) =	sbr.abs _section_cstart, $3  }
0xc1: {  	[dreg:$0x1] =	wrdreg $0xFFFFFFFF  }
0xc2: {  	_ =	task.clear_ibuf [dreg:s7], $0x2FFFF;
	_ =	strace $0x9FFFFFFF  }
0xc3: {  	(tm) =	ssettm $0x7FFFFFFF  }
tec
execute0_lowered:
.L_overlay_start_1:
0x0: {  	(tag) =	ssettag $0x1  }
0x1: {  	s2 =	rddreg [dreg:$0x0]  }
0x2: {  	s0 =	rddreg [dreg:$0x1]  }
0x3: {  	s3 =	rddreg [dreg:$0x2];
	s9 =	stileid.u32  }
0x4: {  	s1 =	srdreg.scid;
	s4 =	simm.s32 $0x0;
	s17 =	simm.s32 $0x3  }
0x5: {  	s18 =	simm.s32 $0x100;
	s20 =	simm.s32 $0x1;
	s21 =	simm.s32 $0x80  }
0x6: {  	s22 =	simm.s32 $0x400;
	s23 =	simm.s32 $0x4400;
	s5 =	smul.u32 $0x13C00, s9  }
0x7: {  	s1 =	sand.u32 $0x1, s1;
	[smem:$0x7FF] =	sst s4;
	s28 =	smul.u32 $0x4F000, s9  }
0x8: {  	s15 =	sadd.s32 $0x2E00, s0;
	s8 =	sshll.u32 s9, $0x1;
	s10 =	smul.u32 $0xDC00, s9  }
0x9: {  	s30 =	sshll.u32 s9, $0x6;
	s6 =	smul.u32 $0x13C000, s1;
	_ =	strace $0x8000004A  }
0xa: {  	s25 =	ssub.s32 $0x2, s1;
	s8 =	sor.u32 s1, s8;
	p0 =	seq.s32 s1, $0x0  }
0xb: {  	s1 =	smul.u32 $0x6E00, s1;
	s7 =	sshrl.u32 s5, $0x3;
	s26 =	sshrl.u32 s25, $0x1  }
0xc: {  	s8 =	smul.u32 $0x6E00, s8;
	s5 =	sadd.s32 s5, s6;
	s24 =	sadd.s32 s7, s0  }
0xd: {  	s13 =	ssub.s32 s25, s26;
	s7 =	sshrl.u32 s28, $0x2;
	s1 =	sadd.s32 s1, s10  }
0xe: {  	s25 =	simm.s32 $0x0;
	s5 =	sshrl.u32 s5, $0x3;
	s16 =	sadd.s32 s7, s3  }
0xf: {  	s29 =	sshrl.u32 s8, $0x3;
	s6 =	sadd.s32 $0x1E600, s24;
	s8 =	sor.u32 $0x1C03, s30  }
0x10: {  	s1 =	sadd.s32 $0x400, s1;
	s13 =	smax.u32 s13, $0x1;
	s24 =	simm.s32 $0x2  }
0x11: {  	s0 =	sadd.s32 s5, s0;
	s5 =	simm.s32 $0x6E;
	s7 =	sadd.s32 s15, s29  }
0x12: {  	s31 =	sshrl.u32 s1, $0x3;
	s16 =	sshrl.u32 s16, $0x3;
	s5 =	simm.s32 @!p0 $0x34  }
0x13: {  	s9 =	sadd.s32 $0x20, s7;
	s10 =	sadd.s32 $0x40, s7;
	s11 =	sadd.s32 $0x60, s7  }
0x14: {  	s12 =	sadd.s32 $0x45E00, s0;
	s15 =	sadd.s32 s31, s15;
	s14 =	sshll.u32 s5, $0xE  }
.LBB2_1:
0x15: {  	[spmem:s16], [sflag:s8] =	dma.local [hbm:s6], $0x2780  }
0x16: {  	_ =	swait.ge [sflag:s17], $0x2780  }
0x17: {  	[sflag:s17] =	ssyncset.done $0x0  }
0x18: {  	[sflag:s17] =	ssyncadd.s32 $0xFFFFD880  }
0x19: {  	[tilespmem:s4], [sflag:$0x1] =	stream.linear.gather [hbm4b:s7+s4], $0x100, $0x38;
	[tilespmem:$0x1C000] =	vst v63  }
0x1a: {  	_ = 	snop  }
0x1b: {  	[tilespmem:s18], [sflag:$0x1] =	stream.linear.gather [hbm4b:s9+s4], $0x100, $0x38;
	[tilespmem:$0x1C000] =	vst v63  }
0x1c: {  	s26 =	simm.s32 $0x200  }
0x1d: {  	[tilespmem:s26], [sflag:$0x1] =	stream.linear.gather [hbm4b:s10+s4], $0x100, $0x38;
	[tilespmem:$0x1C000] =	vst v63  }
0x1e: {  	s0 =	simm.s32 $0x300  }
0x1f: {  	[tilespmem:s0], [sflag:$0x1] =	stream.linear.gather [hbm4b:s11+s4], $0x100, $0x38;
	[tilespmem:$0x1C000] =	vst v63  }
0x20: {  	[bflag:$0x0] =	sbarrier.arrive $0xFFFF  }
0x21: {  	_ =	swait.ge [sflag:s20], $0x100  }
0x22: {  	[sflag:s20] =	ssyncset.done $0x0  }
0x23: {  	[sflag:s20] =	ssyncadd.s32 $0xFFFFFF00  }
0x24: {  	[tilespmem:s22], [sflag:$0x2] =	stream.indirect.gather [hbm4b:s2+s21], $0x80, s4, s21, $0xb8;
	[tilespmem:$0x1C000] =	vst v63  }
0x25: {  	_ =	swait.ge [sflag:s20], $0x100  }
0x26: {  	[sflag:s20] =	ssyncset.done $0x0  }
0x27: {  	[sflag:s20] =	ssyncadd.s32 $0xFFFFFF00  }
0x28: {  	[tilespmem:s23], [sflag:$0x2] =	stream.indirect.gather [hbm4b:s2+s21], $0x80, s18, s21, $0xb8;
	[tilespmem:$0x1C000] =	vst v63  }
0x29: {  	s19 =	simm.s32 $0x0;
	_ =	swait.ge [sflag:s24], $0x4000  }
0x2a: {  	s1 =	sand.u32 $0x4000, s4;
	s0 =	sand.u32 $0x300, s19;
	[sflag:s24] =	ssyncset.done $0x0  }
0x2b: {  	s28 =	sor.u32 $0x400, s1;
	s19 =	sor.u32 $0x80, s0;
	[sflag:s24] =	ssyncadd.s32 $0xFFFFC000  }
0x2c: {  	[spmem:s3] =	stream.indirect.scatter.add.f32 [tilespmem:s28], [sflag:$0x3], $0x80, s19, s21, $0xb8;
	[tilespmem:$0x1C000] =	vst v63  }
0x2d: {  	_ =	swait.ge [sflag:s17], $0x4000  }
0x2e: {  	p1 =	sle.u32 s5, $0x4;
	[sflag:s17] =	ssyncset.done $0x0  }
0x2f: {  	s1 =	simm.s32 @!p1 $0x0;
	[sflag:s17] =	ssyncadd.s32 $0xFFFFC000  }
0x30: {  	[tilespmem:s0], [sflag:$0x1] =	stream.linear.gather @!p1 [hbm4b:s15+s1], $0x100, $0x38;
	[tilespmem:$0x1C000] =	vst v63  }
0x31: {  	p1 =	sne.s32 s14, $0x4000  }
.Ltmp0:
0x32: {  	_ = 	snop;
	(pc) =	sbr.rel @!p1 .LBB2_3-.Ltmp0, $4  }
0x33: {  	p0 =	sle.u32 s5, $0x2  }
0x34: {  	s29 =	simm.s32 $0x4000;
	s0 =	simm.s32 @!p0 $0x1  }
0x35: {  	s30 =	simm.s32 $0x3;
	s31 =	sadd.s32 $0x20, s15;
	_ =	swait.ge @!p0 [sflag:s0], $0x100  }
0x36: {  	s19 =	simm.s32 @!p0 $0x80;
	s1 =	sand.u32 @!p0 $0x300, s26;
	[sflag:s0] =	ssyncset.done @!p0 $0x0  }
.LBB2_2:
0x37: {  	[sflag:s0] =	ssyncadd.s32 @!p0 $0xFFFFFF00  }
0x38: {  	s26 =	sadd.s32 $0x100, s26;
	s0 =	smov.u32 s29;
	s29 =	sadd.s32 $0x4000, s29  }
0x39: {  	[tilespmem:s28], [sflag:$0x2] =	stream.indirect.gather @!p0 [hbm4b:s2+s19], $0x80, s1, s19, $0xb8;
	[tilespmem:$0x1C000] =	vst v63  }
0x3a: {  	s1 =	sadd.s32 $0xFFFFFE00, s26;
	p1 =	sne.s32 s14, s29;
	_ =	swait.ge [sflag:s24], $0x4000  }
0x3b: {  	s0 =	sand.u32 $0x4000, s0;
	s1 =	sand.u32 $0x300, s1;
	[sflag:s24] =	ssyncset.done $0x0  }
0x3c: {  	s28 =	sor.u32 $0x400, s0;
	s0 =	sor.u32 $0x80, s1;
	[sflag:s24] =	ssyncadd.s32 $0xFFFFC000  }
0x3d: {  	[spmem:s3] =	stream.indirect.scatter.add.f32 [tilespmem:s28], [sflag:$0x3], $0x80, s0, s21, $0xb8;
	[tilespmem:$0x1C000] =	vst v63  }
0x3e: {  	s0 =	sadd.s32 $0x2, s30;
	_ =	swait.ge [sflag:s17], $0x4000  }
0x3f: {  	p0 =	sge.u32 s30, s5;
	p2 =	sge.u32 s0, s5;
	[sflag:s17] =	ssyncset.done $0x0  }
.Ltmp1:
0x40: {  	s0 =	simm.s32 @!p2 $0x0;
	[sflag:s17] =	ssyncadd.s32 $0xFFFFC000;
	(pc) =	sbr.rel @p1 .LBB2_2-.Ltmp1, $4  }
0x41: {  	[tilespmem:s1], [sflag:$0x1] =	stream.linear.gather @!p2 [hbm4b:s31+s0], $0x100, $0x38;
	[tilespmem:$0x1C000] =	vst v63  }
0x42: {  	s0 =	simm.s32 @!p0 $0x1  }
0x43: {  	s30 =	sadd.s32 $0x1, s30;
	s31 =	sadd.s32 $0x20, s31;
	_ =	swait.ge @!p0 [sflag:s0], $0x100  }
0x44: {  	s19 =	simm.s32 @!p0 $0x80;
	s1 =	sand.u32 @!p0 $0x300, s26;
	[sflag:s0] =	ssyncset.done @!p0 $0x0  }
.LBB2_3:
0x45: {  	[sflag:s0] =	ssyncadd.s32 @!p0 $0xFFFFFF00;
	s25 =	sadd.s32 $0x1, s25  }
0x46: {  	[tilespmem:s28], [sflag:$0x2] =	stream.indirect.gather @!p0 [hbm4b:s2+s19], $0x80, s1, s19, $0xb8;
	[tilespmem:$0x1C000] =	vst v63  }
0x47: {  	p0 =	sne.s32 s25, s13  }
.Ltmp2:
0x48: {  	[bflag:$0x0] =	sbarrier.arrive $0xFFFF;
	(pc) =	sbr.rel @p0 .LBB2_1-.Ltmp2, $4  }
0x49: {  	[hbm:s12], [sflag:s8] =	dma.local [spmem:s16], $0x2780  }
0x4a: {  	_ =	swait.ge [sflag:s17], $0x2780  }
0x4b: {  	[sflag:s17] =	ssyncset.done $0x0  }
0x4c: {  	[sflag:s17] =	ssyncadd.s32 $0xFFFFD880  }
0x4d: {  	_ =	sfence.sel $0x180000  }
0x4e: {  	[bflag:$0x0] =	sbarrier.arrive $0xFFFF  }
0x4f: {  	_ =	strace $0x9000004A  }
0x50: {  	s0 =	stileid.u32;
	[bflag:$0x2] =	sbarrier.arrive $0xFFFF  }
0x51: {  	p0 =	sne.s32 s0, $0x0;
	s0 =	rddreg [dreg:$0x3]  }
0x52: {  	s0 =	sadd.s32 @!p0 $0x100000, s0  }
0x53: {  	[sflag:s0] =	ssyncadd.tile.s32 @!p0 $0x1;
	_ =	shalt  }
.Lfunc_end2:
_tile_overlayer_lowered:
.L_overlay_start_2:
0x54: {  	(tag) =	ssettag $0x2  }
0x55: {  	s0 =	rddreg [dreg:$0x0];
	s2 =	stileid.u32  }
0x56: {  	s1 =	rddreg [dreg:$0x1];
	p0 =	sne.s32 s2, $0x0  }
0x57: {  	s3 =	rddreg [dreg:$0x2];
	[bflag:$0x3] =	sbarrier.arrive $0xFFFF;
	s2 =	simm.s32 @!p0 $0x1C03  }
0x58: {  	[timem:s3], [sflag:s2] =	dma.local @!p0 [hbm:s0], s1  }
0x59: {  	s0 =	simm.s32 @!p0 $0x3  }
0x5a: {  	_ =	swait.ge @!p0 [sflag:s0], s1  }
0x5b: {  	s1 =	ssub.s32 @!p0 $0x0, s1;
	[sflag:s0] =	ssyncset.done @!p0 $0x0  }
0x5c: {  	[sflag:s0] =	ssyncadd.s32 @!p0 s1  }
0x5d: {  	[bflag:$0x3] =	sbarrier.arrive $0xFFFF  }
0x5e: {  	_ =	shalt  }

// kernel: kernel.16.cloned.1.call-start
scs
__scs_entry_jumppad:
0x0: {  	(pc) =	sbr.rel $0x88, $3  }
0x1: {  	(tag) =	ssettag $0x0;
	lr =	simm.s32 $0x1  }
0x2: {  	[smem:$0x3F93] =	sst lr;
	_ =	strace $0xD0000000  }
0x3: {  	_ = 	snop  }
0x4: {  	_ = 	snop  }
0x5: {  	_ = 	snop  }
0x6: {  	_ = 	snop  }
0x7: {  	_ = 	snop  }
__scs_overlays_trampoline_lowered:
0x8: {  	[smem:$0x3FA2] =	sst s0  }
0x9: {  	[smem:$0x3FA3] =	sst s1  }
0xa: {  	[smem:$0x3FA4] =	sst s2  }
0xb: {  	[smem:$0x3FA5] =	sst s3  }
0xc: {  	[smem:$0x3FA6] =	sst s4  }
0xd: {  	[smem:$0x3FA7] =	sst s5  }
0xe: {  	[smem:$0x3FA8] =	sst s6  }
0xf: {  	[smem:$0x3FA9] =	sst s7  }
0x10: {  	[smem:$0x3FAA] =	sst s8  }
0x11: {  	[smem:$0x3FAB] =	sst s9;
	s0 =	simm.s32 @!p0 $0x0  }
0x12: {  	s1 =	sld [smem:$0x3F91];
	s0 =	simm.s32 @p0 $0x1  }
0x13: {  	[smem:$0x3FAC] =	sst s0;
	s0 =	simm.s32 @!p1 $0x0  }
0x14: {  	s2 =	sld [smem:$0x3F90];
	s0 =	simm.s32 @p1 $0x1  }
0x15: {  	[smem:$0x3FAD] =	sst s0;
	s0 =	simm.s32 @!p2 $0x0  }
0x16: {  	s3 =	sld [smem:$0x3FDB];
	s0 =	simm.s32 @p2 $0x1  }
0x17: {  	s4 =	simm.s32 $0x1BF5;
	[smem:$0x3FAF] =	sst s0  }
0x18: {  	s0 =	sld [smem:$0x3F92];
	_ =	swait.ge [sflag:s4], $0x0  }
0x19: {  	s7 =	sld [smem:$0x3F93]  }
0x1a: {  	s8 =	sadd.s32 $0xFFFFE003, lr  }
0x1b: {  	s9 =	sadd.s32 $0xFFFFFEF7, lr;
	s5 =	simm.s32 $0xFFFFFFFF;
	p2 =	slt.u32 s8, $0xFFFFF086  }
0x1c: {  	p1 =	slt.u32 s9, $0xF7A;
	s5 =	simm.s32 @!p2 $0x0  }
0x1d: {  	s5 =	simm.s32 @p1 $0x1;
	p0 =	seq.s32 s7, s2  }
0x1e: {  	s7 =	smul.u32 @!p0 $0xF7A, s2;
	p2 =	seq.s32 @!p0 s5, $0x0  }
0x1f: {  	s9 =	smul.u32 $0xF7A, s1;
	s8 =	simm.s32 @!p0 $0x1BF5;
	p2 =	por !p2, p0  }
0x20: {  	[sflag:s8] =	ssyncset.s32 @!p0 $0xFFFFF086;
	s6 =	sadd.s32 @!p0 s3, s7;
	s7 =	simm.s32 @!p0 $0x108  }
0x21: {  	s3 =	sadd.s32 s3, s9;
	s6 =	sadd.s32 @!p0 $0x88, s6;
	s7 =	simm.s32 @p2 $0x1082  }
0x22: {  	[simem:s7], [sflag:s8] =	dma.local @!p0 [hbm:s6], $0xF7A  }
0x23: {  	s9 =	sor.u32 $0xD0000000, s2;
	s6 =	simm.s32 $0x108;
	_ =	swait.ge @!p0 [sflag:s8], $0x0  }
0x24: {  	s3 =	sadd.s32 $0x88, s3;
	s6 =	simm.s32 @!p1 $0x1082;
	[sflag:s4] =	ssyncset.s32 $0xFFFFF086  }
0x25: {  	[simem:s6], [sflag:s4] =	dma.local [hbm:s3], $0xF7A  }
0x26: {  	[smem:$0x3F93] =	sst s1;
	(tag) =	ssettag s2;
	_ =	strace s9  }
0x27: {  	s1 =	sld [smem:$0x3FA3]  }
0x28: {  	s2 =	sld [smem:$0x3FA4]  }
0x29: {  	s4 =	sld [smem:$0x3FA6]  }
0x2a: {  	p0 =	seq.s32 s5, $0x0;
	s5 =	sld [smem:$0x3FA7]  }
0x2b: {  	s6 =	sld [smem:$0x3FA8]  }
0x2c: {  	s7 =	sld [smem:$0x3FA9]  }
0x2d: {  	s3 =	simm.s32 $0x108;
	s8 =	sld [smem:$0x3FAA]  }
0x2e: {  	s3 =	simm.s32 @!p0 $0x1082;
	s9 =	sld [smem:$0x3FAB]  }
0x2f: {  	lr =	sadd.s32 s0, s3;
	s0 =	sld [smem:$0x3FA2]  }
0x30: {  	s3 =	sld [smem:$0x3FA5]  }
0x31: {  	[smem:$0x3FAE] =	sst s10  }
0x32: {  	s10 =	sld [smem:$0x3FAC];
	_ =	sdelay $0x3  }
0x33: {  	p0 =	seq.s32 s10, $0x1;
	s10 =	sld [smem:$0x3FAE];
	_ =	sdelay $0x3  }
0x34: {  	[smem:$0x3FAE] =	sst s10  }
0x35: {  	s10 =	sld [smem:$0x3FAD];
	_ =	sdelay $0x3  }
0x36: {  	p1 =	seq.s32 s10, $0x1;
	s10 =	sld [smem:$0x3FAE];
	_ =	sdelay $0x3  }
0x37: {  	[smem:$0x3FAE] =	sst s10  }
0x38: {  	s10 =	sld [smem:$0x3FAF]  }
0x39: {  	_ = 	snop;
	(pc) =	sbr.ind lr, $3  }
0x3a: {  	_ = 	snop  }
0x3b: {  	_ = 	snop  }
0x3c: {  	p2 =	seq.s32 s10, $0x1;
	s10 =	sld [smem:$0x3FAE]  }
0x3d: {  	_ =	shalt  }
0x3e: {  	_ =	shalt  }
0x3f: {  	_ =	shalt  }
0x40: {  	_ =	shalt  }
0x41: {  	_ =	shalt  }
0x42: {  	_ =	shalt  }
0x43: {  	_ =	shalt  }
0x44: {  	_ =	shalt  }
0x45: {  	_ =	shalt  }
0x46: {  	_ =	shalt  }
0x47: {  	_ =	shalt  }
0x48: {  	_ =	shalt  }
0x49: {  	_ =	shalt  }
0x4a: {  	_ =	shalt  }
0x4b: {  	_ =	shalt  }
0x4c: {  	_ =	shalt  }
0x4d: {  	_ =	shalt  }
0x4e: {  	_ =	shalt  }
0x4f: {  	_ =	shalt  }
0x50: {  	_ =	shalt  }
0x51: {  	_ =	shalt  }
0x52: {  	_ =	shalt  }
0x53: {  	_ =	shalt  }
0x54: {  	_ =	shalt  }
0x55: {  	_ =	shalt  }
0x56: {  	_ =	shalt  }
0x57: {  	_ =	shalt  }
0x58: {  	_ =	shalt  }
0x59: {  	_ =	shalt  }
0x5a: {  	_ =	shalt  }
0x5b: {  	_ =	shalt  }
0x5c: {  	_ =	shalt  }
0x5d: {  	_ =	shalt  }
0x5e: {  	_ =	shalt  }
0x5f: {  	_ =	shalt  }
0x60: {  	_ =	shalt  }
0x61: {  	_ =	shalt  }
0x62: {  	_ =	shalt  }
0x63: {  	_ =	shalt  }
0x64: {  	_ =	shalt  }
0x65: {  	_ =	shalt  }
0x66: {  	_ =	shalt  }
0x67: {  	_ =	shalt  }
0x68: {  	_ =	shalt  }
0x69: {  	_ =	shalt  }
0x6a: {  	_ =	shalt  }
0x6b: {  	_ =	shalt  }
0x6c: {  	_ =	shalt  }
0x6d: {  	_ =	shalt  }
0x6e: {  	_ =	shalt  }
0x6f: {  	_ =	shalt  }
0x70: {  	_ =	shalt  }
0x71: {  	_ =	shalt  }
0x72: {  	_ =	shalt  }
0x73: {  	_ =	shalt  }
0x74: {  	_ =	shalt  }
0x75: {  	_ =	shalt  }
0x76: {  	_ =	shalt  }
0x77: {  	_ =	shalt  }
0x78: {  	_ =	shalt  }
0x79: {  	_ =	shalt  }
0x7a: {  	_ =	shalt  }
0x7b: {  	_ =	shalt  }
0x7c: {  	_ =	shalt  }
0x7d: {  	_ =	shalt  }
0x7e: {  	_ =	shalt  }
0x7f: {  	_ =	shalt  }
0x80: {  	_ =	shalt  }
0x81: {  	_ =	shalt  }
0x82: {  	_ =	shalt  }
0x83: {  	_ =	shalt  }
0x84: {  	_ =	shalt  }
0x85: {  	_ =	shalt  }
0x86: {  	_ =	shalt  }
0x87: {  	_ =	shalt  }
.Lfunc_end0:
.L_simem_size_0:
called_computation.2_lowered:
.L_overlay_start_0:
0x88: {  	s2 =	sld [smem:$0x3FD9]  }
0x89: {  	s3 =	sld [smem:$0x3FFE];
	_ =	sdelay $0x1  }
0x8a: {  	s1 =	srdreg.scid  }
0x8b: {  	s0 =	sand.u32 $0x1, s1  }
0x8c: {  	s17 =	sshll.u32 s0, $0xA;
	s2 =	sadd.s32 s3, s2  }
0x8d: {  	s2 =	sadd.s32 s2, s17  }
0x8e: {  	[smem:$0x3FBA] =	sst s2  }
0x8f: {  	_ = 	snop  }
0x90: {  	s2 =	sld [smem:$0x3FD0];
	(tm) =	ssettm $0x1  }
0x91: {  	s18 =	sld [smem:$0x3FFB];
	_ =	sdelay $0x3  }
0x92: {  	_ =	strace s18  }
0x93: {  	s3 =	sld [smem:$0x3FFC];
	_ =	sdelay $0x3  }
0x94: {  	_ =	strace s3  }
0x95: {  	s3 =	sld [smem:$0x3FFD];
	_ =	sdelay $0x3  }
0x96: {  	_ =	strace s3  }
0x97: {  	_ =	strace $0x8FFFFFFF  }
0x98: {  	s19 =	sld [smem:$0x3FDB];
	_ =	sdelay $0x1  }
0x99: {  	s4 =	simm.s32 $_scs_section_size  }
0x9a: {  	s5 =	simm.s32 $_size__tile_overlayer_lowered;
	s6 =	simm.s32 $_tile_overlayer_lowered  }
0x9b: {  	s22 =	simm.s32 $0x1BFF;
	s21 =	sshll.u32 s6, $0x1;
	s3 =	sadd.s32 s4, s19  }
0x9c: {  	s7 =	simm.s32 $0x0;
	s20 =	sshll.u32 s5, $0x1;
	s5 =	sadd.s32 s21, s3  }
0x9d: {  	[timem:s7], [sflag:s22] =	dma.local [hbm:s5], s20  }
0x9e: {  	_ =	swait.ge [sflag:s22], s20  }
0x9f: {  	s4 =	ssub.s32 $0x0, s20;
	[sflag:s22] =	ssyncset.done $0x0  }
0xa0: {  	[sflag:s22] =	ssyncadd.s32 s4;
	_ =	sdelay $0x1  }
0xa1: {  	s23 =	simm.s32 $0x1B8B  }
0xa2: {  	_ =	swait.ge [sflag:s23], $0x1  }
0xa3: {  	[sflag:s23] =	ssyncset.done $0x0  }
0xa4: {  	s25 =	simm.s32 $0x1B8E;
	s24 =	sld [smem:$0x3FFE];
	[sflag:s23] =	ssyncadd.s32 $0xFFFFFFFF  }
0xa5: {  	s26 =	simm.s32 $execute0_lowered;
	[smem:$0x3FD2] =	sst s25  }
0xa6: {  	s5 =	sshll.u32 s26, $0x1;
	_ =	strace $0x8000004C;
	[dreg:$0x1] =	wrdreg $0xFFFFFFFF  }
0xa7: {  	s28 =	simm.s32 $_size_execute0_lowered;
	s3 =	sadd.s32 s3, s5;
	[dreg:$0x0] =	wrdreg $0x0  }
0xa8: {  	s5 =	sshll.u32 s28, $0x1;
	[dreg:$0x2] =	wrdreg s3  }
0xa9: {  	[dreg:$0x3] =	wrdreg s5  }
0xaa: {  	[dreg:$0x4] =	wrdreg $0xC0  }
0xab: {  	_ =	task [dreg:s7], $0x5FFFF  }
0xac: {  	[dreg:$0x1] =	wrdreg $0xFFFFFFFF  }
0xad: {  	[dreg:$0x0] =	wrdreg $0x60  }
0xae: {  	[dreg:$0x2] =	wrdreg s2  }
0xaf: {  	[dreg:$0x3] =	wrdreg s24  }
0xb0: {  	[dreg:$0x4] =	wrdreg $0x84000  }
0xb1: {  	[dreg:$0x5] =	wrdreg $0x9  }
0xb2: {  	_ =	task.clear_ibuf [dreg:s7], $0x6FFFF;
	_ =	strace $0x9000004C  }
0xb3: {  	s29 =	simm.s32 $0x9;
	_ =	strace $0x8000004E  }
0xb4: {  	_ =	swait.ge [sflag:s29], $0x1  }
0xb5: {  	[sflag:s29] =	ssyncadd.s32 $0xFFFFFFFF  }
0xb6: {  	_ =	strace $0x9000004E  }
0xb7: {  	_ =	sfence  }
0xb8: {  	s30 =	sld [smem:$0x0];
	_ =	sdelay $0x2  }
0xb9: {  	s31 =	sshll.u32 s1, $0xD;
	s1 =	sshrl.u32 s1, $0x2  }
0xba: {  	s3 =	sand.u32 $0x4000, s31;
	s1 =	sadd.s32 s1, s30  }
0xbb: {  	s0 =	sor.u32 s3, s0;
	s1 =	sshll.u32 s1, $0x11  }
0xbc: {  	s0 =	sor.u32 s1, s0  }
0xbd: {  	s0 =	sadd.s32 $0x8F2B, s0  }
0xbe: {  	[sflag:s0] =	ssyncadd.remote.s32 $0x1  }
0xbf: {  	_ =	sfence.sel $0xFFFF  }
0xc0: {  	[dreg:$0x0] =	wrdreg $0xFFFFFFFF;
	(pc) =	sbr.abs _section_cstart, $3  }
0xc1: {  	[dreg:$0x1] =	wrdreg $0xFFFFFFFF  }
0xc2: {  	_ =	task.clear_ibuf [dreg:s7], $0x2FFFF;
	_ =	strace $0x9FFFFFFF  }
0xc3: {  	(tm) =	ssettm $0x7FFFFFFF  }
tec
execute0_lowered:
.L_overlay_start_1:
0x0: {  	(tag) =	ssettag $0x1  }
0x1: {  	s2 =	rddreg [dreg:$0x0]  }
0x2: {  	s0 =	rddreg [dreg:$0x1]  }
0x3: {  	s3 =	rddreg [dreg:$0x2];
	s9 =	stileid.u32  }
0x4: {  	s1 =	srdreg.scid;
	s4 =	simm.s32 $0x0;
	s17 =	simm.s32 $0x3  }
0x5: {  	s18 =	simm.s32 $0x100;
	s20 =	simm.s32 $0x1;
	s21 =	simm.s32 $0x80  }
0x6: {  	s22 =	simm.s32 $0x400;
	s23 =	simm.s32 $0x4400;
	s5 =	smul.u32 $0x13C00, s9  }
0x7: {  	s1 =	sand.u32 $0x1, s1;
	[smem:$0x7FF] =	sst s4;
	s28 =	smul.u32 $0x4F000, s9  }
0x8: {  	s15 =	sadd.s32 $0x2E00, s0;
	s8 =	sshll.u32 s9, $0x1;
	s10 =	smul.u32 $0xDC00, s9  }
0x9: {  	s30 =	sshll.u32 s9, $0x6;
	s6 =	smul.u32 $0x13C000, s1;
	_ =	strace $0x8000004D  }
0xa: {  	s25 =	ssub.s32 $0x2, s1;
	s8 =	sor.u32 s1, s8;
	p0 =	seq.s32 s1, $0x0  }
0xb: {  	s1 =	smul.u32 $0x6E00, s1;
	s7 =	sshrl.u32 s5, $0x3;
	s26 =	sshrl.u32 s25, $0x1  }
0xc: {  	s8 =	smul.u32 $0x6E00, s8;
	s5 =	sadd.s32 s5, s6;
	s24 =	sadd.s32 s7, s0  }
0xd: {  	s13 =	ssub.s32 s25, s26;
	s7 =	sshrl.u32 s28, $0x2;
	s1 =	sadd.s32 s1, s10  }
0xe: {  	s25 =	simm.s32 $0x0;
	s5 =	sshrl.u32 s5, $0x3;
	s16 =	sadd.s32 s7, s3  }
0xf: {  	s29 =	sshrl.u32 s8, $0x3;
	s6 =	sadd.s32 $0x1E600, s24;
	s8 =	sor.u32 $0x1C03, s30  }
0x10: {  	s1 =	sadd.s32 $0x400, s1;
	s13 =	smax.u32 s13, $0x1;
	s24 =	simm.s32 $0x2  }
0x11: {  	s0 =	sadd.s32 s5, s0;
	s5 =	simm.s32 $0x6E;
	s7 =	sadd.s32 s15, s29  }
0x12: {  	s31 =	sshrl.u32 s1, $0x3;
	s16 =	sshrl.u32 s16, $0x3;
	s5 =	simm.s32 @!p0 $0x34  }
0x13: {  	s9 =	sadd.s32 $0x20, s7;
	s10 =	sadd.s32 $0x40, s7;
	s11 =	sadd.s32 $0x60, s7  }
0x14: {  	s12 =	sadd.s32 $0x45E00, s0;
	s15 =	sadd.s32 s31, s15;
	s14 =	sshll.u32 s5, $0xE  }
.LBB2_1:
0x15: {  	[spmem:s16], [sflag:s8] =	dma.local [hbm:s6], $0x2780  }
0x16: {  	_ =	swait.ge [sflag:s17], $0x2780  }
0x17: {  	[sflag:s17] =	ssyncset.done $0x0  }
0x18: {  	[sflag:s17] =	ssyncadd.s32 $0xFFFFD880  }
0x19: {  	[tilespmem:s4], [sflag:$0x1] =	stream.linear.gather [hbm4b:s7+s4], $0x100, $0x38;
	[tilespmem:$0x1C000] =	vst v63  }
0x1a: {  	_ = 	snop  }
0x1b: {  	[tilespmem:s18], [sflag:$0x1] =	stream.linear.gather [hbm4b:s9+s4], $0x100, $0x38;
	[tilespmem:$0x1C000] =	vst v63  }
0x1c: {  	s26 =	simm.s32 $0x200  }
0x1d: {  	[tilespmem:s26], [sflag:$0x1] =	stream.linear.gather [hbm4b:s10+s4], $0x100, $0x38;
	[tilespmem:$0x1C000] =	vst v63  }
0x1e: {  	s0 =	simm.s32 $0x300  }
0x1f: {  	[tilespmem:s0], [sflag:$0x1] =	stream.linear.gather [hbm4b:s11+s4], $0x100, $0x38;
	[tilespmem:$0x1C000] =	vst v63  }
0x20: {  	[bflag:$0x0] =	sbarrier.arrive $0xFFFF  }
0x21: {  	_ =	swait.ge [sflag:s20], $0x100  }
0x22: {  	[sflag:s20] =	ssyncset.done $0x0  }
0x23: {  	[sflag:s20] =	ssyncadd.s32 $0xFFFFFF00  }
0x24: {  	[tilespmem:s22], [sflag:$0x2] =	stream.indirect.gather [hbm4b:s2+s21], $0x80, s4, s21, $0xb8;
	[tilespmem:$0x1C000] =	vst v63  }
0x25: {  	_ =	swait.ge [sflag:s20], $0x100  }
0x26: {  	[sflag:s20] =	ssyncset.done $0x0  }
0x27: {  	[sflag:s20] =	ssyncadd.s32 $0xFFFFFF00  }
0x28: {  	[tilespmem:s23], [sflag:$0x2] =	stream.indirect.gather [hbm4b:s2+s21], $0x80, s18, s21, $0xb8;
	[tilespmem:$0x1C000] =	vst v63  }
0x29: {  	s19 =	simm.s32 $0x0;
	_ =	swait.ge [sflag:s24], $0x4000  }
0x2a: {  	s1 =	sand.u32 $0x4000, s4;
	s0 =	sand.u32 $0x300, s19;
	[sflag:s24] =	ssyncset.done $0x0  }
0x2b: {  	s28 =	sor.u32 $0x400, s1;
	s19 =	sor.u32 $0x80, s0;
	[sflag:s24] =	ssyncadd.s32 $0xFFFFC000  }
0x2c: {  	[spmem:s3] =	stream.indirect.scatter.add.f32 [tilespmem:s28], [sflag:$0x3], $0x80, s19, s21, $0xb8;
	[tilespmem:$0x1C000] =	vst v63  }
0x2d: {  	_ =	swait.ge [sflag:s17], $0x4000  }
0x2e: {  	p1 =	sle.u32 s5, $0x4;
	[sflag:s17] =	ssyncset.done $0x0  }
0x2f: {  	s1 =	simm.s32 @!p1 $0x0;
	[sflag:s17] =	ssyncadd.s32 $0xFFFFC000  }
0x30: {  	[tilespmem:s0], [sflag:$0x1] =	stream.linear.gather @!p1 [hbm4b:s15+s1], $0x100, $0x38;
	[tilespmem:$0x1C000] =	vst v63  }
0x31: {  	p1 =	sne.s32 s14, $0x4000  }
.Ltmp0:
0x32: {  	_ = 	snop;
	(pc) =	sbr.rel @!p1 .LBB2_3-.Ltmp0, $4  }
0x33: {  	p0 =	sle.u32 s5, $0x2  }
0x34: {  	s29 =	simm.s32 $0x4000;
	s0 =	simm.s32 @!p0 $0x1  }
0x35: {  	s30 =	simm.s32 $0x3;
	s31 =	sadd.s32 $0x20, s15;
	_ =	swait.ge @!p0 [sflag:s0], $0x100  }
0x36: {  	s19 =	simm.s32 @!p0 $0x80;
	s1 =	sand.u32 @!p0 $0x300, s26;
	[sflag:s0] =	ssyncset.done @!p0 $0x0  }
.LBB2_2:
0x37: {  	[sflag:s0] =	ssyncadd.s32 @!p0 $0xFFFFFF00  }
0x38: {  	s26 =	sadd.s32 $0x100, s26;
	s0 =	smov.u32 s29;
	s29 =	sadd.s32 $0x4000, s29  }
0x39: {  	[tilespmem:s28], [sflag:$0x2] =	stream.indirect.gather @!p0 [hbm4b:s2+s19], $0x80, s1, s19, $0xb8;
	[tilespmem:$0x1C000] =	vst v63  }
0x3a: {  	s1 =	sadd.s32 $0xFFFFFE00, s26;
	p1 =	sne.s32 s14, s29;
	_ =	swait.ge [sflag:s24], $0x4000  }
0x3b: {  	s0 =	sand.u32 $0x4000, s0;
	s1 =	sand.u32 $0x300, s1;
	[sflag:s24] =	ssyncset.done $0x0  }
0x3c: {  	s28 =	sor.u32 $0x400, s0;
	s0 =	sor.u32 $0x80, s1;
	[sflag:s24] =	ssyncadd.s32 $0xFFFFC000  }
0x3d: {  	[spmem:s3] =	stream.indirect.scatter.add.f32 [tilespmem:s28], [sflag:$0x3], $0x80, s0, s21, $0xb8;
	[tilespmem:$0x1C000] =	vst v63  }
0x3e: {  	s0 =	sadd.s32 $0x2, s30;
	_ =	swait.ge [sflag:s17], $0x4000  }
0x3f: {  	p0 =	sge.u32 s30, s5;
	p2 =	sge.u32 s0, s5;
	[sflag:s17] =	ssyncset.done $0x0  }
.Ltmp1:
0x40: {  	s0 =	simm.s32 @!p2 $0x0;
	[sflag:s17] =	ssyncadd.s32 $0xFFFFC000;
	(pc) =	sbr.rel @p1 .LBB2_2-.Ltmp1, $4  }
0x41: {  	[tilespmem:s1], [sflag:$0x1] =	stream.linear.gather @!p2 [hbm4b:s31+s0], $0x100, $0x38;
	[tilespmem:$0x1C000] =	vst v63  }
0x42: {  	s0 =	simm.s32 @!p0 $0x1  }
0x43: {  	s30 =	sadd.s32 $0x1, s30;
	s31 =	sadd.s32 $0x20, s31;
	_ =	swait.ge @!p0 [sflag:s0], $0x100  }
0x44: {  	s19 =	simm.s32 @!p0 $0x80;
	s1 =	sand.u32 @!p0 $0x300, s26;
	[sflag:s0] =	ssyncset.done @!p0 $0x0  }
.LBB2_3:
0x45: {  	[sflag:s0] =	ssyncadd.s32 @!p0 $0xFFFFFF00;
	s25 =	sadd.s32 $0x1, s25  }
0x46: {  	[tilespmem:s28], [sflag:$0x2] =	stream.indirect.gather @!p0 [hbm4b:s2+s19], $0x80, s1, s19, $0xb8;
	[tilespmem:$0x1C000] =	vst v63  }
0x47: {  	p0 =	sne.s32 s25, s13  }
.Ltmp2:
0x48: {  	[bflag:$0x0] =	sbarrier.arrive $0xFFFF;
	(pc) =	sbr.rel @p0 .LBB2_1-.Ltmp2, $4  }
0x49: {  	[hbm:s12], [sflag:s8] =	dma.local [spmem:s16], $0x2780  }
0x4a: {  	_ =	swait.ge [sflag:s17], $0x2780  }
0x4b: {  	[sflag:s17] =	ssyncset.done $0x0  }
0x4c: {  	[sflag:s17] =	ssyncadd.s32 $0xFFFFD880  }
0x4d: {  	_ =	sfence.sel $0x180000  }
0x4e: {  	[bflag:$0x0] =	sbarrier.arrive $0xFFFF  }
0x4f: {  	_ =	strace $0x9000004D  }
0x50: {  	s0 =	stileid.u32;
	[bflag:$0x2] =	sbarrier.arrive $0xFFFF  }
0x51: {  	p0 =	sne.s32 s0, $0x0;
	s0 =	rddreg [dreg:$0x3]  }
0x52: {  	s0 =	sadd.s32 @!p0 $0x100000, s0  }
0x53: {  	[sflag:s0] =	ssyncadd.tile.s32 @!p0 $0x1;
	_ =	shalt  }
.Lfunc_end2:
_tile_overlayer_lowered:
.L_overlay_start_2:
0x54: {  	(tag) =	ssettag $0x2  }
0x55: {  	s0 =	rddreg [dreg:$0x0];
	s2 =	stileid.u32  }
0x56: {  	s1 =	rddreg [dreg:$0x1];
	p0 =	sne.s32 s2, $0x0  }
0x57: {  	s3 =	rddreg [dreg:$0x2];
	[bflag:$0x3] =	sbarrier.arrive $0xFFFF;
	s2 =	simm.s32 @!p0 $0x1C03  }
0x58: {  	[timem:s3], [sflag:s2] =	dma.local @!p0 [hbm:s0], s1  }
0x59: {  	s0 =	simm.s32 @!p0 $0x3  }
0x5a: {  	_ =	swait.ge @!p0 [sflag:s0], s1  }
0x5b: {  	s1 =	ssub.s32 @!p0 $0x0, s1;
	[sflag:s0] =	ssyncset.done @!p0 $0x0  }
0x5c: {  	[sflag:s0] =	ssyncadd.s32 @!p0 s1  }
0x5d: {  	[bflag:$0x3] =	sbarrier.arrive $0xFFFF  }
0x5e: {  	_ =	shalt  }

// kernel: kernel.19.cloned.1.call-start
scs
__scs_entry_jumppad:
0x0: {  	(pc) =	sbr.rel $0x88, $3  }
0x1: {  	(tag) =	ssettag $0x0;
	lr =	simm.s32 $0x1  }
0x2: {  	[smem:$0x3F93] =	sst lr;
	_ =	strace $0xD0000000  }
0x3: {  	_ = 	snop  }
0x4: {  	_ = 	snop  }
0x5: {  	_ = 	snop  }
0x6: {  	_ = 	snop  }
0x7: {  	_ = 	snop  }
__scs_overlays_trampoline_lowered:
0x8: {  	[smem:$0x3FA2] =	sst s0  }
0x9: {  	[smem:$0x3FA3] =	sst s1  }
0xa: {  	[smem:$0x3FA4] =	sst s2  }
0xb: {  	[smem:$0x3FA5] =	sst s3  }
0xc: {  	[smem:$0x3FA6] =	sst s4  }
0xd: {  	[smem:$0x3FA7] =	sst s5  }
0xe: {  	[smem:$0x3FA8] =	sst s6  }
0xf: {  	[smem:$0x3FA9] =	sst s7  }
0x10: {  	[smem:$0x3FAA] =	sst s8  }
0x11: {  	[smem:$0x3FAB] =	sst s9;
	s0 =	simm.s32 @!p0 $0x0  }
0x12: {  	s1 =	sld [smem:$0x3F91];
	s0 =	simm.s32 @p0 $0x1  }
0x13: {  	[smem:$0x3FAC] =	sst s0;
	s0 =	simm.s32 @!p1 $0x0  }
0x14: {  	s2 =	sld [smem:$0x3F90];
	s0 =	simm.s32 @p1 $0x1  }
0x15: {  	[smem:$0x3FAD] =	sst s0;
	s0 =	simm.s32 @!p2 $0x0  }
0x16: {  	s3 =	sld [smem:$0x3FDB];
	s0 =	simm.s32 @p2 $0x1  }
0x17: {  	s4 =	simm.s32 $0x1BF5;
	[smem:$0x3FAF] =	sst s0  }
0x18: {  	s0 =	sld [smem:$0x3F92];
	_ =	swait.ge [sflag:s4], $0x0  }
0x19: {  	s7 =	sld [smem:$0x3F93]  }
0x1a: {  	s8 =	sadd.s32 $0xFFFFE003, lr  }
0x1b: {  	s9 =	sadd.s32 $0xFFFFFEF7, lr;
	s5 =	simm.s32 $0xFFFFFFFF;
	p2 =	slt.u32 s8, $0xFFFFF086  }
0x1c: {  	p1 =	slt.u32 s9, $0xF7A;
	s5 =	simm.s32 @!p2 $0x0  }
0x1d: {  	s5 =	simm.s32 @p1 $0x1;
	p0 =	seq.s32 s7, s2  }
0x1e: {  	s7 =	smul.u32 @!p0 $0xF7A, s2;
	p2 =	seq.s32 @!p0 s5, $0x0  }
0x1f: {  	s9 =	smul.u32 $0xF7A, s1;
	s8 =	simm.s32 @!p0 $0x1BF5;
	p2 =	por !p2, p0  }
0x20: {  	[sflag:s8] =	ssyncset.s32 @!p0 $0xFFFFF086;
	s6 =	sadd.s32 @!p0 s3, s7;
	s7 =	simm.s32 @!p0 $0x108  }
0x21: {  	s3 =	sadd.s32 s3, s9;
	s6 =	sadd.s32 @!p0 $0x88, s6;
	s7 =	simm.s32 @p2 $0x1082  }
0x22: {  	[simem:s7], [sflag:s8] =	dma.local @!p0 [hbm:s6], $0xF7A  }
0x23: {  	s9 =	sor.u32 $0xD0000000, s2;
	s6 =	simm.s32 $0x108;
	_ =	swait.ge @!p0 [sflag:s8], $0x0  }
0x24: {  	s3 =	sadd.s32 $0x88, s3;
	s6 =	simm.s32 @!p1 $0x1082;
	[sflag:s4] =	ssyncset.s32 $0xFFFFF086  }
0x25: {  	[simem:s6], [sflag:s4] =	dma.local [hbm:s3], $0xF7A  }
0x26: {  	[smem:$0x3F93] =	sst s1;
	(tag) =	ssettag s2;
	_ =	strace s9  }
0x27: {  	s1 =	sld [smem:$0x3FA3]  }
0x28: {  	s2 =	sld [smem:$0x3FA4]  }
0x29: {  	s4 =	sld [smem:$0x3FA6]  }
0x2a: {  	p0 =	seq.s32 s5, $0x0;
	s5 =	sld [smem:$0x3FA7]  }
0x2b: {  	s6 =	sld [smem:$0x3FA8]  }
0x2c: {  	s7 =	sld [smem:$0x3FA9]  }
0x2d: {  	s3 =	simm.s32 $0x108;
	s8 =	sld [smem:$0x3FAA]  }
0x2e: {  	s3 =	simm.s32 @!p0 $0x1082;
	s9 =	sld [smem:$0x3FAB]  }
0x2f: {  	lr =	sadd.s32 s0, s3;
	s0 =	sld [smem:$0x3FA2]  }
0x30: {  	s3 =	sld [smem:$0x3FA5]  }
0x31: {  	[smem:$0x3FAE] =	sst s10  }
0x32: {  	s10 =	sld [smem:$0x3FAC];
	_ =	sdelay $0x3  }
0x33: {  	p0 =	seq.s32 s10, $0x1;
	s10 =	sld [smem:$0x3FAE];
	_ =	sdelay $0x3  }
0x34: {  	[smem:$0x3FAE] =	sst s10  }
0x35: {  	s10 =	sld [smem:$0x3FAD];
	_ =	sdelay $0x3  }
0x36: {  	p1 =	seq.s32 s10, $0x1;
	s10 =	sld [smem:$0x3FAE];
	_ =	sdelay $0x3  }
0x37: {  	[smem:$0x3FAE] =	sst s10  }
0x38: {  	s10 =	sld [smem:$0x3FAF]  }
0x39: {  	_ = 	snop;
	(pc) =	sbr.ind lr, $3  }
0x3a: {  	_ = 	snop  }
0x3b: {  	_ = 	snop  }
0x3c: {  	p2 =	seq.s32 s10, $0x1;
	s10 =	sld [smem:$0x3FAE]  }
0x3d: {  	_ =	shalt  }
0x3e: {  	_ =	shalt  }
0x3f: {  	_ =	shalt  }
0x40: {  	_ =	shalt  }
0x41: {  	_ =	shalt  }
0x42: {  	_ =	shalt  }
0x43: {  	_ =	shalt  }
0x44: {  	_ =	shalt  }
0x45: {  	_ =	shalt  }
0x46: {  	_ =	shalt  }
0x47: {  	_ =	shalt  }
0x48: {  	_ =	shalt  }
0x49: {  	_ =	shalt  }
0x4a: {  	_ =	shalt  }
0x4b: {  	_ =	shalt  }
0x4c: {  	_ =	shalt  }
0x4d: {  	_ =	shalt  }
0x4e: {  	_ =	shalt  }
0x4f: {  	_ =	shalt  }
0x50: {  	_ =	shalt  }
0x51: {  	_ =	shalt  }
0x52: {  	_ =	shalt  }
0x53: {  	_ =	shalt  }
0x54: {  	_ =	shalt  }
0x55: {  	_ =	shalt  }
0x56: {  	_ =	shalt  }
0x57: {  	_ =	shalt  }
0x58: {  	_ =	shalt  }
0x59: {  	_ =	shalt  }
0x5a: {  	_ =	shalt  }
0x5b: {  	_ =	shalt  }
0x5c: {  	_ =	shalt  }
0x5d: {  	_ =	shalt  }
0x5e: {  	_ =	shalt  }
0x5f: {  	_ =	shalt  }
0x60: {  	_ =	shalt  }
0x61: {  	_ =	shalt  }
0x62: {  	_ =	shalt  }
0x63: {  	_ =	shalt  }
0x64: {  	_ =	shalt  }
0x65: {  	_ =	shalt  }
0x66: {  	_ =	shalt  }
0x67: {  	_ =	shalt  }
0x68: {  	_ =	shalt  }
0x69: {  	_ =	shalt  }
0x6a: {  	_ =	shalt  }
0x6b: {  	_ =	shalt  }
0x6c: {  	_ =	shalt  }
0x6d: {  	_ =	shalt  }
0x6e: {  	_ =	shalt  }
0x6f: {  	_ =	shalt  }
0x70: {  	_ =	shalt  }
0x71: {  	_ =	shalt  }
0x72: {  	_ =	shalt  }
0x73: {  	_ =	shalt  }
0x74: {  	_ =	shalt  }
0x75: {  	_ =	shalt  }
0x76: {  	_ =	shalt  }
0x77: {  	_ =	shalt  }
0x78: {  	_ =	shalt  }
0x79: {  	_ =	shalt  }
0x7a: {  	_ =	shalt  }
0x7b: {  	_ =	shalt  }
0x7c: {  	_ =	shalt  }
0x7d: {  	_ =	shalt  }
0x7e: {  	_ =	shalt  }
0x7f: {  	_ =	shalt  }
0x80: {  	_ =	shalt  }
0x81: {  	_ =	shalt  }
0x82: {  	_ =	shalt  }
0x83: {  	_ =	shalt  }
0x84: {  	_ =	shalt  }
0x85: {  	_ =	shalt  }
0x86: {  	_ =	shalt  }
0x87: {  	_ =	shalt  }
.Lfunc_end0:
.L_simem_size_0:
called_computation.3_lowered:
.L_overlay_start_0:
0x88: {  	s2 =	sld [smem:$0x3FD9]  }
0x89: {  	s3 =	sld [smem:$0x3FFE];
	_ =	sdelay $0x1  }
0x8a: {  	s1 =	srdreg.scid  }
0x8b: {  	s0 =	sand.u32 $0x1, s1  }
0x8c: {  	s17 =	sshll.u32 s0, $0xA;
	s2 =	sadd.s32 s3, s2  }
0x8d: {  	s2 =	sadd.s32 s2, s17  }
0x8e: {  	[smem:$0x3FBA] =	sst s2  }
0x8f: {  	_ = 	snop  }
0x90: {  	s2 =	sld [smem:$0x3FD0];
	(tm) =	ssettm $0x1  }
0x91: {  	s18 =	sld [smem:$0x3FFB];
	_ =	sdelay $0x3  }
0x92: {  	_ =	strace s18  }
0x93: {  	s3 =	sld [smem:$0x3FFC];
	_ =	sdelay $0x3  }
0x94: {  	_ =	strace s3  }
0x95: {  	s3 =	sld [smem:$0x3FFD];
	_ =	sdelay $0x3  }
0x96: {  	_ =	strace s3  }
0x97: {  	_ =	strace $0x8FFFFFFF  }
0x98: {  	s19 =	sld [smem:$0x3FDB];
	_ =	sdelay $0x1  }
0x99: {  	s4 =	simm.s32 $_scs_section_size  }
0x9a: {  	s5 =	simm.s32 $_size__tile_overlayer_lowered;
	s6 =	simm.s32 $_tile_overlayer_lowered  }
0x9b: {  	s22 =	simm.s32 $0x1BFF;
	s21 =	sshll.u32 s6, $0x1;
	s3 =	sadd.s32 s4, s19  }
0x9c: {  	s7 =	simm.s32 $0x0;
	s20 =	sshll.u32 s5, $0x1;
	s5 =	sadd.s32 s21, s3  }
0x9d: {  	[timem:s7], [sflag:s22] =	dma.local [hbm:s5], s20  }
0x9e: {  	_ =	swait.ge [sflag:s22], s20  }
0x9f: {  	s4 =	ssub.s32 $0x0, s20;
	[sflag:s22] =	ssyncset.done $0x0  }
0xa0: {  	[sflag:s22] =	ssyncadd.s32 s4;
	_ =	sdelay $0x1  }
0xa1: {  	s23 =	simm.s32 $0x1B8B  }
0xa2: {  	_ =	swait.ge [sflag:s23], $0x1  }
0xa3: {  	[sflag:s23] =	ssyncset.done $0x0  }
0xa4: {  	s25 =	simm.s32 $0x1B8E;
	s24 =	sld [smem:$0x3FFE];
	[sflag:s23] =	ssyncadd.s32 $0xFFFFFFFF  }
0xa5: {  	s26 =	simm.s32 $execute0_lowered;
	[smem:$0x3FD2] =	sst s25  }
0xa6: {  	s5 =	sshll.u32 s26, $0x1;
	_ =	strace $0x8000004F;
	[dreg:$0x1] =	wrdreg $0xFFFFFFFF  }
0xa7: {  	s28 =	simm.s32 $_size_execute0_lowered;
	s3 =	sadd.s32 s3, s5;
	[dreg:$0x0] =	wrdreg $0x0  }
0xa8: {  	s5 =	sshll.u32 s28, $0x1;
	[dreg:$0x2] =	wrdreg s3  }
0xa9: {  	[dreg:$0x3] =	wrdreg s5  }
0xaa: {  	[dreg:$0x4] =	wrdreg $0xC0  }
0xab: {  	_ =	task [dreg:s7], $0x5FFFF  }
0xac: {  	[dreg:$0x1] =	wrdreg $0xFFFFFFFF  }
0xad: {  	[dreg:$0x0] =	wrdreg $0x60  }
0xae: {  	[dreg:$0x2] =	wrdreg s2  }
0xaf: {  	[dreg:$0x3] =	wrdreg s24  }
0xb0: {  	[dreg:$0x4] =	wrdreg $0x84000  }
0xb1: {  	[dreg:$0x5] =	wrdreg $0x9  }
0xb2: {  	_ =	task.clear_ibuf [dreg:s7], $0x6FFFF;
	_ =	strace $0x9000004F  }
0xb3: {  	s29 =	simm.s32 $0x9;
	_ =	strace $0x80000051  }
0xb4: {  	_ =	swait.ge [sflag:s29], $0x1  }
0xb5: {  	[sflag:s29] =	ssyncadd.s32 $0xFFFFFFFF  }
0xb6: {  	_ =	strace $0x90000051  }
0xb7: {  	_ =	sfence  }
0xb8: {  	s30 =	sld [smem:$0x0];
	_ =	sdelay $0x2  }
0xb9: {  	s31 =	sshll.u32 s1, $0xD;
	s1 =	sshrl.u32 s1, $0x2  }
0xba: {  	s3 =	sand.u32 $0x4000, s31;
	s1 =	sadd.s32 s1, s30  }
0xbb: {  	s0 =	sor.u32 s3, s0;
	s1 =	sshll.u32 s1, $0x11  }
0xbc: {  	s0 =	sor.u32 s1, s0  }
0xbd: {  	s0 =	sadd.s32 $0x8F2B, s0  }
0xbe: {  	[sflag:s0] =	ssyncadd.remote.s32 $0x1  }
0xbf: {  	_ =	sfence.sel $0xFFFF  }
0xc0: {  	[dreg:$0x0] =	wrdreg $0xFFFFFFFF;
	(pc) =	sbr.abs _section_cstart, $3  }
0xc1: {  	[dreg:$0x1] =	wrdreg $0xFFFFFFFF  }
0xc2: {  	_ =	task.clear_ibuf [dreg:s7], $0x2FFFF;
	_ =	strace $0x9FFFFFFF  }
0xc3: {  	(tm) =	ssettm $0x7FFFFFFF  }
tec
execute0_lowered:
.L_overlay_start_1:
0x0: {  	(tag) =	ssettag $0x1  }
0x1: {  	s2 =	rddreg [dreg:$0x0]  }
0x2: {  	s0 =	rddreg [dreg:$0x1]  }
0x3: {  	s3 =	rddreg [dreg:$0x2];
	s9 =	stileid.u32  }
0x4: {  	s1 =	srdreg.scid;
	s4 =	simm.s32 $0x0;
	s17 =	simm.s32 $0x3  }
0x5: {  	s18 =	simm.s32 $0x100;
	s20 =	simm.s32 $0x1;
	s21 =	simm.s32 $0x80  }
0x6: {  	s22 =	simm.s32 $0x400;
	s23 =	simm.s32 $0x4400;
	s5 =	smul.u32 $0x13C00, s9  }
0x7: {  	s1 =	sand.u32 $0x1, s1;
	[smem:$0x7FF] =	sst s4;
	s28 =	smul.u32 $0x4F000, s9  }
0x8: {  	s15 =	sadd.s32 $0x2E00, s0;
	s8 =	sshll.u32 s9, $0x1;
	s10 =	smul.u32 $0xDC00, s9  }
0x9: {  	s30 =	sshll.u32 s9, $0x6;
	s6 =	smul.u32 $0x13C000, s1;
	_ =	strace $0x80000050  }
0xa: {  	s25 =	ssub.s32 $0x2, s1;
	s8 =	sor.u32 s1, s8;
	p0 =	seq.s32 s1, $0x0  }
0xb: {  	s1 =	smul.u32 $0x6E00, s1;
	s7 =	sshrl.u32 s5, $0x3;
	s26 =	sshrl.u32 s25, $0x1  }
0xc: {  	s8 =	smul.u32 $0x6E00, s8;
	s5 =	sadd.s32 s5, s6;
	s24 =	sadd.s32 s7, s0  }
0xd: {  	s13 =	ssub.s32 s25, s26;
	s7 =	sshrl.u32 s28, $0x2;
	s1 =	sadd.s32 s1, s10  }
0xe: {  	s25 =	simm.s32 $0x0;
	s5 =	sshrl.u32 s5, $0x3;
	s16 =	sadd.s32 s7, s3  }
0xf: {  	s29 =	sshrl.u32 s8, $0x3;
	s6 =	sadd.s32 $0x1E600, s24;
	s8 =	sor.u32 $0x1C03, s30  }
0x10: {  	s1 =	sadd.s32 $0x400, s1;
	s13 =	smax.u32 s13, $0x1;
	s24 =	simm.s32 $0x2  }
0x11: {  	s0 =	sadd.s32 s5, s0;
	s5 =	simm.s32 $0x6E;
	s7 =	sadd.s32 s15, s29  }
0x12: {  	s31 =	sshrl.u32 s1, $0x3;
	s16 =	sshrl.u32 s16, $0x3;
	s5 =	simm.s32 @!p0 $0x34  }
0x13: {  	s9 =	sadd.s32 $0x20, s7;
	s10 =	sadd.s32 $0x40, s7;
	s11 =	sadd.s32 $0x60, s7  }
0x14: {  	s12 =	sadd.s32 $0x45E00, s0;
	s15 =	sadd.s32 s31, s15;
	s14 =	sshll.u32 s5, $0xE  }
.LBB2_1:
0x15: {  	[spmem:s16], [sflag:s8] =	dma.local [hbm:s6], $0x2780  }
0x16: {  	_ =	swait.ge [sflag:s17], $0x2780  }
0x17: {  	[sflag:s17] =	ssyncset.done $0x0  }
0x18: {  	[sflag:s17] =	ssyncadd.s32 $0xFFFFD880  }
0x19: {  	[tilespmem:s4], [sflag:$0x1] =	stream.linear.gather [hbm4b:s7+s4], $0x100, $0x38;
	[tilespmem:$0x1C000] =	vst v63  }
0x1a: {  	_ = 	snop  }
0x1b: {  	[tilespmem:s18], [sflag:$0x1] =	stream.linear.gather [hbm4b:s9+s4], $0x100, $0x38;
	[tilespmem:$0x1C000] =	vst v63  }
0x1c: {  	s26 =	simm.s32 $0x200  }
0x1d: {  	[tilespmem:s26], [sflag:$0x1] =	stream.linear.gather [hbm4b:s10+s4], $0x100, $0x38;
	[tilespmem:$0x1C000] =	vst v63  }
0x1e: {  	s0 =	simm.s32 $0x300  }
0x1f: {  	[tilespmem:s0], [sflag:$0x1] =	stream.linear.gather [hbm4b:s11+s4], $0x100, $0x38;
	[tilespmem:$0x1C000] =	vst v63  }
0x20: {  	[bflag:$0x0] =	sbarrier.arrive $0xFFFF  }
0x21: {  	_ =	swait.ge [sflag:s20], $0x100  }
0x22: {  	[sflag:s20] =	ssyncset.done $0x0  }
0x23: {  	[sflag:s20] =	ssyncadd.s32 $0xFFFFFF00  }
0x24: {  	[tilespmem:s22], [sflag:$0x2] =	stream.indirect.gather [hbm4b:s2+s21], $0x80, s4, s21, $0xb8;
	[tilespmem:$0x1C000] =	vst v63  }
0x25: {  	_ =	swait.ge [sflag:s20], $0x100  }
0x26: {  	[sflag:s20] =	ssyncset.done $0x0  }
0x27: {  	[sflag:s20] =	ssyncadd.s32 $0xFFFFFF00  }
0x28: {  	[tilespmem:s23], [sflag:$0x2] =	stream.indirect.gather [hbm4b:s2+s21], $0x80, s18, s21, $0xb8;
	[tilespmem:$0x1C000] =	vst v63  }
0x29: {  	s19 =	simm.s32 $0x0;
	_ =	swait.ge [sflag:s24], $0x4000  }
0x2a: {  	s1 =	sand.u32 $0x4000, s4;
	s0 =	sand.u32 $0x300, s19;
	[sflag:s24] =	ssyncset.done $0x0  }
0x2b: {  	s28 =	sor.u32 $0x400, s1;
	s19 =	sor.u32 $0x80, s0;
	[sflag:s24] =	ssyncadd.s32 $0xFFFFC000  }
0x2c: {  	[spmem:s3] =	stream.indirect.scatter.add.f32 [tilespmem:s28], [sflag:$0x3], $0x80, s19, s21, $0xb8;
	[tilespmem:$0x1C000] =	vst v63  }
0x2d: {  	_ =	swait.ge [sflag:s17], $0x4000  }
0x2e: {  	p1 =	sle.u32 s5, $0x4;
	[sflag:s17] =	ssyncset.done $0x0  }
0x2f: {  	s1 =	simm.s32 @!p1 $0x0;
	[sflag:s17] =	ssyncadd.s32 $0xFFFFC000  }
0x30: {  	[tilespmem:s0], [sflag:$0x1] =	stream.linear.gather @!p1 [hbm4b:s15+s1], $0x100, $0x38;
	[tilespmem:$0x1C000] =	vst v63  }
0x31: {  	p1 =	sne.s32 s14, $0x4000  }
.Ltmp0:
0x32: {  	_ = 	snop;
	(pc) =	sbr.rel @!p1 .LBB2_3-.Ltmp0, $4  }
0x33: {  	p0 =	sle.u32 s5, $0x2  }
0x34: {  	s29 =	simm.s32 $0x4000;
	s0 =	simm.s32 @!p0 $0x1  }
0x35: {  	s30 =	simm.s32 $0x3;
	s31 =	sadd.s32 $0x20, s15;
	_ =	swait.ge @!p0 [sflag:s0], $0x100  }
0x36: {  	s19 =	simm.s32 @!p0 $0x80;
	s1 =	sand.u32 @!p0 $0x300, s26;
	[sflag:s0] =	ssyncset.done @!p0 $0x0  }
.LBB2_2:
0x37: {  	[sflag:s0] =	ssyncadd.s32 @!p0 $0xFFFFFF00  }
0x38: {  	s26 =	sadd.s32 $0x100, s26;
	s0 =	smov.u32 s29;
	s29 =	sadd.s32 $0x4000, s29  }
0x39: {  	[tilespmem:s28], [sflag:$0x2] =	stream.indirect.gather @!p0 [hbm4b:s2+s19], $0x80, s1, s19, $0xb8;
	[tilespmem:$0x1C000] =	vst v63  }
0x3a: {  	s1 =	sadd.s32 $0xFFFFFE00, s26;
	p1 =	sne.s32 s14, s29;
	_ =	swait.ge [sflag:s24], $0x4000  }
0x3b: {  	s0 =	sand.u32 $0x4000, s0;
	s1 =	sand.u32 $0x300, s1;
	[sflag:s24] =	ssyncset.done $0x0  }
0x3c: {  	s28 =	sor.u32 $0x400, s0;
	s0 =	sor.u32 $0x80, s1;
	[sflag:s24] =	ssyncadd.s32 $0xFFFFC000  }
0x3d: {  	[spmem:s3] =	stream.indirect.scatter.add.f32 [tilespmem:s28], [sflag:$0x3], $0x80, s0, s21, $0xb8;
	[tilespmem:$0x1C000] =	vst v63  }
0x3e: {  	s0 =	sadd.s32 $0x2, s30;
	_ =	swait.ge [sflag:s17], $0x4000  }
0x3f: {  	p0 =	sge.u32 s30, s5;
	p2 =	sge.u32 s0, s5;
	[sflag:s17] =	ssyncset.done $0x0  }
.Ltmp1:
0x40: {  	s0 =	simm.s32 @!p2 $0x0;
	[sflag:s17] =	ssyncadd.s32 $0xFFFFC000;
	(pc) =	sbr.rel @p1 .LBB2_2-.Ltmp1, $4  }
0x41: {  	[tilespmem:s1], [sflag:$0x1] =	stream.linear.gather @!p2 [hbm4b:s31+s0], $0x100, $0x38;
	[tilespmem:$0x1C000] =	vst v63  }
0x42: {  	s0 =	simm.s32 @!p0 $0x1  }
0x43: {  	s30 =	sadd.s32 $0x1, s30;
	s31 =	sadd.s32 $0x20, s31;
	_ =	swait.ge @!p0 [sflag:s0], $0x100  }
0x44: {  	s19 =	simm.s32 @!p0 $0x80;
	s1 =	sand.u32 @!p0 $0x300, s26;
	[sflag:s0] =	ssyncset.done @!p0 $0x0  }
.LBB2_3:
0x45: {  	[sflag:s0] =	ssyncadd.s32 @!p0 $0xFFFFFF00;
	s25 =	sadd.s32 $0x1, s25  }
0x46: {  	[tilespmem:s28], [sflag:$0x2] =	stream.indirect.gather @!p0 [hbm4b:s2+s19], $0x80, s1, s19, $0xb8;
	[tilespmem:$0x1C000] =	vst v63  }
0x47: {  	p0 =	sne.s32 s25, s13  }
.Ltmp2:
0x48: {  	[bflag:$0x0] =	sbarrier.arrive $0xFFFF;
	(pc) =	sbr.rel @p0 .LBB2_1-.Ltmp2, $4  }
0x49: {  	[hbm:s12], [sflag:s8] =	dma.local [spmem:s16], $0x2780  }
0x4a: {  	_ =	swait.ge [sflag:s17], $0x2780  }
0x4b: {  	[sflag:s17] =	ssyncset.done $0x0  }
0x4c: {  	[sflag:s17] =	ssyncadd.s32 $0xFFFFD880  }
0x4d: {  	_ =	sfence.sel $0x180000  }
0x4e: {  	[bflag:$0x0] =	sbarrier.arrive $0xFFFF  }
0x4f: {  	_ =	strace $0x90000050  }
0x50: {  	s0 =	stileid.u32;
	[bflag:$0x2] =	sbarrier.arrive $0xFFFF  }
0x51: {  	p0 =	sne.s32 s0, $0x0;
	s0 =	rddreg [dreg:$0x3]  }
0x52: {  	s0 =	sadd.s32 @!p0 $0x100000, s0  }
0x53: {  	[sflag:s0] =	ssyncadd.tile.s32 @!p0 $0x1;
	_ =	shalt  }
.Lfunc_end2:
_tile_overlayer_lowered:
.L_overlay_start_2:
0x54: {  	(tag) =	ssettag $0x2  }
0x55: {  	s0 =	rddreg [dreg:$0x0];
	s2 =	stileid.u32  }
0x56: {  	s1 =	rddreg [dreg:$0x1];
	p0 =	sne.s32 s2, $0x0  }
0x57: {  	s3 =	rddreg [dreg:$0x2];
	[bflag:$0x3] =	sbarrier.arrive $0xFFFF;
	s2 =	simm.s32 @!p0 $0x1C03  }
0x58: {  	[timem:s3], [sflag:s2] =	dma.local @!p0 [hbm:s0], s1  }
0x59: {  	s0 =	simm.s32 @!p0 $0x3  }
0x5a: {  	_ =	swait.ge @!p0 [sflag:s0], s1  }
0x5b: {  	s1 =	ssub.s32 @!p0 $0x0, s1;
	[sflag:s0] =	ssyncset.done @!p0 $0x0  }
0x5c: {  	[sflag:s0] =	ssyncadd.s32 @!p0 s1  }
0x5d: {  	[bflag:$0x3] =	sbarrier.arrive $0xFFFF  }
0x5e: {  	_ =	shalt  }

</sc_bundles>
